<compile_context>
chip_gen: v7x
topology: tpu7x:2x2x1
jax: 0.10.2.dev20260603
libtpu: 0.0.44.dev20260713+nightly
codegen_flags: <defaults>
</compile_context>

<pallas_src>
import jax
import jax.numpy as jnp
import numpy as np
from jax import lax
from jax.experimental import pallas as pl
from jax.experimental.pallas import tpu as pltpu
from jax.experimental.pallas import tpu_sc as plsc

LOG2PI = float(np.log(2.0 * np.pi))
MAX_LOGIT = 20.0
B = 16
R = 32768
E = 64
K = 16

NUM_WORKERS = 32
CHUNK = R // NUM_WORKERS
F = 8
TC_BLOCK = 1024


def _log_erfc(z):
    az = jnp.abs(z)
    t = 1.0 / (1.0 + 0.5 * az)
    p = t * (1.00002368 + t * (0.37409196 + t * (0.09678418 + t * (
        -0.18628806 + t * (0.27886807 + t * (-1.13520398 + t * (
            1.48851587 + t * (-0.82215223 + t * 0.17087277)))))))) - 1.26551223
    q = p - z * z
    pos = z >= 0.0
    val = jnp.where(pos, t, 2.0 - t * jnp.exp(q))
    return jnp.log(val) + jnp.where(pos, q, 0.0)


def _tile_f(v):
    return jnp.concatenate([v] * F, axis=1)


def _dense_body(x_ref, p_ref, dirs_ref, out_ref, no_ref, w_s, g_s, t_s, y_s,
                p_s):
    dn = (((1,), (1,)), ((), ()))

    @pl.when(pl.program_id(0) == 0)
    def _build_constants():
        s_e = p_ref[0:1, :]
        asig = _tile_f(p_ref[1:2, 0:K])
        mu = _tile_f(p_ref[2:3, 0:K])
        sig = _tile_f(p_ref[3:4, 0:K])
        lam = _tile_f(p_ref[4:5, 0:K])

        dirs = dirs_ref[...]
        unit = dirs * lax.rsqrt(jnp.sum(dirs * dirs, axis=-1, keepdims=True))

        inv_s = 1.0 / s_e
        c_na = -(E / 2.0) * LOG2PI - jnp.sum(jnp.log(s_e), axis=-1,
                                             keepdims=True)
        c_out = c_na - E * float(np.log(2.0))
        c_orth = (-((E - 1) / 2.0) * LOG2PI - (E - 1) * jnp.log(asig))
        inv2sig2 = 1.0 / (2.0 * asig * asig)
        a_k = mu + lam * sig * sig
        c_par = jnp.log(0.5 * lam) - 0.5 * (lam * sig) * (lam * sig)
        inv_sqrt2sig = 1.0 / (float(np.sqrt(2.0)) * sig)

        zk2 = jnp.zeros((K, 2 * E), dtype=jnp.float32)
        up = jnp.concatenate([unit, jnp.zeros((K, E), dtype=jnp.float32)],
                             axis=1)
        wrows = []
        for j in range(F):
            wrows.append(jnp.concatenate(
                [zk2] * j + [up] + [zk2] * (F - 1 - j), axis=1))
        w_s[...] = jnp.concatenate(wrows, axis=0)
        gr = lax.broadcasted_iota(jnp.int32, (F * F, F * 2 * E), 0)
        gc = lax.broadcasted_iota(jnp.int32, (F * F, F * 2 * E), 1)
        same_j = (gr // F) == (gc // (2 * E))
        lane_e = gc - (gc // (2 * E)) * (2 * E)
        invs2_p = jnp.concatenate(
            [inv_s * inv_s, jnp.zeros((1, E), dtype=jnp.float32)], axis=1)
        invs2_big = jnp.concatenate([invs2_p] * F, axis=1)
        g_s[...] = (jnp.where(jnp.logical_and(same_j, (gr % F) == 0), 1.0, 0.0)
                    * invs2_big
                    + jnp.where(jnp.logical_and(
                        jnp.logical_and(same_j, (gr % F) == 1),
                        lane_e < E), 1.0, 0.0))
        tr = lax.broadcasted_iota(jnp.int32, (F * K, E), 0)
        tm = lax.broadcasted_iota(jnp.int32, (F * K, E), 1)
        t_s[...] = (jnp.where(tm == F * (tr // K) + 1, 1.0, 0.0)
                    * inv2sig2.reshape(F * K, 1))
        y_s[...] = jnp.where(
            jnp.logical_and(tr < F, tm == F * tr), -0.5, 0.0) + jnp.where(
            jnp.logical_and(jnp.logical_and(tr >= F, tr < 2 * F),
                            tm == F * (tr - F)), -0.125, 0.0)

        p_s[0:1, :] = _tile_f(inv_s)
        zpad = jnp.zeros((1, F * E - F * K), dtype=jnp.float32)
        p_s[1:2, :] = jnp.concatenate([c_orth + c_par, zpad], axis=1)
        p_s[2:3, :] = jnp.concatenate([inv2sig2, zpad], axis=1)
        p_s[3:4, :] = jnp.concatenate([a_k, zpad], axis=1)
        p_s[4:5, :] = jnp.concatenate([inv_sqrt2sig, zpad], axis=1)
        p_s[5:6, :] = jnp.concatenate([lam, zpad], axis=1)
        cl = lax.broadcasted_iota(jnp.int32, (1, F * E), 1)
        p_s[6:7, :] = (jnp.where(cl < F, c_na, 0.0)
                       + jnp.where(jnp.logical_and(cl >= F, cl < 2 * F),
                                   c_out, 0.0))

    xb = x_ref[...]
    xp = jnp.concatenate(
        [xb, jnp.zeros((F * TC_BLOCK, E), dtype=jnp.float32)], axis=1)
    xf = xp.reshape(TC_BLOCK, F * 2 * E)
    c_art = p_s[1:2, 0:F * K]
    inv2sig2 = p_s[2:3, 0:F * K]
    a_k = p_s[3:4, 0:F * K]
    inv_sqrt2sig = p_s[4:5, 0:F * K]
    lam = p_s[5:6, 0:F * K]
    cvec = p_s[6:7, 0:F * K]

    dot_f = lax.dot_general(xf, w_s[...], dn,
                            preferred_element_type=jnp.float32)
    wsf = lax.dot_general(xf * xf, g_s[...], dn,
                          preferred_element_type=jnp.float32)
    s2t = lax.dot_general(wsf, t_s[...], dn,
                          preferred_element_type=jnp.float32)
    no_lin = lax.dot_general(wsf, y_s[...], dn,
                             preferred_element_type=jnp.float32)

    d = a_k - dot_f
    z = d * inv_sqrt2sig
    art_f = (c_art + lam * d + _log_erfc(z)
             + dot_f * dot_f * inv2sig2 - s2t)

    out_ref[...] = art_f
    no_ref[...] = no_lin + cvec


NSUB = 2
SUB = CHUNK // NSUB
NBANK = 4
BANK_W = 2 * B * K

_GATHER_DN = lax.GatherDimensionNumbers(
    offset_dims=(), collapsed_slice_dims=(0,), start_index_map=(0,))


def _gather16(vec, idx):
    return lax.gather(vec, idx[:, None], _GATHER_DN, slice_sizes=(1,),
                      mode=lax.GatherScatterMode.PROMISE_IN_BOUNDS)


def _make_segsum_body(seg0, chunk, nsub):
    sub = chunk // nsub

    def _segsum_body(art_hbm, no_hbm, seg_hbm, out_hbm, abuf_a, abuf_b,
                     nbuf_a, nbuf_b, seg_v, acc_v, sem_a, sem_b, sem_s):
        wid = lax.axis_index("s") * 2 + lax.axis_index("c")
        base = wid * chunk

        seg_cp = pltpu.async_copy(seg_hbm.at[pl.ds(seg0 + base, chunk)],
                                  seg_v, sem_s)
        abufs = (abuf_a, abuf_b)
        nbufs = (nbuf_a, nbuf_b)
        sems = (sem_a, sem_b)

        def start(t):
            a = pltpu.async_copy(
                art_hbm.at[pl.ds((base + t * sub) * K, sub * K)],
                abufs[t % 2], sems[t % 2])
            n = pltpu.async_copy(
                no_hbm.at[pl.ds((base + t * sub) * K, sub * K)],
                nbufs[t % 2], sems[t % 2])
            return a, n

        cp = start(0)

        zero16 = jnp.zeros((16,), dtype=jnp.float32)
        for i in range(NBANK * BANK_W // (F * K)):
            for l in range(F):
                acc_v[i, pl.ds(16 * l, 16)] = zero16

        col = lax.iota(jnp.int32, 16)
        colbank = [col + m * BANK_W for m in range(NBANK)]
        perm_a = jnp.bitwise_and(col, 7)
        perm_b = perm_a + 8

        seg_cp.wait()
        for t in range(nsub):
            cp[0].wait()
            cp[1].wait()
            if t + 1 < nsub:
                cp = start(t + 1)
            abuf = abufs[t % 2]
            nbuf = nbufs[t % 2]

            def group(g, carry):
                sv = seg_v[pl.ds(t * sub + g * 16, 16)]
                row0 = g * 16
                noa = nbuf[pl.ds((g * 2) * F * K, 16)]
                nob = nbuf[pl.ds((g * 2 + 1) * F * K, 16)]
                s0 = sv[0]
                eq = sv == jnp.full((16,), s0, dtype=jnp.int32)
                nsame = plsc.all_reduce_population_count(eq)
                boff = jnp.bitwise_and(2 * g, NBANK - 1) * BANK_W

                def scat(flat_idx, val):
                    plsc.addupdate_scatter(
                        acc_v, [lax.shift_right_logical(flat_idx, 7),
                                jnp.bitwise_and(flat_idx, 127)], val)

                def fast():
                    vals = [abuf[pl.ds((row0 + j) * K, 16)]
                            for j in range(16)]
                    while len(vals) > 1:
                        vals = [vals[i] + vals[i + 1]
                                for i in range(0, len(vals), 2)]
                    scat(s0 * 16 + col + boff, vals[0])
                    scat((s0 + B) * 16 + col + (boff + BANK_W), noa + nob)

                def slow():
                    for j in range(16):
                        idx = sv[j] * 16 + colbank[j % NBANK]
                        art = abuf[pl.ds((row0 + j) * K, 16)]
                        scat(idx, art)
                    sda = _gather16(sv, perm_a)
                    sdb = _gather16(sv, perm_b)
                    scat((sda + B) * 16 + col + boff, noa)
                    scat((sdb + B) * 16 + col + (boff + BANK_W), nob)

                lax.cond(nsame[0] == 16, fast, slow)
                return carry

            lax.fori_loop(0, sub // 16, group, 0)

        nrow = NBANK * BANK_W // (F * K)
        pltpu.sync_copy(acc_v, out_hbm.at[pl.ds(wid * nrow, nrow), :])

    return _segsum_body


def _finalize_body(p_ref, parts_ref, logits_ref, loglks_ref):
    s4 = parts_ref[0:4, :]
    for i in range(1, NUM_WORKERS * NBANK):
        s4 = s4 + parts_ref[4 * i:4 * i + 4, :]
    s = jnp.concatenate(
        [s4[b // F:b // F + 1, (b % F) * K:(b % F) * K + K]
         for b in range(2 * B)], axis=0)
    art_bk = s[0:B, :]
    na_b = jnp.sum(s[B:2 * B, 0:F], axis=-1, keepdims=True)
    ou_b = jnp.sum(s[B:2 * B, F:2 * F], axis=-1, keepdims=True)

    cw = p_ref[5:6, 0:K]
    m = jnp.max(cw, axis=-1, keepdims=True)
    log_w = cw - (m + jnp.log(jnp.sum(jnp.exp(cw - m), axis=-1, keepdims=True)))
    art_w = art_bk + log_w

    ma = jnp.max(art_w, axis=-1, keepdims=True)
    alk = ma + jnp.log(jnp.sum(jnp.exp(art_w - ma), axis=-1, keepdims=True))
    logits = alk - na_b
    capped = MAX_LOGIT * jnp.tanh(logits / MAX_LOGIT)
    logits_ref[...] = lax.transpose(capped, (1, 0))
    loglks_ref[...] = jnp.concatenate([na_b, ou_b, art_w], axis=-1)


def kernel(features, segment_ids, nonartifact_stdev_e, artifact_directions_ke,
           artifact_stdev_k, cluster_weights_pre_softmax_k, emg_mu_k,
           emg_sigma_k, emg_rate_k):
    zk = jnp.zeros((E - K,), dtype=jnp.float32)
    ze = jnp.zeros((E,), dtype=jnp.float32)
    p = jnp.stack([
        nonartifact_stdev_e,
        jnp.concatenate([artifact_stdev_k, zk]),
        jnp.concatenate([emg_mu_k, zk]),
        jnp.concatenate([emg_sigma_k, zk]),
        jnp.concatenate([emg_rate_k, zk]),
        jnp.concatenate([cluster_weights_pre_softmax_k, zk]),
        ze, ze])

    art_p, no_p = pl.pallas_call(
        _dense_body,
        grid=(R // (F * TC_BLOCK),),
        in_specs=[
            pl.BlockSpec((F * TC_BLOCK, E), lambda i: (i, 0)),
            pl.BlockSpec((8, E), lambda i: (0, 0)),
            pl.BlockSpec((K, E), lambda i: (0, 0)),
        ],
        out_specs=[
            pl.BlockSpec((TC_BLOCK, F * K), lambda i: (i, 0)),
            pl.BlockSpec((TC_BLOCK, F * K), lambda i: (i, 0)),
        ],
        out_shape=[
            jax.ShapeDtypeStruct((R // F, F * K), jnp.float32),
            jax.ShapeDtypeStruct((R // F, F * K), jnp.float32),
        ],
        scratch_shapes=[
            pltpu.VMEM((F * K, F * 2 * E), jnp.float32),
            pltpu.VMEM((F * F, F * 2 * E), jnp.float32),
            pltpu.VMEM((F * K, E), jnp.float32),
            pltpu.VMEM((F * K, E), jnp.float32),
            pltpu.VMEM((8, F * E), jnp.float32),
        ],
    )(features, p, artifact_directions_ke)

    segsum = pl.kernel(
        _make_segsum_body(0, CHUNK, NSUB),
        out_type=jax.ShapeDtypeStruct(
            (NUM_WORKERS * NBANK * BANK_W // (F * K), F * K), jnp.float32),
        mesh=plsc.VectorSubcoreMesh(core_axis_name="c", subcore_axis_name="s",
                                    num_cores=2, num_subcores=16),
        scratch_types=[
            pltpu.VMEM((CHUNK // NSUB * K,), jnp.float32),
            pltpu.VMEM((CHUNK // NSUB * K,), jnp.float32),
            pltpu.VMEM((CHUNK // NSUB * K,), jnp.float32),
            pltpu.VMEM((CHUNK // NSUB * K,), jnp.float32),
            pltpu.VMEM((CHUNK,), jnp.int32),
            pltpu.VMEM((NBANK * BANK_W // (F * K), F * K), jnp.float32),
            pltpu.SemaphoreType.DMA,
            pltpu.SemaphoreType.DMA,
            pltpu.SemaphoreType.DMA,
        ],
        compiler_params=pltpu.CompilerParams(needs_layout_passes=False),
    )
    partials = segsum(art_p.reshape(-1), no_p.reshape(-1), segment_ids)

    capped, log_lks = pl.pallas_call(
        _finalize_body,
        grid=(1,),
        in_specs=[
            pl.BlockSpec((8, E), lambda i: (0, 0)),
            pl.BlockSpec((NUM_WORKERS * NBANK * 4, F * K), lambda i: (0, 0)),
        ],
        out_specs=[
            pl.BlockSpec((1, B), lambda i: (0, 0)),
            pl.BlockSpec((B, K + 2), lambda i: (0, 0)),
        ],
        out_shape=[
            jax.ShapeDtypeStruct((1, B), jnp.float32),
            jax.ShapeDtypeStruct((B, K + 2), jnp.float32),
        ],
    )(p, partials)

    return capped.reshape(B), log_lks

# --- scband reference (transcript-rebuilt; emitter-appended) ---
"""Pipeline reference for scband-feature-clustering-22720376995864 (READ-ONLY COPY).

The authoritative reference and input builder live on the scoring server;
editing this copy changes nothing except your own understanding.
"""

import jax, jax.numpy as jnp
import numpy as np
from jax.scipy.special import log_ndtr

LOG2PI = float(np.log(2.0 * np.pi))
MAX_LOGIT = 20.0
B = 16
R = 32768
E = 64
K = 16


def diagonal_gaussian_log_likelihood(vectors_bf, stdev_bf):
    feature_dim = vectors_bf.shape[-1]
    normalization_part = -(feature_dim / 2.0) * LOG2PI - jnp.sum(jnp.log(stdev_bf), axis=-1)
    exponential_part = -jnp.sum(jnp.square(vectors_bf / stdev_bf), axis=-1) / 2.0
    return normalization_part + exponential_part


def emg_log_likelihood(x_rk, mu_k, sigma_k, rate_k):
    mu = mu_k[None, :]
    sig = sigma_k[None, :]
    lam = rate_k[None, :]
    arg = (mu + lam * sig ** 2 - x_rk) / (jnp.sqrt(2.0) * sig)
    # log(erfc(arg)) = log(2) + log_ndtr(-arg * sqrt(2)) for numerical stability
    log_erfc = jnp.log(2.0) + log_ndtr(-arg * jnp.sqrt(2.0))
    return jnp.log(lam / 2.0) + (lam / 2.0) * (2.0 * mu + lam * sig ** 2 - 2.0 * x_rk) + log_erfc


def setup_inputs(seed: int = 0) -> dict:
    key = jax.random.key(seed)
    ks = jax.random.split(key, 9)
    features = jax.random.normal(ks[0], (R, E), dtype=jnp.float32)
    segment_ids = jnp.sort(jax.random.randint(ks[1], (R,), 0, B, dtype=jnp.int32))
    nonartifact_stdev_e = jax.random.uniform(ks[2], (E,), dtype=jnp.float32, minval=0.5, maxval=1.5)
    artifact_directions_ke = jax.random.normal(ks[3], (K, E), dtype=jnp.float32)
    artifact_stdev_k = jax.random.uniform(ks[4], (K,), dtype=jnp.float32, minval=0.5, maxval=1.5)
    cluster_weights_pre_softmax_k = jnp.ones((K,), dtype=jnp.float32)
    emg_mu_k = jax.random.normal(ks[5], (K,), dtype=jnp.float32) * 0.1
    emg_sigma_k = jax.random.uniform(ks[6], (K,), dtype=jnp.float32, minval=0.5, maxval=1.5)
    emg_rate_k = jax.random.uniform(ks[7], (K,), dtype=jnp.float32, minval=0.5, maxval=2.0)
    return {
        "features": features,
        "segment_ids": segment_ids,
        "nonartifact_stdev_e": nonartifact_stdev_e,
        "artifact_directions_ke": artifact_directions_ke,
        "artifact_stdev_k": artifact_stdev_k,
        "cluster_weights_pre_softmax_k": cluster_weights_pre_softmax_k,
        "emg_mu_k": emg_mu_k,
        "emg_sigma_k": emg_sigma_k,
        "emg_rate_k": emg_rate_k,
    }


def reference(features, segment_ids, nonartifact_stdev_e, artifact_directions_ke,
              artifact_stdev_k, cluster_weights_pre_softmax_k, emg_mu_k, emg_sigma_k, emg_rate_k):
    alt_re = features
    feature_dim = alt_re.shape[-1]
    # UnitVector parametrization of artifact directions
    unit_ke = artifact_directions_ke / jnp.linalg.norm(artifact_directions_ke, axis=-1, keepdims=True)
    # per-row diagonal-Gaussian log-likelihoods
    nonartifact_log_lks_r = diagonal_gaussian_log_likelihood(alt_re, nonartifact_stdev_e[None, :])
    outlier_log_lks_r = diagonal_gaussian_log_likelihood(alt_re, 2.0 * nonartifact_stdev_e[None, :])
    # parallel and orthogonal projections
    dot_products_rk = alt_re @ unit_ke.T
    parallel_projections_rke = dot_products_rk[:, :, None] * unit_ke[None, :, :]
    orthogonal_projections_rke = alt_re[:, None, :] - parallel_projections_rke
    orthogonal_dist_rk = jnp.linalg.norm(orthogonal_projections_rke, axis=-1)
    orthogonal_log_lks_rk = (-((feature_dim - 1) / 2.0) * LOG2PI
                             - (feature_dim - 1) * jnp.log(artifact_stdev_k)[None, :]
                             - jnp.square(orthogonal_dist_rk) / (2.0 * jnp.square(artifact_stdev_k[None, :])))
    parallel_log_lks_rk = emg_log_likelihood(dot_products_rk, emg_mu_k, emg_sigma_k, emg_rate_k)
    nonartifact_log_lks_rk = nonartifact_log_lks_r[:, None]
    outlier_log_lks_rk = outlier_log_lks_r[:, None]
    artifact_log_lks_rk = orthogonal_log_lks_rk + parallel_log_lks_rk
    # RaggedSets.sums_over_sets -> segment_sum over batch segments
    nonartifact_log_lks_bk = jax.ops.segment_sum(nonartifact_log_lks_rk, segment_ids, num_segments=B)
    outlier_log_lks_bk = jax.ops.segment_sum(outlier_log_lks_rk, segment_ids, num_segments=B)
    unweighted_artifact_log_lks_bk = jax.ops.segment_sum(artifact_log_lks_rk, segment_ids, num_segments=B)
    log_artifact_cluster_weights_k = jax.nn.log_softmax(cluster_weights_pre_softmax_k, axis=-1)
    artifact_log_lks_bk = unweighted_artifact_log_lks_bk + log_artifact_cluster_weights_k[None, :]
    log_lks_bk = jnp.concatenate((nonartifact_log_lks_bk, outlier_log_lks_bk, artifact_log_lks_bk), axis=-1)
    # calculate_logits
    artifact_log_lk_b = jax.scipy.special.logsumexp(log_lks_bk[:, 2:], axis=-1)
    non_artifact_log_lk_b = log_lks_bk[:, 0]
    logits_b = artifact_log_lk_b - non_artifact_log_lk_b
    capped_logits_b = MAX_LOGIT * jnp.tanh(logits_b / MAX_LOGIT)
    return (capped_logits_b, log_lks_bk)

if __name__ == "__main__":
    import jax
    _d = setup_inputs()
    print(jax.jit(kernel)(*tuple(_d.values())))

</pallas_src>

<mosaic_0001>
#map = affine_map<(d0, d1) -> (0)>
#map1 = affine_map<(d0, d1) -> (0, 0)>
module attributes {stable_mosaic.version = 14 : i64} {
  func.func @_segsum_body(%arg0: i32, %arg1: i32, %arg2: memref<524288xf32, #tpu.memory_space<hbm>>, %arg3: memref<524288xf32, #tpu.memory_space<hbm>>, %arg4: memref<32768xi32, #tpu.memory_space<hbm>>, %arg5: memref<512x128xf32, #tpu.memory_space<hbm>>, %arg6: memref<8192xf32, #tpu.memory_space<vmem>>, %arg7: memref<8192xf32, #tpu.memory_space<vmem>>, %arg8: memref<8192xf32, #tpu.memory_space<vmem>>, %arg9: memref<8192xf32, #tpu.memory_space<vmem>>, %arg10: memref<1024xi32, #tpu.memory_space<vmem>>, %arg11: memref<16x128xf32, #tpu.memory_space<vmem>>, %arg12: memref<!tpu.dma_semaphore, #tpu.memory_space<semaphore_mem>>, %arg13: memref<!tpu.dma_semaphore, #tpu.memory_space<semaphore_mem>>, %arg14: memref<!tpu.dma_semaphore, #tpu.memory_space<semaphore_mem>>) attributes {dimension_semantics = [#tpu.dimension_semantics<core_parallel>, #tpu.dimension_semantics<subcore_parallel>], iteration_bounds = array<i64: 2, 16>, scalar_prefetch = 0 : i64, scratch_operands = 9 : i64, tpu.core_type = #tpu.core_type<sc_vector_subcore>, window_params = [{transform_indices = #map}, {transform_indices = #map}, {transform_indices = #map}, {transform_indices = #map1}]} {
    %mul3A = arith.constant 2 : i32
    %mul3A_0 = arith.muli %arg1, %mul3A : i32
    %add3A = arith.addi %mul3A_0, %arg0 : i32
    %mul3A_1 = arith.constant 1024 : i32
    %mul3A_2 = arith.muli %add3A, %mul3A_1 : i32
    %add3A_3 = arith.constant 0 : i32
    %add3A_4 = arith.addi %add3A_3, %mul3A_2 : i32
    %dma_start3A = tpu.memref_slice %arg4[%add3A_4] : memref<32768xi32, #tpu.memory_space<hbm>> -> memref<1024xi32, #tpu.memory_space<hbm>>
    %dma_start3A_5 = tpu.memref_slice %arg4[%add3A_4] : memref<32768xi32, #tpu.memory_space<hbm>> -> memref<1024xi32, #tpu.memory_space<hbm>>
    tpu.enqueue_dma source(%dma_start3A_5 : memref<1024xi32, #tpu.memory_space<hbm>>) target(%arg10 : memref<1024xi32, #tpu.memory_space<vmem>>) target_semaphore(%arg14 : memref<!tpu.dma_semaphore, #tpu.memory_space<semaphore_mem>>)
    %add3A_6 = arith.constant 0 : i32
    %add3A_7 = arith.addi %mul3A_2, %add3A_6 : i32
    %mul3A_8 = arith.constant 16 : i32
    %mul3A_9 = arith.muli %add3A_7, %mul3A_8 : i32
    %dma_start3A_10 = tpu.memref_slice %arg2[%mul3A_9] : memref<524288xf32, #tpu.memory_space<hbm>> -> memref<8192xf32, #tpu.memory_space<hbm>>
    %dma_start3A_11 = tpu.memref_slice %arg2[%mul3A_9] : memref<524288xf32, #tpu.memory_space<hbm>> -> memref<8192xf32, #tpu.memory_space<hbm>>
    tpu.enqueue_dma source(%dma_start3A_11 : memref<8192xf32, #tpu.memory_space<hbm>>) target(%arg6 : memref<8192xf32, #tpu.memory_space<vmem>>) target_semaphore(%arg12 : memref<!tpu.dma_semaphore, #tpu.memory_space<semaphore_mem>>)
    %add3A_12 = arith.constant 0 : i32
    %add3A_13 = arith.addi %mul3A_2, %add3A_12 : i32
    %mul3A_14 = arith.constant 16 : i32
    %mul3A_15 = arith.muli %add3A_13, %mul3A_14 : i32
    %dma_start3A_16 = tpu.memref_slice %arg3[%mul3A_15] : memref<524288xf32, #tpu.memory_space<hbm>> -> memref<8192xf32, #tpu.memory_space<hbm>>
    %dma_start3A_17 = tpu.memref_slice %arg3[%mul3A_15] : memref<524288xf32, #tpu.memory_space<hbm>> -> memref<8192xf32, #tpu.memory_space<hbm>>
    tpu.enqueue_dma source(%dma_start3A_17 : memref<8192xf32, #tpu.memory_space<hbm>>) target(%arg8 : memref<8192xf32, #tpu.memory_space<vmem>>) target_semaphore(%arg12 : memref<!tpu.dma_semaphore, #tpu.memory_space<semaphore_mem>>)
    %broadcast_in_dim3A = arith.constant 0.000000e+00 : f32
    %broadcast_in_dim3A_18 = vector.broadcast %broadcast_in_dim3A : f32 to vector<16xf32>
    %swap3A = arith.constant 0 : i32
    %swap3A_19 = arith.index_cast %swap3A : i32 to index
    %swap3A_20 = arith.constant 0 : index
    %swap3A_21 = tpu.vector_load %arg11[%swap3A_19, %swap3A_20] {strides = array<i32>} : memref<16x128xf32, #tpu.memory_space<vmem>>, vector<16xf32>,
    tpu.vector_store %arg11[%swap3A_19, %swap3A_20], %broadcast_in_dim3A_18 {strides = array<i32>} : memref<16x128xf32, #tpu.memory_space<vmem>>, vector<16xf32>,
    %swap3A_22 = arith.constant 0 : i32
    %swap3A_23 = arith.index_cast %swap3A_22 : i32 to index
    %swap3A_24 = arith.constant 16 : index
    %swap3A_25 = tpu.vector_load %arg11[%swap3A_23, %swap3A_24] {strides = array<i32>} : memref<16x128xf32, #tpu.memory_space<vmem>>, vector<16xf32>,
    tpu.vector_store %arg11[%swap3A_23, %swap3A_24], %broadcast_in_dim3A_18 {strides = array<i32>} : memref<16x128xf32, #tpu.memory_space<vmem>>, vector<16xf32>,
    %swap3A_26 = arith.constant 0 : i32
    %swap3A_27 = arith.index_cast %swap3A_26 : i32 to index
    %swap3A_28 = arith.constant 32 : index
    %swap3A_29 = tpu.vector_load %arg11[%swap3A_27, %swap3A_28] {strides = array<i32>} : memref<16x128xf32, #tpu.memory_space<vmem>>, vector<16xf32>,
    tpu.vector_store %arg11[%swap3A_27, %swap3A_28], %broadcast_in_dim3A_18 {strides = array<i32>} : memref<16x128xf32, #tpu.memory_space<vmem>>, vector<16xf32>,
    %swap3A_30 = arith.constant 0 : i32
    %swap3A_31 = arith.index_cast %swap3A_30 : i32 to index
    %swap3A_32 = arith.constant 48 : index
    %swap3A_33 = tpu.vector_load %arg11[%swap3A_31, %swap3A_32] {strides = array<i32>} : memref<16x128xf32, #tpu.memory_space<vmem>>, vector<16xf32>,
    tpu.vector_store %arg11[%swap3A_31, %swap3A_32], %broadcast_in_dim3A_18 {strides = array<i32>} : memref<16x128xf32, #tpu.memory_space<vmem>>, vector<16xf32>,
    %swap3A_34 = arith.constant 0 : i32
    %swap3A_35 = arith.index_cast %swap3A_34 : i32 to index
    %swap3A_36 = arith.constant 64 : index
    %swap3A_37 = tpu.vector_load %arg11[%swap3A_35, %swap3A_36] {strides = array<i32>} : memref<16x128xf32, #tpu.memory_space<vmem>>, vector<16xf32>,
    tpu.vector_store %arg11[%swap3A_35, %swap3A_36], %broadcast_in_dim3A_18 {strides = array<i32>} : memref<16x128xf32, #tpu.memory_space<vmem>>, vector<16xf32>,
    %swap3A_38 = arith.constant 0 : i32
    %swap3A_39 = arith.index_cast %swap3A_38 : i32 to index
    %swap3A_40 = arith.constant 80 : index
    %swap3A_41 = tpu.vector_load %arg11[%swap3A_39, %swap3A_40] {strides = array<i32>} : memref<16x128xf32, #tpu.memory_space<vmem>>, vector<16xf32>,
    tpu.vector_store %arg11[%swap3A_39, %swap3A_40], %broadcast_in_dim3A_18 {strides = array<i32>} : memref<16x128xf32, #tpu.memory_space<vmem>>, vector<16xf32>,
    %swap3A_42 = arith.constant 0 : i32
    %swap3A_43 = arith.index_cast %swap3A_42 : i32 to index
    %swap3A_44 = arith.constant 96 : index
    %swap3A_45 = tpu.vector_load %arg11[%swap3A_43, %swap3A_44] {strides = array<i32>} : memref<16x128xf32, #tpu.memory_space<vmem>>, vector<16xf32>,
    tpu.vector_store %arg11[%swap3A_43, %swap3A_44], %broadcast_in_dim3A_18 {strides = array<i32>} : memref<16x128xf32, #tpu.memory_space<vmem>>, vector<16xf32>,
    %swap3A_46 = arith.constant 0 : i32
    %swap3A_47 = arith.index_cast %swap3A_46 : i32 to index
    %swap3A_48 = arith.constant 112 : index
    %swap3A_49 = tpu.vector_load %arg11[%swap3A_47, %swap3A_48] {strides = array<i32>} : memref<16x128xf32, #tpu.memory_space<vmem>>, vector<16xf32>,
    tpu.vector_store %arg11[%swap3A_47, %swap3A_48], %broadcast_in_dim3A_18 {strides = array<i32>} : memref<16x128xf32, #tpu.memory_space<vmem>>, vector<16xf32>,
    %swap3A_50 = arith.constant 1 : i32
    %swap3A_51 = arith.index_cast %swap3A_50 : i32 to index
    %swap3A_52 = arith.constant 0 : index
    %swap3A_53 = tpu.vector_load %arg11[%swap3A_51, %swap3A_52] {strides = array<i32>} : memref<16x128xf32, #tpu.memory_space<vmem>>, vector<16xf32>,
    tpu.vector_store %arg11[%swap3A_51, %swap3A_52], %broadcast_in_dim3A_18 {strides = array<i32>} : memref<16x128xf32, #tpu.memory_space<vmem>>, vector<16xf32>,
    %swap3A_54 = arith.constant 1 : i32
    %swap3A_55 = arith.index_cast %swap3A_54 : i32 to index
    %swap3A_56 = arith.constant 16 : index
    %swap3A_57 = tpu.vector_load %arg11[%swap3A_55, %swap3A_56] {strides = array<i32>} : memref<16x128xf32, #tpu.memory_space<vmem>>, vector<16xf32>,
    tpu.vector_store %arg11[%swap3A_55, %swap3A_56], %broadcast_in_dim3A_18 {strides = array<i32>} : memref<16x128xf32, #tpu.memory_space<vmem>>, vector<16xf32>,
    %swap3A_58 = arith.constant 1 : i32
    %swap3A_59 = arith.index_cast %swap3A_58 : i32 to index
    %swap3A_60 = arith.constant 32 : index
    %swap3A_61 = tpu.vector_load %arg11[%swap3A_59, %swap3A_60] {strides = array<i32>} : memref<16x128xf32, #tpu.memory_space<vmem>>, vector<16xf32>,
    tpu.vector_store %arg11[%swap3A_59, %swap3A_60], %broadcast_in_dim3A_18 {strides = array<i32>} : memref<16x128xf32, #tpu.memory_space<vmem>>, vector<16xf32>,
    %swap3A_62 = arith.constant 1 : i32
    %swap3A_63 = arith.index_cast %swap3A_62 : i32 to index
    %swap3A_64 = arith.constant 48 : index
    %swap3A_65 = tpu.vector_load %arg11[%swap3A_63, %swap3A_64] {strides = array<i32>} : memref<16x128xf32, #tpu.memory_space<vmem>>, vector<16xf32>,
    tpu.vector_store %arg11[%swap3A_63, %swap3A_64], %broadcast_in_dim3A_18 {strides = array<i32>} : memref<16x128xf32, #tpu.memory_space<vmem>>, vector<16xf32>,
    %swap3A_66 = arith.constant 1 : i32
    %swap3A_67 = arith.index_cast %swap3A_66 : i32 to index
    %swap3A_68 = arith.constant 64 : index
    %swap3A_69 = tpu.vector_load %arg11[%swap3A_67, %swap3A_68] {strides = array<i32>} : memref<16x128xf32, #tpu.memory_space<vmem>>, vector<16xf32>,
    tpu.vector_store %arg11[%swap3A_67, %swap3A_68], %broadcast_in_dim3A_18 {strides = array<i32>} : memref<16x128xf32, #tpu.memory_space<vmem>>, vector<16xf32>,
    %swap3A_70 = arith.constant 1 : i32
    %swap3A_71 = arith.index_cast %swap3A_70 : i32 to index
    %swap3A_72 = arith.constant 80 : index
    %swap3A_73 = tpu.vector_load %arg11[%swap3A_71, %swap3A_72] {strides = array<i32>} : memref<16x128xf32, #tpu.memory_space<vmem>>, vector<16xf32>,
    tpu.vector_store %arg11[%swap3A_71, %swap3A_72], %broadcast_in_dim3A_18 {strides = array<i32>} : memref<16x128xf32, #tpu.memory_space<vmem>>, vector<16xf32>,
    %swap3A_74 = arith.constant 1 : i32
    %swap3A_75 = arith.index_cast %swap3A_74 : i32 to index
    %swap3A_76 = arith.constant 96 : index
    %swap3A_77 = tpu.vector_load %arg11[%swap3A_75, %swap3A_76] {strides = array<i32>} : memref<16x128xf32, #tpu.memory_space<vmem>>, vector<16xf32>,
    tpu.vector_store %arg11[%swap3A_75, %swap3A_76], %broadcast_in_dim3A_18 {strides = array<i32>} : memref<16x128xf32, #tpu.memory_space<vmem>>, vector<16xf32>,
    %swap3A_78 = arith.constant 1 : i32
    %swap3A_79 = arith.index_cast %swap3A_78 : i32 to index
    %swap3A_80 = arith.constant 112 : index
    %swap3A_81 = tpu.vector_load %arg11[%swap3A_79, %swap3A_80] {strides = array<i32>} : memref<16x128xf32, #tpu.memory_space<vmem>>, vector<16xf32>,
    tpu.vector_store %arg11[%swap3A_79, %swap3A_80], %broadcast_in_dim3A_18 {strides = array<i32>} : memref<16x128xf32, #tpu.memory_space<vmem>>, vector<16xf32>,
    %swap3A_82 = arith.constant 2 : i32
    %swap3A_83 = arith.index_cast %swap3A_82 : i32 to index
    %swap3A_84 = arith.constant 0 : index
    %swap3A_85 = tpu.vector_load %arg11[%swap3A_83, %swap3A_84] {strides = array<i32>} : memref<16x128xf32, #tpu.memory_space<vmem>>, vector<16xf32>,
    tpu.vector_store %arg11[%swap3A_83, %swap3A_84], %broadcast_in_dim3A_18 {strides = array<i32>} : memref<16x128xf32, #tpu.memory_space<vmem>>, vector<16xf32>,
    %swap3A_86 = arith.constant 2 : i32
    %swap3A_87 = arith.index_cast %swap3A_86 : i32 to index
    %swap3A_88 = arith.constant 16 : index
    %swap3A_89 = tpu.vector_load %arg11[%swap3A_87, %swap3A_88] {strides = array<i32>} : memref<16x128xf32, #tpu.memory_space<vmem>>, vector<16xf32>,
    tpu.vector_store %arg11[%swap3A_87, %swap3A_88], %broadcast_in_dim3A_18 {strides = array<i32>} : memref<16x128xf32, #tpu.memory_space<vmem>>, vector<16xf32>,
    %swap3A_90 = arith.constant 2 : i32
    %swap3A_91 = arith.index_cast %swap3A_90 : i32 to index
    %swap3A_92 = arith.constant 32 : index
    %swap3A_93 = tpu.vector_load %arg11[%swap3A_91, %swap3A_92] {strides = array<i32>} : memref<16x128xf32, #tpu.memory_space<vmem>>, vector<16xf32>,
    tpu.vector_store %arg11[%swap3A_91, %swap3A_92], %broadcast_in_dim3A_18 {strides = array<i32>} : memref<16x128xf32, #tpu.memory_space<vmem>>, vector<16xf32>,
    %swap3A_94 = arith.constant 2 : i32
    %swap3A_95 = arith.index_cast %swap3A_94 : i32 to index
    %swap3A_96 = arith.constant 48 : index
    %swap3A_97 = tpu.vector_load %arg11[%swap3A_95, %swap3A_96] {strides = array<i32>} : memref<16x128xf32, #tpu.memory_space<vmem>>, vector<16xf32>,
    tpu.vector_store %arg11[%swap3A_95, %swap3A_96], %broadcast_in_dim3A_18 {strides = array<i32>} : memref<16x128xf32, #tpu.memory_space<vmem>>, vector<16xf32>,
    %swap3A_98 = arith.constant 2 : i32
    %swap3A_99 = arith.index_cast %swap3A_98 : i32 to index
    %swap3A_100 = arith.constant 64 : index
    %swap3A_101 = tpu.vector_load %arg11[%swap3A_99, %swap3A_100] {strides = array<i32>} : memref<16x128xf32, #tpu.memory_space<vmem>>, vector<16xf32>,
    tpu.vector_store %arg11[%swap3A_99, %swap3A_100], %broadcast_in_dim3A_18 {strides = array<i32>} : memref<16x128xf32, #tpu.memory_space<vmem>>, vector<16xf32>,
    %swap3A_102 = arith.constant 2 : i32
    %swap3A_103 = arith.index_cast %swap3A_102 : i32 to index
    %swap3A_104 = arith.constant 80 : index
    %swap3A_105 = tpu.vector_load %arg11[%swap3A_103, %swap3A_104] {strides = array<i32>} : memref<16x128xf32, #tpu.memory_space<vmem>>, vector<16xf32>,
    tpu.vector_store %arg11[%swap3A_103, %swap3A_104], %broadcast_in_dim3A_18 {strides = array<i32>} : memref<16x128xf32, #tpu.memory_space<vmem>>, vector<16xf32>,
    %swap3A_106 = arith.constant 2 : i32
    %swap3A_107 = arith.index_cast %swap3A_106 : i32 to index
    %swap3A_108 = arith.constant 96 : index
    %swap3A_109 = tpu.vector_load %arg11[%swap3A_107, %swap3A_108] {strides = array<i32>} : memref<16x128xf32, #tpu.memory_space<vmem>>, vector<16xf32>,
    tpu.vector_store %arg11[%swap3A_107, %swap3A_108], %broadcast_in_dim3A_18 {strides = array<i32>} : memref<16x128xf32, #tpu.memory_space<vmem>>, vector<16xf32>,
    %swap3A_110 = arith.constant 2 : i32
    %swap3A_111 = arith.index_cast %swap3A_110 : i32 to index
    %swap3A_112 = arith.constant 112 : index
    %swap3A_113 = tpu.vector_load %arg11[%swap3A_111, %swap3A_112] {strides = array<i32>} : memref<16x128xf32, #tpu.memory_space<vmem>>, vector<16xf32>,
    tpu.vector_store %arg11[%swap3A_111, %swap3A_112], %broadcast_in_dim3A_18 {strides = array<i32>} : memref<16x128xf32, #tpu.memory_space<vmem>>, vector<16xf32>,
    %swap3A_114 = arith.constant 3 : i32
    %swap3A_115 = arith.index_cast %swap3A_114 : i32 to index
    %swap3A_116 = arith.constant 0 : index
    %swap3A_117 = tpu.vector_load %arg11[%swap3A_115, %swap3A_116] {strides = array<i32>} : memref<16x128xf32, #tpu.memory_space<vmem>>, vector<16xf32>,
    tpu.vector_store %arg11[%swap3A_115, %swap3A_116], %broadcast_in_dim3A_18 {strides = array<i32>} : memref<16x128xf32, #tpu.memory_space<vmem>>, vector<16xf32>,
    %swap3A_118 = arith.constant 3 : i32
    %swap3A_119 = arith.index_cast %swap3A_118 : i32 to index
    %swap3A_120 = arith.constant 16 : index
    %swap3A_121 = tpu.vector_load %arg11[%swap3A_119, %swap3A_120] {strides = array<i32>} : memref<16x128xf32, #tpu.memory_space<vmem>>, vector<16xf32>,
    tpu.vector_store %arg11[%swap3A_119, %swap3A_120], %broadcast_in_dim3A_18 {strides = array<i32>} : memref<16x128xf32, #tpu.memory_space<vmem>>, vector<16xf32>,
    %swap3A_122 = arith.constant 3 : i32
    %swap3A_123 = arith.index_cast %swap3A_122 : i32 to index
    %swap3A_124 = arith.constant 32 : index
    %swap3A_125 = tpu.vector_load %arg11[%swap3A_123, %swap3A_124] {strides = array<i32>} : memref<16x128xf32, #tpu.memory_space<vmem>>, vector<16xf32>,
    tpu.vector_store %arg11[%swap3A_123, %swap3A_124], %broadcast_in_dim3A_18 {strides = array<i32>} : memref<16x128xf32, #tpu.memory_space<vmem>>, vector<16xf32>,
    %swap3A_126 = arith.constant 3 : i32
    %swap3A_127 = arith.index_cast %swap3A_126 : i32 to index
    %swap3A_128 = arith.constant 48 : index
    %swap3A_129 = tpu.vector_load %arg11[%swap3A_127, %swap3A_128] {strides = array<i32>} : memref<16x128xf32, #tpu.memory_space<vmem>>, vector<16xf32>,
    tpu.vector_store %arg11[%swap3A_127, %swap3A_128], %broadcast_in_dim3A_18 {strides = array<i32>} : memref<16x128xf32, #tpu.memory_space<vmem>>, vector<16xf32>,
    %swap3A_130 = arith.constant 3 : i32
    %swap3A_131 = arith.index_cast %swap3A_130 : i32 to index
    %swap3A_132 = arith.constant 64 : index
    %swap3A_133 = tpu.vector_load %arg11[%swap3A_131, %swap3A_132] {strides = array<i32>} : memref<16x128xf32, #tpu.memory_space<vmem>>, vector<16xf32>,
    tpu.vector_store %arg11[%swap3A_131, %swap3A_132], %broadcast_in_dim3A_18 {strides = array<i32>} : memref<16x128xf32, #tpu.memory_space<vmem>>, vector<16xf32>,
    %swap3A_134 = arith.constant 3 : i32
    %swap3A_135 = arith.index_cast %swap3A_134 : i32 to index
    %swap3A_136 = arith.constant 80 : index
    %swap3A_137 = tpu.vector_load %arg11[%swap3A_135, %swap3A_136] {strides = array<i32>} : memref<16x128xf32, #tpu.memory_space<vmem>>, vector<16xf32>,
    tpu.vector_store %arg11[%swap3A_135, %swap3A_136], %broadcast_in_dim3A_18 {strides = array<i32>} : memref<16x128xf32, #tpu.memory_space<vmem>>, vector<16xf32>,
    %swap3A_138 = arith.constant 3 : i32
    %swap3A_139 = arith.index_cast %swap3A_138 : i32 to index
    %swap3A_140 = arith.constant 96 : index
    %swap3A_141 = tpu.vector_load %arg11[%swap3A_139, %swap3A_140] {strides = array<i32>} : memref<16x128xf32, #tpu.memory_space<vmem>>, vector<16xf32>,
    tpu.vector_store %arg11[%swap3A_139, %swap3A_140], %broadcast_in_dim3A_18 {strides = array<i32>} : memref<16x128xf32, #tpu.memory_space<vmem>>, vector<16xf32>,
    %swap3A_142 = arith.constant 3 : i32
    %swap3A_143 = arith.index_cast %swap3A_142 : i32 to index
    %swap3A_144 = arith.constant 112 : index
    %swap3A_145 = tpu.vector_load %arg11[%swap3A_143, %swap3A_144] {strides = array<i32>} : memref<16x128xf32, #tpu.memory_space<vmem>>, vector<16xf32>,
    tpu.vector_store %arg11[%swap3A_143, %swap3A_144], %broadcast_in_dim3A_18 {strides = array<i32>} : memref<16x128xf32, #tpu.memory_space<vmem>>, vector<16xf32>,
    %swap3A_146 = arith.constant 4 : i32
    %swap3A_147 = arith.index_cast %swap3A_146 : i32 to index
    %swap3A_148 = arith.constant 0 : index
    %swap3A_149 = tpu.vector_load %arg11[%swap3A_147, %swap3A_148] {strides = array<i32>} : memref<16x128xf32, #tpu.memory_space<vmem>>, vector<16xf32>,
    tpu.vector_store %arg11[%swap3A_147, %swap3A_148], %broadcast_in_dim3A_18 {strides = array<i32>} : memref<16x128xf32, #tpu.memory_space<vmem>>, vector<16xf32>,
    %swap3A_150 = arith.constant 4 : i32
    %swap3A_151 = arith.index_cast %swap3A_150 : i32 to index
    %swap3A_152 = arith.constant 16 : index
    %swap3A_153 = tpu.vector_load %arg11[%swap3A_151, %swap3A_152] {strides = array<i32>} : memref<16x128xf32, #tpu.memory_space<vmem>>, vector<16xf32>,
    tpu.vector_store %arg11[%swap3A_151, %swap3A_152], %broadcast_in_dim3A_18 {strides = array<i32>} : memref<16x128xf32, #tpu.memory_space<vmem>>, vector<16xf32>,
    %swap3A_154 = arith.constant 4 : i32
    %swap3A_155 = arith.index_cast %swap3A_154 : i32 to index
    %swap3A_156 = arith.constant 32 : index
    %swap3A_157 = tpu.vector_load %arg11[%swap3A_155, %swap3A_156] {strides = array<i32>} : memref<16x128xf32, #tpu.memory_space<vmem>>, vector<16xf32>,
    tpu.vector_store %arg11[%swap3A_155, %swap3A_156], %broadcast_in_dim3A_18 {strides = array<i32>} : memref<16x128xf32, #tpu.memory_space<vmem>>, vector<16xf32>,
    %swap3A_158 = arith.constant 4 : i32
    %swap3A_159 = arith.index_cast %swap3A_158 : i32 to index
    %swap3A_160 = arith.constant 48 : index
    %swap3A_161 = tpu.vector_load %arg11[%swap3A_159, %swap3A_160] {strides = array<i32>} : memref<16x128xf32, #tpu.memory_space<vmem>>, vector<16xf32>,
    tpu.vector_store %arg11[%swap3A_159, %swap3A_160], %broadcast_in_dim3A_18 {strides = array<i32>} : memref<16x128xf32, #tpu.memory_space<vmem>>, vector<16xf32>,
    %swap3A_162 = arith.constant 4 : i32
    %swap3A_163 = arith.index_cast %swap3A_162 : i32 to index
    %swap3A_164 = arith.constant 64 : index
    %swap3A_165 = tpu.vector_load %arg11[%swap3A_163, %swap3A_164] {strides = array<i32>} : memref<16x128xf32, #tpu.memory_space<vmem>>, vector<16xf32>,
    tpu.vector_store %arg11[%swap3A_163, %swap3A_164], %broadcast_in_dim3A_18 {strides = array<i32>} : memref<16x128xf32, #tpu.memory_space<vmem>>, vector<16xf32>,
    %swap3A_166 = arith.constant 4 : i32
    %swap3A_167 = arith.index_cast %swap3A_166 : i32 to index
    %swap3A_168 = arith.constant 80 : index
    %swap3A_169 = tpu.vector_load %arg11[%swap3A_167, %swap3A_168] {strides = array<i32>} : memref<16x128xf32, #tpu.memory_space<vmem>>, vector<16xf32>,
    tpu.vector_store %arg11[%swap3A_167, %swap3A_168], %broadcast_in_dim3A_18 {strides = array<i32>} : memref<16x128xf32, #tpu.memory_space<vmem>>, vector<16xf32>,
    %swap3A_170 = arith.constant 4 : i32
    %swap3A_171 = arith.index_cast %swap3A_170 : i32 to index
    %swap3A_172 = arith.constant 96 : index
    %swap3A_173 = tpu.vector_load %arg11[%swap3A_171, %swap3A_172] {strides = array<i32>} : memref<16x128xf32, #tpu.memory_space<vmem>>, vector<16xf32>,
    tpu.vector_store %arg11[%swap3A_171, %swap3A_172], %broadcast_in_dim3A_18 {strides = array<i32>} : memref<16x128xf32, #tpu.memory_space<vmem>>, vector<16xf32>,
    %swap3A_174 = arith.constant 4 : i32
    %swap3A_175 = arith.index_cast %swap3A_174 : i32 to index
    %swap3A_176 = arith.constant 112 : index
    %swap3A_177 = tpu.vector_load %arg11[%swap3A_175, %swap3A_176] {strides = array<i32>} : memref<16x128xf32, #tpu.memory_space<vmem>>, vector<16xf32>,
    tpu.vector_store %arg11[%swap3A_175, %swap3A_176], %broadcast_in_dim3A_18 {strides = array<i32>} : memref<16x128xf32, #tpu.memory_space<vmem>>, vector<16xf32>,
    %swap3A_178 = arith.constant 5 : i32
    %swap3A_179 = arith.index_cast %swap3A_178 : i32 to index
    %swap3A_180 = arith.constant 0 : index
    %swap3A_181 = tpu.vector_load %arg11[%swap3A_179, %swap3A_180] {strides = array<i32>} : memref<16x128xf32, #tpu.memory_space<vmem>>, vector<16xf32>,
    tpu.vector_store %arg11[%swap3A_179, %swap3A_180], %broadcast_in_dim3A_18 {strides = array<i32>} : memref<16x128xf32, #tpu.memory_space<vmem>>, vector<16xf32>,
    %swap3A_182 = arith.constant 5 : i32
    %swap3A_183 = arith.index_cast %swap3A_182 : i32 to index
    %swap3A_184 = arith.constant 16 : index
    %swap3A_185 = tpu.vector_load %arg11[%swap3A_183, %swap3A_184] {strides = array<i32>} : memref<16x128xf32, #tpu.memory_space<vmem>>, vector<16xf32>,
    tpu.vector_store %arg11[%swap3A_183, %swap3A_184], %broadcast_in_dim3A_18 {strides = array<i32>} : memref<16x128xf32, #tpu.memory_space<vmem>>, vector<16xf32>,
    %swap3A_186 = arith.constant 5 : i32
    %swap3A_187 = arith.index_cast %swap3A_186 : i32 to index
    %swap3A_188 = arith.constant 32 : index
    %swap3A_189 = tpu.vector_load %arg11[%swap3A_187, %swap3A_188] {strides = array<i32>} : memref<16x128xf32, #tpu.memory_space<vmem>>, vector<16xf32>,
    tpu.vector_store %arg11[%swap3A_187, %swap3A_188], %broadcast_in_dim3A_18 {strides = array<i32>} : memref<16x128xf32, #tpu.memory_space<vmem>>, vector<16xf32>,
    %swap3A_190 = arith.constant 5 : i32
    %swap3A_191 = arith.index_cast %swap3A_190 : i32 to index
    %swap3A_192 = arith.constant 48 : index
    %swap3A_193 = tpu.vector_load %arg11[%swap3A_191, %swap3A_192] {strides = array<i32>} : memref<16x128xf32, #tpu.memory_space<vmem>>, vector<16xf32>,
    tpu.vector_store %arg11[%swap3A_191, %swap3A_192], %broadcast_in_dim3A_18 {strides = array<i32>} : memref<16x128xf32, #tpu.memory_space<vmem>>, vector<16xf32>,
    %swap3A_194 = arith.constant 5 : i32
    %swap3A_195 = arith.index_cast %swap3A_194 : i32 to index
    %swap3A_196 = arith.constant 64 : index
    %swap3A_197 = tpu.vector_load %arg11[%swap3A_195, %swap3A_196] {strides = array<i32>} : memref<16x128xf32, #tpu.memory_space<vmem>>, vector<16xf32>,
    tpu.vector_store %arg11[%swap3A_195, %swap3A_196], %broadcast_in_dim3A_18 {strides = array<i32>} : memref<16x128xf32, #tpu.memory_space<vmem>>, vector<16xf32>,
    %swap3A_198 = arith.constant 5 : i32
    %swap3A_199 = arith.index_cast %swap3A_198 : i32 to index
    %swap3A_200 = arith.constant 80 : index
    %swap3A_201 = tpu.vector_load %arg11[%swap3A_199, %swap3A_200] {strides = array<i32>} : memref<16x128xf32, #tpu.memory_space<vmem>>, vector<16xf32>,
    tpu.vector_store %arg11[%swap3A_199, %swap3A_200], %broadcast_in_dim3A_18 {strides = array<i32>} : memref<16x128xf32, #tpu.memory_space<vmem>>, vector<16xf32>,
    %swap3A_202 = arith.constant 5 : i32
    %swap3A_203 = arith.index_cast %swap3A_202 : i32 to index
    %swap3A_204 = arith.constant 96 : index
    %swap3A_205 = tpu.vector_load %arg11[%swap3A_203, %swap3A_204] {strides = array<i32>} : memref<16x128xf32, #tpu.memory_space<vmem>>, vector<16xf32>,
    tpu.vector_store %arg11[%swap3A_203, %swap3A_204], %broadcast_in_dim3A_18 {strides = array<i32>} : memref<16x128xf32, #tpu.memory_space<vmem>>, vector<16xf32>,
    %swap3A_206 = arith.constant 5 : i32
    %swap3A_207 = arith.index_cast %swap3A_206 : i32 to index
    %swap3A_208 = arith.constant 112 : index
    %swap3A_209 = tpu.vector_load %arg11[%swap3A_207, %swap3A_208] {strides = array<i32>} : memref<16x128xf32, #tpu.memory_space<vmem>>, vector<16xf32>,
    tpu.vector_store %arg11[%swap3A_207, %swap3A_208], %broadcast_in_dim3A_18 {strides = array<i32>} : memref<16x128xf32, #tpu.memory_space<vmem>>, vector<16xf32>,
    %swap3A_210 = arith.constant 6 : i32
    %swap3A_211 = arith.index_cast %swap3A_210 : i32 to index
    %swap3A_212 = arith.constant 0 : index
    %swap3A_213 = tpu.vector_load %arg11[%swap3A_211, %swap3A_212] {strides = array<i32>} : memref<16x128xf32, #tpu.memory_space<vmem>>, vector<16xf32>,
    tpu.vector_store %arg11[%swap3A_211, %swap3A_212], %broadcast_in_dim3A_18 {strides = array<i32>} : memref<16x128xf32, #tpu.memory_space<vmem>>, vector<16xf32>,
    %swap3A_214 = arith.constant 6 : i32
    %swap3A_215 = arith.index_cast %swap3A_214 : i32 to index
    %swap3A_216 = arith.constant 16 : index
    %swap3A_217 = tpu.vector_load %arg11[%swap3A_215, %swap3A_216] {strides = array<i32>} : memref<16x128xf32, #tpu.memory_space<vmem>>, vector<16xf32>,
    tpu.vector_store %arg11[%swap3A_215, %swap3A_216], %broadcast_in_dim3A_18 {strides = array<i32>} : memref<16x128xf32, #tpu.memory_space<vmem>>, vector<16xf32>,
    %swap3A_218 = arith.constant 6 : i32
    %swap3A_219 = arith.index_cast %swap3A_218 : i32 to index
    %swap3A_220 = arith.constant 32 : index
    %swap3A_221 = tpu.vector_load %arg11[%swap3A_219, %swap3A_220] {strides = array<i32>} : memref<16x128xf32, #tpu.memory_space<vmem>>, vector<16xf32>,
    tpu.vector_store %arg11[%swap3A_219, %swap3A_220], %broadcast_in_dim3A_18 {strides = array<i32>} : memref<16x128xf32, #tpu.memory_space<vmem>>, vector<16xf32>,
    %swap3A_222 = arith.constant 6 : i32
    %swap3A_223 = arith.index_cast %swap3A_222 : i32 to index
    %swap3A_224 = arith.constant 48 : index
    %swap3A_225 = tpu.vector_load %arg11[%swap3A_223, %swap3A_224] {strides = array<i32>} : memref<16x128xf32, #tpu.memory_space<vmem>>, vector<16xf32>,
    tpu.vector_store %arg11[%swap3A_223, %swap3A_224], %broadcast_in_dim3A_18 {strides = array<i32>} : memref<16x128xf32, #tpu.memory_space<vmem>>, vector<16xf32>,
    %swap3A_226 = arith.constant 6 : i32
    %swap3A_227 = arith.index_cast %swap3A_226 : i32 to index
    %swap3A_228 = arith.constant 64 : index
    %swap3A_229 = tpu.vector_load %arg11[%swap3A_227, %swap3A_228] {strides = array<i32>} : memref<16x128xf32, #tpu.memory_space<vmem>>, vector<16xf32>,
    tpu.vector_store %arg11[%swap3A_227, %swap3A_228], %broadcast_in_dim3A_18 {strides = array<i32>} : memref<16x128xf32, #tpu.memory_space<vmem>>, vector<16xf32>,
    %swap3A_230 = arith.constant 6 : i32
    %swap3A_231 = arith.index_cast %swap3A_230 : i32 to index
    %swap3A_232 = arith.constant 80 : index
    %swap3A_233 = tpu.vector_load %arg11[%swap3A_231, %swap3A_232] {strides = array<i32>} : memref<16x128xf32, #tpu.memory_space<vmem>>, vector<16xf32>,
    tpu.vector_store %arg11[%swap3A_231, %swap3A_232], %broadcast_in_dim3A_18 {strides = array<i32>} : memref<16x128xf32, #tpu.memory_space<vmem>>, vector<16xf32>,
    %swap3A_234 = arith.constant 6 : i32
    %swap3A_235 = arith.index_cast %swap3A_234 : i32 to index
    %swap3A_236 = arith.constant 96 : index
    %swap3A_237 = tpu.vector_load %arg11[%swap3A_235, %swap3A_236] {strides = array<i32>} : memref<16x128xf32, #tpu.memory_space<vmem>>, vector<16xf32>,
    tpu.vector_store %arg11[%swap3A_235, %swap3A_236], %broadcast_in_dim3A_18 {strides = array<i32>} : memref<16x128xf32, #tpu.memory_space<vmem>>, vector<16xf32>,
    %swap3A_238 = arith.constant 6 : i32
    %swap3A_239 = arith.index_cast %swap3A_238 : i32 to index
    %swap3A_240 = arith.constant 112 : index
    %swap3A_241 = tpu.vector_load %arg11[%swap3A_239, %swap3A_240] {strides = array<i32>} : memref<16x128xf32, #tpu.memory_space<vmem>>, vector<16xf32>,
    tpu.vector_store %arg11[%swap3A_239, %swap3A_240], %broadcast_in_dim3A_18 {strides = array<i32>} : memref<16x128xf32, #tpu.memory_space<vmem>>, vector<16xf32>,
    %swap3A_242 = arith.constant 7 : i32
    %swap3A_243 = arith.index_cast %swap3A_242 : i32 to index
    %swap3A_244 = arith.constant 0 : index
    %swap3A_245 = tpu.vector_load %arg11[%swap3A_243, %swap3A_244] {strides = array<i32>} : memref<16x128xf32, #tpu.memory_space<vmem>>, vector<16xf32>,
    tpu.vector_store %arg11[%swap3A_243, %swap3A_244], %broadcast_in_dim3A_18 {strides = array<i32>} : memref<16x128xf32, #tpu.memory_space<vmem>>, vector<16xf32>,
    %swap3A_246 = arith.constant 7 : i32
    %swap3A_247 = arith.index_cast %swap3A_246 : i32 to index
    %swap3A_248 = arith.constant 16 : index
    %swap3A_249 = tpu.vector_load %arg11[%swap3A_247, %swap3A_248] {strides = array<i32>} : memref<16x128xf32, #tpu.memory_space<vmem>>, vector<16xf32>,
    tpu.vector_store %arg11[%swap3A_247, %swap3A_248], %broadcast_in_dim3A_18 {strides = array<i32>} : memref<16x128xf32, #tpu.memory_space<vmem>>, vector<16xf32>,
    %swap3A_250 = arith.constant 7 : i32
    %swap3A_251 = arith.index_cast %swap3A_250 : i32 to index
    %swap3A_252 = arith.constant 32 : index
    %swap3A_253 = tpu.vector_load %arg11[%swap3A_251, %swap3A_252] {strides = array<i32>} : memref<16x128xf32, #tpu.memory_space<vmem>>, vector<16xf32>,
    tpu.vector_store %arg11[%swap3A_251, %swap3A_252], %broadcast_in_dim3A_18 {strides = array<i32>} : memref<16x128xf32, #tpu.memory_space<vmem>>, vector<16xf32>,
    %swap3A_254 = arith.constant 7 : i32
    %swap3A_255 = arith.index_cast %swap3A_254 : i32 to index
    %swap3A_256 = arith.constant 48 : index
    %swap3A_257 = tpu.vector_load %arg11[%swap3A_255, %swap3A_256] {strides = array<i32>} : memref<16x128xf32, #tpu.memory_space<vmem>>, vector<16xf32>,
    tpu.vector_store %arg11[%swap3A_255, %swap3A_256], %broadcast_in_dim3A_18 {strides = array<i32>} : memref<16x128xf32, #tpu.memory_space<vmem>>, vector<16xf32>,
    %swap3A_258 = arith.constant 7 : i32
    %swap3A_259 = arith.index_cast %swap3A_258 : i32 to index
    %swap3A_260 = arith.constant 64 : index
    %swap3A_261 = tpu.vector_load %arg11[%swap3A_259, %swap3A_260] {strides = array<i32>} : memref<16x128xf32, #tpu.memory_space<vmem>>, vector<16xf32>,
    tpu.vector_store %arg11[%swap3A_259, %swap3A_260], %broadcast_in_dim3A_18 {strides = array<i32>} : memref<16x128xf32, #tpu.memory_space<vmem>>, vector<16xf32>,
    %swap3A_262 = arith.constant 7 : i32
    %swap3A_263 = arith.index_cast %swap3A_262 : i32 to index
    %swap3A_264 = arith.constant 80 : index
    %swap3A_265 = tpu.vector_load %arg11[%swap3A_263, %swap3A_264] {strides = array<i32>} : memref<16x128xf32, #tpu.memory_space<vmem>>, vector<16xf32>,
    tpu.vector_store %arg11[%swap3A_263, %swap3A_264], %broadcast_in_dim3A_18 {strides = array<i32>} : memref<16x128xf32, #tpu.memory_space<vmem>>, vector<16xf32>,
    %swap3A_266 = arith.constant 7 : i32
    %swap3A_267 = arith.index_cast %swap3A_266 : i32 to index
    %swap3A_268 = arith.constant 96 : index
    %swap3A_269 = tpu.vector_load %arg11[%swap3A_267, %swap3A_268] {strides = array<i32>} : memref<16x128xf32, #tpu.memory_space<vmem>>, vector<16xf32>,
    tpu.vector_store %arg11[%swap3A_267, %swap3A_268], %broadcast_in_dim3A_18 {strides = array<i32>} : memref<16x128xf32, #tpu.memory_space<vmem>>, vector<16xf32>,
    %swap3A_270 = arith.constant 7 : i32
    %swap3A_271 = arith.index_cast %swap3A_270 : i32 to index
    %swap3A_272 = arith.constant 112 : index
    %swap3A_273 = tpu.vector_load %arg11[%swap3A_271, %swap3A_272] {strides = array<i32>} : memref<16x128xf32, #tpu.memory_space<vmem>>, vector<16xf32>,
    tpu.vector_store %arg11[%swap3A_271, %swap3A_272], %broadcast_in_dim3A_18 {strides = array<i32>} : memref<16x128xf32, #tpu.memory_space<vmem>>, vector<16xf32>,
    %swap3A_274 = arith.constant 8 : i32
    %swap3A_275 = arith.index_cast %swap3A_274 : i32 to index
    %swap3A_276 = arith.constant 0 : index
    %swap3A_277 = tpu.vector_load %arg11[%swap3A_275, %swap3A_276] {strides = array<i32>} : memref<16x128xf32, #tpu.memory_space<vmem>>, vector<16xf32>,
    tpu.vector_store %arg11[%swap3A_275, %swap3A_276], %broadcast_in_dim3A_18 {strides = array<i32>} : memref<16x128xf32, #tpu.memory_space<vmem>>, vector<16xf32>,
    %swap3A_278 = arith.constant 8 : i32
    %swap3A_279 = arith.index_cast %swap3A_278 : i32 to index
    %swap3A_280 = arith.constant 16 : index
    %swap3A_281 = tpu.vector_load %arg11[%swap3A_279, %swap3A_280] {strides = array<i32>} : memref<16x128xf32, #tpu.memory_space<vmem>>, vector<16xf32>,
    tpu.vector_store %arg11[%swap3A_279, %swap3A_280], %broadcast_in_dim3A_18 {strides = array<i32>} : memref<16x128xf32, #tpu.memory_space<vmem>>, vector<16xf32>,
    %swap3A_282 = arith.constant 8 : i32
    %swap3A_283 = arith.index_cast %swap3A_282 : i32 to index
    %swap3A_284 = arith.constant 32 : index
    %swap3A_285 = tpu.vector_load %arg11[%swap3A_283, %swap3A_284] {strides = array<i32>} : memref<16x128xf32, #tpu.memory_space<vmem>>, vector<16xf32>,
    tpu.vector_store %arg11[%swap3A_283, %swap3A_284], %broadcast_in_dim3A_18 {strides = array<i32>} : memref<16x128xf32, #tpu.memory_space<vmem>>, vector<16xf32>,
    %swap3A_286 = arith.constant 8 : i32
    %swap3A_287 = arith.index_cast %swap3A_286 : i32 to index
    %swap3A_288 = arith.constant 48 : index
    %swap3A_289 = tpu.vector_load %arg11[%swap3A_287, %swap3A_288] {strides = array<i32>} : memref<16x128xf32, #tpu.memory_space<vmem>>, vector<16xf32>,
    tpu.vector_store %arg11[%swap3A_287, %swap3A_288], %broadcast_in_dim3A_18 {strides = array<i32>} : memref<16x128xf32, #tpu.memory_space<vmem>>, vector<16xf32>,
    %swap3A_290 = arith.constant 8 : i32
    %swap3A_291 = arith.index_cast %swap3A_290 : i32 to index
    %swap3A_292 = arith.constant 64 : index
    %swap3A_293 = tpu.vector_load %arg11[%swap3A_291, %swap3A_292] {strides = array<i32>} : memref<16x128xf32, #tpu.memory_space<vmem>>, vector<16xf32>,
    tpu.vector_store %arg11[%swap3A_291, %swap3A_292], %broadcast_in_dim3A_18 {strides = array<i32>} : memref<16x128xf32, #tpu.memory_space<vmem>>, vector<16xf32>,
    %swap3A_294 = arith.constant 8 : i32
    %swap3A_295 = arith.index_cast %swap3A_294 : i32 to index
    %swap3A_296 = arith.constant 80 : index
    %swap3A_297 = tpu.vector_load %arg11[%swap3A_295, %swap3A_296] {strides = array<i32>} : memref<16x128xf32, #tpu.memory_space<vmem>>, vector<16xf32>,
    tpu.vector_store %arg11[%swap3A_295, %swap3A_296], %broadcast_in_dim3A_18 {strides = array<i32>} : memref<16x128xf32, #tpu.memory_space<vmem>>, vector<16xf32>,
    %swap3A_298 = arith.constant 8 : i32
    %swap3A_299 = arith.index_cast %swap3A_298 : i32 to index
    %swap3A_300 = arith.constant 96 : index
    %swap3A_301 = tpu.vector_load %arg11[%swap3A_299, %swap3A_300] {strides = array<i32>} : memref<16x128xf32, #tpu.memory_space<vmem>>, vector<16xf32>,
    tpu.vector_store %arg11[%swap3A_299, %swap3A_300], %broadcast_in_dim3A_18 {strides = array<i32>} : memref<16x128xf32, #tpu.memory_space<vmem>>, vector<16xf32>,
    %swap3A_302 = arith.constant 8 : i32
    %swap3A_303 = arith.index_cast %swap3A_302 : i32 to index
    %swap3A_304 = arith.constant 112 : index
    %swap3A_305 = tpu.vector_load %arg11[%swap3A_303, %swap3A_304] {strides = array<i32>} : memref<16x128xf32, #tpu.memory_space<vmem>>, vector<16xf32>,
    tpu.vector_store %arg11[%swap3A_303, %swap3A_304], %broadcast_in_dim3A_18 {strides = array<i32>} : memref<16x128xf32, #tpu.memory_space<vmem>>, vector<16xf32>,
    %swap3A_306 = arith.constant 9 : i32
    %swap3A_307 = arith.index_cast %swap3A_306 : i32 to index
    %swap3A_308 = arith.constant 0 : index
    %swap3A_309 = tpu.vector_load %arg11[%swap3A_307, %swap3A_308] {strides = array<i32>} : memref<16x128xf32, #tpu.memory_space<vmem>>, vector<16xf32>,
    tpu.vector_store %arg11[%swap3A_307, %swap3A_308], %broadcast_in_dim3A_18 {strides = array<i32>} : memref<16x128xf32, #tpu.memory_space<vmem>>, vector<16xf32>,
    %swap3A_310 = arith.constant 9 : i32
    %swap3A_311 = arith.index_cast %swap3A_310 : i32 to index
    %swap3A_312 = arith.constant 16 : index
    %swap3A_313 = tpu.vector_load %arg11[%swap3A_311, %swap3A_312] {strides = array<i32>} : memref<16x128xf32, #tpu.memory_space<vmem>>, vector<16xf32>,
    tpu.vector_store %arg11[%swap3A_311, %swap3A_312], %broadcast_in_dim3A_18 {strides = array<i32>} : memref<16x128xf32, #tpu.memory_space<vmem>>, vector<16xf32>,
    %swap3A_314 = arith.constant 9 : i32
    %swap3A_315 = arith.index_cast %swap3A_314 : i32 to index
    %swap3A_316 = arith.constant 32 : index
    %swap3A_317 = tpu.vector_load %arg11[%swap3A_315, %swap3A_316] {strides = array<i32>} : memref<16x128xf32, #tpu.memory_space<vmem>>, vector<16xf32>,
    tpu.vector_store %arg11[%swap3A_315, %swap3A_316], %broadcast_in_dim3A_18 {strides = array<i32>} : memref<16x128xf32, #tpu.memory_space<vmem>>, vector<16xf32>,
    %swap3A_318 = arith.constant 9 : i32
    %swap3A_319 = arith.index_cast %swap3A_318 : i32 to index
    %swap3A_320 = arith.constant 48 : index
    %swap3A_321 = tpu.vector_load %arg11[%swap3A_319, %swap3A_320] {strides = array<i32>} : memref<16x128xf32, #tpu.memory_space<vmem>>, vector<16xf32>,
    tpu.vector_store %arg11[%swap3A_319, %swap3A_320], %broadcast_in_dim3A_18 {strides = array<i32>} : memref<16x128xf32, #tpu.memory_space<vmem>>, vector<16xf32>,
    %swap3A_322 = arith.constant 9 : i32
    %swap3A_323 = arith.index_cast %swap3A_322 : i32 to index
    %swap3A_324 = arith.constant 64 : index
    %swap3A_325 = tpu.vector_load %arg11[%swap3A_323, %swap3A_324] {strides = array<i32>} : memref<16x128xf32, #tpu.memory_space<vmem>>, vector<16xf32>,
    tpu.vector_store %arg11[%swap3A_323, %swap3A_324], %broadcast_in_dim3A_18 {strides = array<i32>} : memref<16x128xf32, #tpu.memory_space<vmem>>, vector<16xf32>,
    %swap3A_326 = arith.constant 9 : i32
    %swap3A_327 = arith.index_cast %swap3A_326 : i32 to index
    %swap3A_328 = arith.constant 80 : index
    %swap3A_329 = tpu.vector_load %arg11[%swap3A_327, %swap3A_328] {strides = array<i32>} : memref<16x128xf32, #tpu.memory_space<vmem>>, vector<16xf32>,
    tpu.vector_store %arg11[%swap3A_327, %swap3A_328], %broadcast_in_dim3A_18 {strides = array<i32>} : memref<16x128xf32, #tpu.memory_space<vmem>>, vector<16xf32>,
    %swap3A_330 = arith.constant 9 : i32
    %swap3A_331 = arith.index_cast %swap3A_330 : i32 to index
    %swap3A_332 = arith.constant 96 : index
    %swap3A_333 = tpu.vector_load %arg11[%swap3A_331, %swap3A_332] {strides = array<i32>} : memref<16x128xf32, #tpu.memory_space<vmem>>, vector<16xf32>,
    tpu.vector_store %arg11[%swap3A_331, %swap3A_332], %broadcast_in_dim3A_18 {strides = array<i32>} : memref<16x128xf32, #tpu.memory_space<vmem>>, vector<16xf32>,
    %swap3A_334 = arith.constant 9 : i32
    %swap3A_335 = arith.index_cast %swap3A_334 : i32 to index
    %swap3A_336 = arith.constant 112 : index
    %swap3A_337 = tpu.vector_load %arg11[%swap3A_335, %swap3A_336] {strides = array<i32>} : memref<16x128xf32, #tpu.memory_space<vmem>>, vector<16xf32>,
    tpu.vector_store %arg11[%swap3A_335, %swap3A_336], %broadcast_in_dim3A_18 {strides = array<i32>} : memref<16x128xf32, #tpu.memory_space<vmem>>, vector<16xf32>,
    %swap3A_338 = arith.constant 10 : i32
    %swap3A_339 = arith.index_cast %swap3A_338 : i32 to index
    %swap3A_340 = arith.constant 0 : index
    %swap3A_341 = tpu.vector_load %arg11[%swap3A_339, %swap3A_340] {strides = array<i32>} : memref<16x128xf32, #tpu.memory_space<vmem>>, vector<16xf32>,
    tpu.vector_store %arg11[%swap3A_339, %swap3A_340], %broadcast_in_dim3A_18 {strides = array<i32>} : memref<16x128xf32, #tpu.memory_space<vmem>>, vector<16xf32>,
    %swap3A_342 = arith.constant 10 : i32
    %swap3A_343 = arith.index_cast %swap3A_342 : i32 to index
    %swap3A_344 = arith.constant 16 : index
    %swap3A_345 = tpu.vector_load %arg11[%swap3A_343, %swap3A_344] {strides = array<i32>} : memref<16x128xf32, #tpu.memory_space<vmem>>, vector<16xf32>,
    tpu.vector_store %arg11[%swap3A_343, %swap3A_344], %broadcast_in_dim3A_18 {strides = array<i32>} : memref<16x128xf32, #tpu.memory_space<vmem>>, vector<16xf32>,
    %swap3A_346 = arith.constant 10 : i32
    %swap3A_347 = arith.index_cast %swap3A_346 : i32 to index
    %swap3A_348 = arith.constant 32 : index
    %swap3A_349 = tpu.vector_load %arg11[%swap3A_347, %swap3A_348] {strides = array<i32>} : memref<16x128xf32, #tpu.memory_space<vmem>>, vector<16xf32>,
    tpu.vector_store %arg11[%swap3A_347, %swap3A_348], %broadcast_in_dim3A_18 {strides = array<i32>} : memref<16x128xf32, #tpu.memory_space<vmem>>, vector<16xf32>,
    %swap3A_350 = arith.constant 10 : i32
    %swap3A_351 = arith.index_cast %swap3A_350 : i32 to index
    %swap3A_352 = arith.constant 48 : index
    %swap3A_353 = tpu.vector_load %arg11[%swap3A_351, %swap3A_352] {strides = array<i32>} : memref<16x128xf32, #tpu.memory_space<vmem>>, vector<16xf32>,
    tpu.vector_store %arg11[%swap3A_351, %swap3A_352], %broadcast_in_dim3A_18 {strides = array<i32>} : memref<16x128xf32, #tpu.memory_space<vmem>>, vector<16xf32>,
    %swap3A_354 = arith.constant 10 : i32
    %swap3A_355 = arith.index_cast %swap3A_354 : i32 to index
    %swap3A_356 = arith.constant 64 : index
    %swap3A_357 = tpu.vector_load %arg11[%swap3A_355, %swap3A_356] {strides = array<i32>} : memref<16x128xf32, #tpu.memory_space<vmem>>, vector<16xf32>,
    tpu.vector_store %arg11[%swap3A_355, %swap3A_356], %broadcast_in_dim3A_18 {strides = array<i32>} : memref<16x128xf32, #tpu.memory_space<vmem>>, vector<16xf32>,
    %swap3A_358 = arith.constant 10 : i32
    %swap3A_359 = arith.index_cast %swap3A_358 : i32 to index
    %swap3A_360 = arith.constant 80 : index
    %swap3A_361 = tpu.vector_load %arg11[%swap3A_359, %swap3A_360] {strides = array<i32>} : memref<16x128xf32, #tpu.memory_space<vmem>>, vector<16xf32>,
    tpu.vector_store %arg11[%swap3A_359, %swap3A_360], %broadcast_in_dim3A_18 {strides = array<i32>} : memref<16x128xf32, #tpu.memory_space<vmem>>, vector<16xf32>,
    %swap3A_362 = arith.constant 10 : i32
    %swap3A_363 = arith.index_cast %swap3A_362 : i32 to index
    %swap3A_364 = arith.constant 96 : index
    %swap3A_365 = tpu.vector_load %arg11[%swap3A_363, %swap3A_364] {strides = array<i32>} : memref<16x128xf32, #tpu.memory_space<vmem>>, vector<16xf32>,
    tpu.vector_store %arg11[%swap3A_363, %swap3A_364], %broadcast_in_dim3A_18 {strides = array<i32>} : memref<16x128xf32, #tpu.memory_space<vmem>>, vector<16xf32>,
    %swap3A_366 = arith.constant 10 : i32
    %swap3A_367 = arith.index_cast %swap3A_366 : i32 to index
    %swap3A_368 = arith.constant 112 : index
    %swap3A_369 = tpu.vector_load %arg11[%swap3A_367, %swap3A_368] {strides = array<i32>} : memref<16x128xf32, #tpu.memory_space<vmem>>, vector<16xf32>,
    tpu.vector_store %arg11[%swap3A_367, %swap3A_368], %broadcast_in_dim3A_18 {strides = array<i32>} : memref<16x128xf32, #tpu.memory_space<vmem>>, vector<16xf32>,
    %swap3A_370 = arith.constant 11 : i32
    %swap3A_371 = arith.index_cast %swap3A_370 : i32 to index
    %swap3A_372 = arith.constant 0 : index
    %swap3A_373 = tpu.vector_load %arg11[%swap3A_371, %swap3A_372] {strides = array<i32>} : memref<16x128xf32, #tpu.memory_space<vmem>>, vector<16xf32>,
    tpu.vector_store %arg11[%swap3A_371, %swap3A_372], %broadcast_in_dim3A_18 {strides = array<i32>} : memref<16x128xf32, #tpu.memory_space<vmem>>, vector<16xf32>,
    %swap3A_374 = arith.constant 11 : i32
    %swap3A_375 = arith.index_cast %swap3A_374 : i32 to index
    %swap3A_376 = arith.constant 16 : index
    %swap3A_377 = tpu.vector_load %arg11[%swap3A_375, %swap3A_376] {strides = array<i32>} : memref<16x128xf32, #tpu.memory_space<vmem>>, vector<16xf32>,
    tpu.vector_store %arg11[%swap3A_375, %swap3A_376], %broadcast_in_dim3A_18 {strides = array<i32>} : memref<16x128xf32, #tpu.memory_space<vmem>>, vector<16xf32>,
    %swap3A_378 = arith.constant 11 : i32
    %swap3A_379 = arith.index_cast %swap3A_378 : i32 to index
    %swap3A_380 = arith.constant 32 : index
    %swap3A_381 = tpu.vector_load %arg11[%swap3A_379, %swap3A_380] {strides = array<i32>} : memref<16x128xf32, #tpu.memory_space<vmem>>, vector<16xf32>,
    tpu.vector_store %arg11[%swap3A_379, %swap3A_380], %broadcast_in_dim3A_18 {strides = array<i32>} : memref<16x128xf32, #tpu.memory_space<vmem>>, vector<16xf32>,
    %swap3A_382 = arith.constant 11 : i32
    %swap3A_383 = arith.index_cast %swap3A_382 : i32 to index
    %swap3A_384 = arith.constant 48 : index
    %swap3A_385 = tpu.vector_load %arg11[%swap3A_383, %swap3A_384] {strides = array<i32>} : memref<16x128xf32, #tpu.memory_space<vmem>>, vector<16xf32>,
    tpu.vector_store %arg11[%swap3A_383, %swap3A_384], %broadcast_in_dim3A_18 {strides = array<i32>} : memref<16x128xf32, #tpu.memory_space<vmem>>, vector<16xf32>,
    %swap3A_386 = arith.constant 11 : i32
    %swap3A_387 = arith.index_cast %swap3A_386 : i32 to index
    %swap3A_388 = arith.constant 64 : index
    %swap3A_389 = tpu.vector_load %arg11[%swap3A_387, %swap3A_388] {strides = array<i32>} : memref<16x128xf32, #tpu.memory_space<vmem>>, vector<16xf32>,
    tpu.vector_store %arg11[%swap3A_387, %swap3A_388], %broadcast_in_dim3A_18 {strides = array<i32>} : memref<16x128xf32, #tpu.memory_space<vmem>>, vector<16xf32>,
    %swap3A_390 = arith.constant 11 : i32
    %swap3A_391 = arith.index_cast %swap3A_390 : i32 to index
    %swap3A_392 = arith.constant 80 : index
    %swap3A_393 = tpu.vector_load %arg11[%swap3A_391, %swap3A_392] {strides = array<i32>} : memref<16x128xf32, #tpu.memory_space<vmem>>, vector<16xf32>,
    tpu.vector_store %arg11[%swap3A_391, %swap3A_392], %broadcast_in_dim3A_18 {strides = array<i32>} : memref<16x128xf32, #tpu.memory_space<vmem>>, vector<16xf32>,
    %swap3A_394 = arith.constant 11 : i32
    %swap3A_395 = arith.index_cast %swap3A_394 : i32 to index
    %swap3A_396 = arith.constant 96 : index
    %swap3A_397 = tpu.vector_load %arg11[%swap3A_395, %swap3A_396] {strides = array<i32>} : memref<16x128xf32, #tpu.memory_space<vmem>>, vector<16xf32>,
    tpu.vector_store %arg11[%swap3A_395, %swap3A_396], %broadcast_in_dim3A_18 {strides = array<i32>} : memref<16x128xf32, #tpu.memory_space<vmem>>, vector<16xf32>,
    %swap3A_398 = arith.constant 11 : i32
    %swap3A_399 = arith.index_cast %swap3A_398 : i32 to index
    %swap3A_400 = arith.constant 112 : index
    %swap3A_401 = tpu.vector_load %arg11[%swap3A_399, %swap3A_400] {strides = array<i32>} : memref<16x128xf32, #tpu.memory_space<vmem>>, vector<16xf32>,
    tpu.vector_store %arg11[%swap3A_399, %swap3A_400], %broadcast_in_dim3A_18 {strides = array<i32>} : memref<16x128xf32, #tpu.memory_space<vmem>>, vector<16xf32>,
    %swap3A_402 = arith.constant 12 : i32
    %swap3A_403 = arith.index_cast %swap3A_402 : i32 to index
    %swap3A_404 = arith.constant 0 : index
    %swap3A_405 = tpu.vector_load %arg11[%swap3A_403, %swap3A_404] {strides = array<i32>} : memref<16x128xf32, #tpu.memory_space<vmem>>, vector<16xf32>,
    tpu.vector_store %arg11[%swap3A_403, %swap3A_404], %broadcast_in_dim3A_18 {strides = array<i32>} : memref<16x128xf32, #tpu.memory_space<vmem>>, vector<16xf32>,
    %swap3A_406 = arith.constant 12 : i32
    %swap3A_407 = arith.index_cast %swap3A_406 : i32 to index
    %swap3A_408 = arith.constant 16 : index
    %swap3A_409 = tpu.vector_load %arg11[%swap3A_407, %swap3A_408] {strides = array<i32>} : memref<16x128xf32, #tpu.memory_space<vmem>>, vector<16xf32>,
    tpu.vector_store %arg11[%swap3A_407, %swap3A_408], %broadcast_in_dim3A_18 {strides = array<i32>} : memref<16x128xf32, #tpu.memory_space<vmem>>, vector<16xf32>,
    %swap3A_410 = arith.constant 12 : i32
    %swap3A_411 = arith.index_cast %swap3A_410 : i32 to index
    %swap3A_412 = arith.constant 32 : index
    %swap3A_413 = tpu.vector_load %arg11[%swap3A_411, %swap3A_412] {strides = array<i32>} : memref<16x128xf32, #tpu.memory_space<vmem>>, vector<16xf32>,
    tpu.vector_store %arg11[%swap3A_411, %swap3A_412], %broadcast_in_dim3A_18 {strides = array<i32>} : memref<16x128xf32, #tpu.memory_space<vmem>>, vector<16xf32>,
    %swap3A_414 = arith.constant 12 : i32
    %swap3A_415 = arith.index_cast %swap3A_414 : i32 to index
    %swap3A_416 = arith.constant 48 : index
    %swap3A_417 = tpu.vector_load %arg11[%swap3A_415, %swap3A_416] {strides = array<i32>} : memref<16x128xf32, #tpu.memory_space<vmem>>, vector<16xf32>,
    tpu.vector_store %arg11[%swap3A_415, %swap3A_416], %broadcast_in_dim3A_18 {strides = array<i32>} : memref<16x128xf32, #tpu.memory_space<vmem>>, vector<16xf32>,
    %swap3A_418 = arith.constant 12 : i32
    %swap3A_419 = arith.index_cast %swap3A_418 : i32 to index
    %swap3A_420 = arith.constant 64 : index
    %swap3A_421 = tpu.vector_load %arg11[%swap3A_419, %swap3A_420] {strides = array<i32>} : memref<16x128xf32, #tpu.memory_space<vmem>>, vector<16xf32>,
    tpu.vector_store %arg11[%swap3A_419, %swap3A_420], %broadcast_in_dim3A_18 {strides = array<i32>} : memref<16x128xf32, #tpu.memory_space<vmem>>, vector<16xf32>,
    %swap3A_422 = arith.constant 12 : i32
    %swap3A_423 = arith.index_cast %swap3A_422 : i32 to index
    %swap3A_424 = arith.constant 80 : index
    %swap3A_425 = tpu.vector_load %arg11[%swap3A_423, %swap3A_424] {strides = array<i32>} : memref<16x128xf32, #tpu.memory_space<vmem>>, vector<16xf32>,
    tpu.vector_store %arg11[%swap3A_423, %swap3A_424], %broadcast_in_dim3A_18 {strides = array<i32>} : memref<16x128xf32, #tpu.memory_space<vmem>>, vector<16xf32>,
    %swap3A_426 = arith.constant 12 : i32
    %swap3A_427 = arith.index_cast %swap3A_426 : i32 to index
    %swap3A_428 = arith.constant 96 : index
    %swap3A_429 = tpu.vector_load %arg11[%swap3A_427, %swap3A_428] {strides = array<i32>} : memref<16x128xf32, #tpu.memory_space<vmem>>, vector<16xf32>,
    tpu.vector_store %arg11[%swap3A_427, %swap3A_428], %broadcast_in_dim3A_18 {strides = array<i32>} : memref<16x128xf32, #tpu.memory_space<vmem>>, vector<16xf32>,
    %swap3A_430 = arith.constant 12 : i32
    %swap3A_431 = arith.index_cast %swap3A_430 : i32 to index
    %swap3A_432 = arith.constant 112 : index
    %swap3A_433 = tpu.vector_load %arg11[%swap3A_431, %swap3A_432] {strides = array<i32>} : memref<16x128xf32, #tpu.memory_space<vmem>>, vector<16xf32>,
    tpu.vector_store %arg11[%swap3A_431, %swap3A_432], %broadcast_in_dim3A_18 {strides = array<i32>} : memref<16x128xf32, #tpu.memory_space<vmem>>, vector<16xf32>,
    %swap3A_434 = arith.constant 13 : i32
    %swap3A_435 = arith.index_cast %swap3A_434 : i32 to index
    %swap3A_436 = arith.constant 0 : index
    %swap3A_437 = tpu.vector_load %arg11[%swap3A_435, %swap3A_436] {strides = array<i32>} : memref<16x128xf32, #tpu.memory_space<vmem>>, vector<16xf32>,
    tpu.vector_store %arg11[%swap3A_435, %swap3A_436], %broadcast_in_dim3A_18 {strides = array<i32>} : memref<16x128xf32, #tpu.memory_space<vmem>>, vector<16xf32>,
    %swap3A_438 = arith.constant 13 : i32
    %swap3A_439 = arith.index_cast %swap3A_438 : i32 to index
    %swap3A_440 = arith.constant 16 : index
    %swap3A_441 = tpu.vector_load %arg11[%swap3A_439, %swap3A_440] {strides = array<i32>} : memref<16x128xf32, #tpu.memory_space<vmem>>, vector<16xf32>,
    tpu.vector_store %arg11[%swap3A_439, %swap3A_440], %broadcast_in_dim3A_18 {strides = array<i32>} : memref<16x128xf32, #tpu.memory_space<vmem>>, vector<16xf32>,
    %swap3A_442 = arith.constant 13 : i32
    %swap3A_443 = arith.index_cast %swap3A_442 : i32 to index
    %swap3A_444 = arith.constant 32 : index
    %swap3A_445 = tpu.vector_load %arg11[%swap3A_443, %swap3A_444] {strides = array<i32>} : memref<16x128xf32, #tpu.memory_space<vmem>>, vector<16xf32>,
    tpu.vector_store %arg11[%swap3A_443, %swap3A_444], %broadcast_in_dim3A_18 {strides = array<i32>} : memref<16x128xf32, #tpu.memory_space<vmem>>, vector<16xf32>,
    %swap3A_446 = arith.constant 13 : i32
    %swap3A_447 = arith.index_cast %swap3A_446 : i32 to index
    %swap3A_448 = arith.constant 48 : index
    %swap3A_449 = tpu.vector_load %arg11[%swap3A_447, %swap3A_448] {strides = array<i32>} : memref<16x128xf32, #tpu.memory_space<vmem>>, vector<16xf32>,
    tpu.vector_store %arg11[%swap3A_447, %swap3A_448], %broadcast_in_dim3A_18 {strides = array<i32>} : memref<16x128xf32, #tpu.memory_space<vmem>>, vector<16xf32>,
    %swap3A_450 = arith.constant 13 : i32
    %swap3A_451 = arith.index_cast %swap3A_450 : i32 to index
    %swap3A_452 = arith.constant 64 : index
    %swap3A_453 = tpu.vector_load %arg11[%swap3A_451, %swap3A_452] {strides = array<i32>} : memref<16x128xf32, #tpu.memory_space<vmem>>, vector<16xf32>,
    tpu.vector_store %arg11[%swap3A_451, %swap3A_452], %broadcast_in_dim3A_18 {strides = array<i32>} : memref<16x128xf32, #tpu.memory_space<vmem>>, vector<16xf32>,
    %swap3A_454 = arith.constant 13 : i32
    %swap3A_455 = arith.index_cast %swap3A_454 : i32 to index
    %swap3A_456 = arith.constant 80 : index
    %swap3A_457 = tpu.vector_load %arg11[%swap3A_455, %swap3A_456] {strides = array<i32>} : memref<16x128xf32, #tpu.memory_space<vmem>>, vector<16xf32>,
    tpu.vector_store %arg11[%swap3A_455, %swap3A_456], %broadcast_in_dim3A_18 {strides = array<i32>} : memref<16x128xf32, #tpu.memory_space<vmem>>, vector<16xf32>,
    %swap3A_458 = arith.constant 13 : i32
    %swap3A_459 = arith.index_cast %swap3A_458 : i32 to index
    %swap3A_460 = arith.constant 96 : index
    %swap3A_461 = tpu.vector_load %arg11[%swap3A_459, %swap3A_460] {strides = array<i32>} : memref<16x128xf32, #tpu.memory_space<vmem>>, vector<16xf32>,
    tpu.vector_store %arg11[%swap3A_459, %swap3A_460], %broadcast_in_dim3A_18 {strides = array<i32>} : memref<16x128xf32, #tpu.memory_space<vmem>>, vector<16xf32>,
    %swap3A_462 = arith.constant 13 : i32
    %swap3A_463 = arith.index_cast %swap3A_462 : i32 to index
    %swap3A_464 = arith.constant 112 : index
    %swap3A_465 = tpu.vector_load %arg11[%swap3A_463, %swap3A_464] {strides = array<i32>} : memref<16x128xf32, #tpu.memory_space<vmem>>, vector<16xf32>,
    tpu.vector_store %arg11[%swap3A_463, %swap3A_464], %broadcast_in_dim3A_18 {strides = array<i32>} : memref<16x128xf32, #tpu.memory_space<vmem>>, vector<16xf32>,
    %swap3A_466 = arith.constant 14 : i32
    %swap3A_467 = arith.index_cast %swap3A_466 : i32 to index
    %swap3A_468 = arith.constant 0 : index
    %swap3A_469 = tpu.vector_load %arg11[%swap3A_467, %swap3A_468] {strides = array<i32>} : memref<16x128xf32, #tpu.memory_space<vmem>>, vector<16xf32>,
    tpu.vector_store %arg11[%swap3A_467, %swap3A_468], %broadcast_in_dim3A_18 {strides = array<i32>} : memref<16x128xf32, #tpu.memory_space<vmem>>, vector<16xf32>,
    %swap3A_470 = arith.constant 14 : i32
    %swap3A_471 = arith.index_cast %swap3A_470 : i32 to index
    %swap3A_472 = arith.constant 16 : index
    %swap3A_473 = tpu.vector_load %arg11[%swap3A_471, %swap3A_472] {strides = array<i32>} : memref<16x128xf32, #tpu.memory_space<vmem>>, vector<16xf32>,
    tpu.vector_store %arg11[%swap3A_471, %swap3A_472], %broadcast_in_dim3A_18 {strides = array<i32>} : memref<16x128xf32, #tpu.memory_space<vmem>>, vector<16xf32>,
    %swap3A_474 = arith.constant 14 : i32
    %swap3A_475 = arith.index_cast %swap3A_474 : i32 to index
    %swap3A_476 = arith.constant 32 : index
    %swap3A_477 = tpu.vector_load %arg11[%swap3A_475, %swap3A_476] {strides = array<i32>} : memref<16x128xf32, #tpu.memory_space<vmem>>, vector<16xf32>,
    tpu.vector_store %arg11[%swap3A_475, %swap3A_476], %broadcast_in_dim3A_18 {strides = array<i32>} : memref<16x128xf32, #tpu.memory_space<vmem>>, vector<16xf32>,
    %swap3A_478 = arith.constant 14 : i32
    %swap3A_479 = arith.index_cast %swap3A_478 : i32 to index
    %swap3A_480 = arith.constant 48 : index
    %swap3A_481 = tpu.vector_load %arg11[%swap3A_479, %swap3A_480] {strides = array<i32>} : memref<16x128xf32, #tpu.memory_space<vmem>>, vector<16xf32>,
    tpu.vector_store %arg11[%swap3A_479, %swap3A_480], %broadcast_in_dim3A_18 {strides = array<i32>} : memref<16x128xf32, #tpu.memory_space<vmem>>, vector<16xf32>,
    %swap3A_482 = arith.constant 14 : i32
    %swap3A_483 = arith.index_cast %swap3A_482 : i32 to index
    %swap3A_484 = arith.constant 64 : index
    %swap3A_485 = tpu.vector_load %arg11[%swap3A_483, %swap3A_484] {strides = array<i32>} : memref<16x128xf32, #tpu.memory_space<vmem>>, vector<16xf32>,
    tpu.vector_store %arg11[%swap3A_483, %swap3A_484], %broadcast_in_dim3A_18 {strides = array<i32>} : memref<16x128xf32, #tpu.memory_space<vmem>>, vector<16xf32>,
    %swap3A_486 = arith.constant 14 : i32
    %swap3A_487 = arith.index_cast %swap3A_486 : i32 to index
    %swap3A_488 = arith.constant 80 : index
    %swap3A_489 = tpu.vector_load %arg11[%swap3A_487, %swap3A_488] {strides = array<i32>} : memref<16x128xf32, #tpu.memory_space<vmem>>, vector<16xf32>,
    tpu.vector_store %arg11[%swap3A_487, %swap3A_488], %broadcast_in_dim3A_18 {strides = array<i32>} : memref<16x128xf32, #tpu.memory_space<vmem>>, vector<16xf32>,
    %swap3A_490 = arith.constant 14 : i32
    %swap3A_491 = arith.index_cast %swap3A_490 : i32 to index
    %swap3A_492 = arith.constant 96 : index
    %swap3A_493 = tpu.vector_load %arg11[%swap3A_491, %swap3A_492] {strides = array<i32>} : memref<16x128xf32, #tpu.memory_space<vmem>>, vector<16xf32>,
    tpu.vector_store %arg11[%swap3A_491, %swap3A_492], %broadcast_in_dim3A_18 {strides = array<i32>} : memref<16x128xf32, #tpu.memory_space<vmem>>, vector<16xf32>,
    %swap3A_494 = arith.constant 14 : i32
    %swap3A_495 = arith.index_cast %swap3A_494 : i32 to index
    %swap3A_496 = arith.constant 112 : index
    %swap3A_497 = tpu.vector_load %arg11[%swap3A_495, %swap3A_496] {strides = array<i32>} : memref<16x128xf32, #tpu.memory_space<vmem>>, vector<16xf32>,
    tpu.vector_store %arg11[%swap3A_495, %swap3A_496], %broadcast_in_dim3A_18 {strides = array<i32>} : memref<16x128xf32, #tpu.memory_space<vmem>>, vector<16xf32>,
    %swap3A_498 = arith.constant 15 : i32
    %swap3A_499 = arith.index_cast %swap3A_498 : i32 to index
    %swap3A_500 = arith.constant 0 : index
    %swap3A_501 = tpu.vector_load %arg11[%swap3A_499, %swap3A_500] {strides = array<i32>} : memref<16x128xf32, #tpu.memory_space<vmem>>, vector<16xf32>,
    tpu.vector_store %arg11[%swap3A_499, %swap3A_500], %broadcast_in_dim3A_18 {strides = array<i32>} : memref<16x128xf32, #tpu.memory_space<vmem>>, vector<16xf32>,
    %swap3A_502 = arith.constant 15 : i32
    %swap3A_503 = arith.index_cast %swap3A_502 : i32 to index
    %swap3A_504 = arith.constant 16 : index
    %swap3A_505 = tpu.vector_load %arg11[%swap3A_503, %swap3A_504] {strides = array<i32>} : memref<16x128xf32, #tpu.memory_space<vmem>>, vector<16xf32>,
    tpu.vector_store %arg11[%swap3A_503, %swap3A_504], %broadcast_in_dim3A_18 {strides = array<i32>} : memref<16x128xf32, #tpu.memory_space<vmem>>, vector<16xf32>,
    %swap3A_506 = arith.constant 15 : i32
    %swap3A_507 = arith.index_cast %swap3A_506 : i32 to index
    %swap3A_508 = arith.constant 32 : index
    %swap3A_509 = tpu.vector_load %arg11[%swap3A_507, %swap3A_508] {strides = array<i32>} : memref<16x128xf32, #tpu.memory_space<vmem>>, vector<16xf32>,
    tpu.vector_store %arg11[%swap3A_507, %swap3A_508], %broadcast_in_dim3A_18 {strides = array<i32>} : memref<16x128xf32, #tpu.memory_space<vmem>>, vector<16xf32>,
    %swap3A_510 = arith.constant 15 : i32
    %swap3A_511 = arith.index_cast %swap3A_510 : i32 to index
    %swap3A_512 = arith.constant 48 : index
    %swap3A_513 = tpu.vector_load %arg11[%swap3A_511, %swap3A_512] {strides = array<i32>} : memref<16x128xf32, #tpu.memory_space<vmem>>, vector<16xf32>,
    tpu.vector_store %arg11[%swap3A_511, %swap3A_512], %broadcast_in_dim3A_18 {strides = array<i32>} : memref<16x128xf32, #tpu.memory_space<vmem>>, vector<16xf32>,
    %swap3A_514 = arith.constant 15 : i32
    %swap3A_515 = arith.index_cast %swap3A_514 : i32 to index
    %swap3A_516 = arith.constant 64 : index
    %swap3A_517 = tpu.vector_load %arg11[%swap3A_515, %swap3A_516] {strides = array<i32>} : memref<16x128xf32, #tpu.memory_space<vmem>>, vector<16xf32>,
    tpu.vector_store %arg11[%swap3A_515, %swap3A_516], %broadcast_in_dim3A_18 {strides = array<i32>} : memref<16x128xf32, #tpu.memory_space<vmem>>, vector<16xf32>,
    %swap3A_518 = arith.constant 15 : i32
    %swap3A_519 = arith.index_cast %swap3A_518 : i32 to index
    %swap3A_520 = arith.constant 80 : index
    %swap3A_521 = tpu.vector_load %arg11[%swap3A_519, %swap3A_520] {strides = array<i32>} : memref<16x128xf32, #tpu.memory_space<vmem>>, vector<16xf32>,
    tpu.vector_store %arg11[%swap3A_519, %swap3A_520], %broadcast_in_dim3A_18 {strides = array<i32>} : memref<16x128xf32, #tpu.memory_space<vmem>>, vector<16xf32>,
    %swap3A_522 = arith.constant 15 : i32
    %swap3A_523 = arith.index_cast %swap3A_522 : i32 to index
    %swap3A_524 = arith.constant 96 : index
    %swap3A_525 = tpu.vector_load %arg11[%swap3A_523, %swap3A_524] {strides = array<i32>} : memref<16x128xf32, #tpu.memory_space<vmem>>, vector<16xf32>,
    tpu.vector_store %arg11[%swap3A_523, %swap3A_524], %broadcast_in_dim3A_18 {strides = array<i32>} : memref<16x128xf32, #tpu.memory_space<vmem>>, vector<16xf32>,
    %swap3A_526 = arith.constant 15 : i32
    %swap3A_527 = arith.index_cast %swap3A_526 : i32 to index
    %swap3A_528 = arith.constant 112 : index
    %swap3A_529 = tpu.vector_load %arg11[%swap3A_527, %swap3A_528] {strides = array<i32>} : memref<16x128xf32, #tpu.memory_space<vmem>>, vector<16xf32>,
    tpu.vector_store %arg11[%swap3A_527, %swap3A_528], %broadcast_in_dim3A_18 {strides = array<i32>} : memref<16x128xf32, #tpu.memory_space<vmem>>, vector<16xf32>,
    %iota3A = tpu.iota {dimensions = array<i32: 0>} : vector<16xi32>
    %add3A_530 = arith.constant 0 : i32
    %add3A_531 = vector.broadcast %add3A_530 : i32 to vector<16xi32>
    %add3A_532 = arith.addi %iota3A, %add3A_531 : vector<16xi32>
    %add3A_533 = arith.constant 512 : i32
    %add3A_534 = vector.broadcast %add3A_533 : i32 to vector<16xi32>
    %add3A_535 = arith.addi %iota3A, %add3A_534 : vector<16xi32>
    %add3A_536 = arith.constant 1024 : i32
    %add3A_537 = vector.broadcast %add3A_536 : i32 to vector<16xi32>
    %add3A_538 = arith.addi %iota3A, %add3A_537 : vector<16xi32>
    %add3A_539 = arith.constant 1536 : i32
    %add3A_540 = vector.broadcast %add3A_539 : i32 to vector<16xi32>
    %add3A_541 = arith.addi %iota3A, %add3A_540 : vector<16xi32>
    %and3A = arith.constant 7 : i32
    %and3A_542 = vector.broadcast %and3A : i32 to vector<16xi32>
    %and3A_543 = arith.andi %iota3A, %and3A_542 : vector<16xi32>
    %add3A_544 = arith.constant 8 : i32
    %add3A_545 = vector.broadcast %add3A_544 : i32 to vector<16xi32>
    %add3A_546 = arith.addi %and3A_543, %add3A_545 : vector<16xi32>
    %dma_wait3A = tpu.memref_slice %arg4[%add3A_4] : memref<32768xi32, #tpu.memory_space<hbm>> -> memref<1024xi32, #tpu.memory_space<hbm>>
    %dma_wait3A_547 = tpu.memref_slice %arg4[%add3A_4] : memref<32768xi32, #tpu.memory_space<hbm>> -> memref<1024xi32, #tpu.memory_space<hbm>>
    tpu.wait_dma2 semaphore(%arg14 : memref<!tpu.dma_semaphore, #tpu.memory_space<semaphore_mem>>) src(%dma_wait3A_547 : memref<1024xi32, #tpu.memory_space<hbm>>) dst(%arg10 : memref<1024xi32, #tpu.memory_space<vmem>>)
    %dma_wait3A_548 = tpu.memref_slice %arg2[%mul3A_9] : memref<524288xf32, #tpu.memory_space<hbm>> -> memref<8192xf32, #tpu.memory_space<hbm>>
    %dma_wait3A_549 = tpu.memref_slice %arg2[%mul3A_9] : memref<524288xf32, #tpu.memory_space<hbm>> -> memref<8192xf32, #tpu.memory_space<hbm>>
    tpu.wait_dma2 semaphore(%arg12 : memref<!tpu.dma_semaphore, #tpu.memory_space<semaphore_mem>>) src(%dma_wait3A_549 : memref<8192xf32, #tpu.memory_space<hbm>>) dst(%arg6 : memref<8192xf32, #tpu.memory_space<vmem>>)
    %dma_wait3A_550 = tpu.memref_slice %arg3[%mul3A_15] : memref<524288xf32, #tpu.memory_space<hbm>> -> memref<8192xf32, #tpu.memory_space<hbm>>
    %dma_wait3A_551 = tpu.memref_slice %arg3[%mul3A_15] : memref<524288xf32, #tpu.memory_space<hbm>> -> memref<8192xf32, #tpu.memory_space<hbm>>
    tpu.wait_dma2 semaphore(%arg12 : memref<!tpu.dma_semaphore, #tpu.memory_space<semaphore_mem>>) src(%dma_wait3A_551 : memref<8192xf32, #tpu.memory_space<hbm>>) dst(%arg8 : memref<8192xf32, #tpu.memory_space<vmem>>)
    %add3A_552 = arith.constant 512 : i32
    %add3A_553 = arith.addi %mul3A_2, %add3A_552 : i32
    %mul3A_554 = arith.constant 16 : i32
    %mul3A_555 = arith.muli %add3A_553, %mul3A_554 : i32
    %dma_start3A_556 = tpu.memref_slice %arg2[%mul3A_555] : memref<524288xf32, #tpu.memory_space<hbm>> -> memref<8192xf32, #tpu.memory_space<hbm>>
    %dma_start3A_557 = tpu.memref_slice %arg2[%mul3A_555] : memref<524288xf32, #tpu.memory_space<hbm>> -> memref<8192xf32, #tpu.memory_space<hbm>>
    tpu.enqueue_dma source(%dma_start3A_557 : memref<8192xf32, #tpu.memory_space<hbm>>) target(%arg7 : memref<8192xf32, #tpu.memory_space<vmem>>) target_semaphore(%arg13 : memref<!tpu.dma_semaphore, #tpu.memory_space<semaphore_mem>>)
    %add3A_558 = arith.constant 512 : i32
    %add3A_559 = arith.addi %mul3A_2, %add3A_558 : i32
    %mul3A_560 = arith.constant 16 : i32
    %mul3A_561 = arith.muli %add3A_559, %mul3A_560 : i32
    %dma_start3A_562 = tpu.memref_slice %arg3[%mul3A_561] : memref<524288xf32, #tpu.memory_space<hbm>> -> memref<8192xf32, #tpu.memory_space<hbm>>
    %dma_start3A_563 = tpu.memref_slice %arg3[%mul3A_561] : memref<524288xf32, #tpu.memory_space<hbm>> -> memref<8192xf32, #tpu.memory_space<hbm>>
    tpu.enqueue_dma source(%dma_start3A_563 : memref<8192xf32, #tpu.memory_space<hbm>>) target(%arg9 : memref<8192xf32, #tpu.memory_space<vmem>>) target_semaphore(%arg13 : memref<!tpu.dma_semaphore, #tpu.memory_space<semaphore_mem>>)
    %scan3A = arith.constant 0 : i32
    %scan3A_564 = arith.constant 0 : i32
    %scan3A_565 = arith.constant 32 : i32
    %scan3A_566 = arith.addi %scan3A_564, %scan3A_565 : i32
    %scan3A_567 = arith.constant 1 : i32
    scf.for %scan3A_581 = %scan3A_564 to %scan3A_566 step %scan3A_567  : i32 {
      %mul3A_582 = arith.constant 16 : i32
      %mul3A_583 = arith.muli %scan3A_581, %mul3A_582 : i32
      %add3A_584 = arith.constant 0 : i32
      %add3A_585 = arith.addi %add3A_584, %mul3A_583 : i32
      %get3A = arith.index_cast %add3A_585 : i32 to index
      %get3A_586 = tpu.vector_load %arg10[%get3A] {strides = array<i32>} : memref<1024xi32, #tpu.memory_space<vmem>>, vector<16xi32>,
      %mul3A_587 = arith.constant 16 : i32
      %mul3A_588 = arith.muli %scan3A_581, %mul3A_587 : i32
      %mul3A_589 = arith.constant 2 : i32
      %mul3A_590 = arith.muli %scan3A_581, %mul3A_589 : i32
      %mul3A_591 = arith.constant 8 : i32
      %mul3A_592 = arith.muli %mul3A_590, %mul3A_591 : i32
      %mul3A_593 = arith.constant 16 : i32
      %mul3A_594 = arith.muli %mul3A_592, %mul3A_593 : i32
      %get3A_595 = arith.index_cast %mul3A_594 : i32 to index
      %get3A_596 = tpu.vector_load %arg8[%get3A_595] {strides = array<i32>} : memref<8192xf32, #tpu.memory_space<vmem>>, vector<16xf32>,
      %mul3A_597 = arith.constant 2 : i32
      %mul3A_598 = arith.muli %scan3A_581, %mul3A_597 : i32
      %add3A_599 = arith.constant 1 : i32
      %add3A_600 = arith.addi %mul3A_598, %add3A_599 : i32
      %mul3A_601 = arith.constant 8 : i32
      %mul3A_602 = arith.muli %add3A_600, %mul3A_601 : i32
      %mul3A_603 = arith.constant 16 : i32
      %mul3A_604 = arith.muli %mul3A_602, %mul3A_603 : i32
      %get3A_605 = arith.index_cast %mul3A_604 : i32 to index
      %get3A_606 = tpu.vector_load %arg8[%get3A_605] {strides = array<i32>} : memref<8192xf32, #tpu.memory_space<vmem>>, vector<16xf32>,
      %slice3A = vector.extract_strided_slice %get3A_586 {offsets = [0], sizes = [1], strides = [1]} : vector<16xi32> to vector<1xi32>
      %squeeze3A = vector.extract %slice3A[0] : i32 from vector<1xi32>
      %broadcast_in_dim3A_607 = vector.broadcast %squeeze3A : i32 to vector<16xi32>
      %eq3A = arith.cmpi eq, %get3A_586, %broadcast_in_dim3A_607 : vector<16xi32>
      %all_reduce_population_count3A = tpu.all_reduce %eq3A {dim = 0 : i64, kind = #tpu.reduction_kind<sum>} : vector<16xi1> -> vector<16xi32>
      %mul3A_608 = arith.constant 2 : i32
      %mul3A_609 = arith.muli %mul3A_608, %scan3A_581 : i32
      %and3A_610 = arith.constant 3 : i32
      %and3A_611 = arith.andi %mul3A_609, %and3A_610 : i32
      %mul3A_612 = arith.constant 512 : i32
      %mul3A_613 = arith.muli %and3A_611, %mul3A_612 : i32
      %slice3A_614 = vector.extract_strided_slice %all_reduce_population_count3A {offsets = [0], sizes = [1], strides = [1]} : vector<16xi32> to vector<1xi32>
      %squeeze3A_615 = vector.extract %slice3A_614[0] : i32 from vector<1xi32>
      %eq3A_616 = arith.constant 16 : i32
      %eq3A_617 = arith.cmpi eq, %squeeze3A_615, %eq3A_616 : i32
      %convert_element_type3A = arith.extui %eq3A_617 : i1 to i32
      %cond3A = arith.constant 0 : i32
      %cond3A_618 = arith.cmpi ne, %convert_element_type3A, %cond3A : i32
      scf.if %cond3A_618 {
        %add3A_619 = arith.constant 0 : i32
        %add3A_620 = arith.addi %mul3A_588, %add3A_619 : i32
        %mul3A_621 = arith.constant 16 : i32
        %mul3A_622 = arith.muli %add3A_620, %mul3A_621 : i32
        %get3A_623 = arith.index_cast %mul3A_622 : i32 to index
        %get3A_624 = tpu.vector_load %arg6[%get3A_623] {strides = array<i32>} : memref<8192xf32, #tpu.memory_space<vmem>>, vector<16xf32>,
        %add3A_625 = arith.constant 1 : i32
        %add3A_626 = arith.addi %mul3A_588, %add3A_625 : i32
        %mul3A_627 = arith.constant 16 : i32
        %mul3A_628 = arith.muli %add3A_626, %mul3A_627 : i32
        %get3A_629 = arith.index_cast %mul3A_628 : i32 to index
        %get3A_630 = tpu.vector_load %arg6[%get3A_629] {strides = array<i32>} : memref<8192xf32, #tpu.memory_space<vmem>>, vector<16xf32>,
        %add3A_631 = arith.constant 2 : i32
        %add3A_632 = arith.addi %mul3A_588, %add3A_631 : i32
        %mul3A_633 = arith.constant 16 : i32
        %mul3A_634 = arith.muli %add3A_632, %mul3A_633 : i32
        %get3A_635 = arith.index_cast %mul3A_634 : i32 to index
        %get3A_636 = tpu.vector_load %arg6[%get3A_635] {strides = array<i32>} : memref<8192xf32, #tpu.memory_space<vmem>>, vector<16xf32>,
        %add3A_637 = arith.constant 3 : i32
        %add3A_638 = arith.addi %mul3A_588, %add3A_637 : i32
        %mul3A_639 = arith.constant 16 : i32
        %mul3A_640 = arith.muli %add3A_638, %mul3A_639 : i32
        %get3A_641 = arith.index_cast %mul3A_640 : i32 to index
        %get3A_642 = tpu.vector_load %arg6[%get3A_641] {strides = array<i32>} : memref<8192xf32, #tpu.memory_space<vmem>>, vector<16xf32>,
        %add3A_643 = arith.constant 4 : i32
        %add3A_644 = arith.addi %mul3A_588, %add3A_643 : i32
        %mul3A_645 = arith.constant 16 : i32
        %mul3A_646 = arith.muli %add3A_644, %mul3A_645 : i32
        %get3A_647 = arith.index_cast %mul3A_646 : i32 to index
        %get3A_648 = tpu.vector_load %arg6[%get3A_647] {strides = array<i32>} : memref<8192xf32, #tpu.memory_space<vmem>>, vector<16xf32>,
        %add3A_649 = arith.constant 5 : i32
        %add3A_650 = arith.addi %mul3A_588, %add3A_649 : i32
        %mul3A_651 = arith.constant 16 : i32
        %mul3A_652 = arith.muli %add3A_650, %mul3A_651 : i32
        %get3A_653 = arith.index_cast %mul3A_652 : i32 to index
        %get3A_654 = tpu.vector_load %arg6[%get3A_653] {strides = array<i32>} : memref<8192xf32, #tpu.memory_space<vmem>>, vector<16xf32>,
        %add3A_655 = arith.constant 6 : i32
        %add3A_656 = arith.addi %mul3A_588, %add3A_655 : i32
        %mul3A_657 = arith.constant 16 : i32
        %mul3A_658 = arith.muli %add3A_656, %mul3A_657 : i32
        %get3A_659 = arith.index_cast %mul3A_658 : i32 to index
        %get3A_660 = tpu.vector_load %arg6[%get3A_659] {strides = array<i32>} : memref<8192xf32, #tpu.memory_space<vmem>>, vector<16xf32>,
        %add3A_661 = arith.constant 7 : i32
        %add3A_662 = arith.addi %mul3A_588, %add3A_661 : i32
        %mul3A_663 = arith.constant 16 : i32
        %mul3A_664 = arith.muli %add3A_662, %mul3A_663 : i32
        %get3A_665 = arith.index_cast %mul3A_664 : i32 to index
        %get3A_666 = tpu.vector_load %arg6[%get3A_665] {strides = array<i32>} : memref<8192xf32, #tpu.memory_space<vmem>>, vector<16xf32>,
        %add3A_667 = arith.constant 8 : i32
        %add3A_668 = arith.addi %mul3A_588, %add3A_667 : i32
        %mul3A_669 = arith.constant 16 : i32
        %mul3A_670 = arith.muli %add3A_668, %mul3A_669 : i32
        %get3A_671 = arith.index_cast %mul3A_670 : i32 to index
        %get3A_672 = tpu.vector_load %arg6[%get3A_671] {strides = array<i32>} : memref<8192xf32, #tpu.memory_space<vmem>>, vector<16xf32>,
        %add3A_673 = arith.constant 9 : i32
        %add3A_674 = arith.addi %mul3A_588, %add3A_673 : i32
        %mul3A_675 = arith.constant 16 : i32
        %mul3A_676 = arith.muli %add3A_674, %mul3A_675 : i32
        %get3A_677 = arith.index_cast %mul3A_676 : i32 to index
        %get3A_678 = tpu.vector_load %arg6[%get3A_677] {strides = array<i32>} : memref<8192xf32, #tpu.memory_space<vmem>>, vector<16xf32>,
        %add3A_679 = arith.constant 10 : i32
        %add3A_680 = arith.addi %mul3A_588, %add3A_679 : i32
        %mul3A_681 = arith.constant 16 : i32
        %mul3A_682 = arith.muli %add3A_680, %mul3A_681 : i32
        %get3A_683 = arith.index_cast %mul3A_682 : i32 to index
        %get3A_684 = tpu.vector_load %arg6[%get3A_683] {strides = array<i32>} : memref<8192xf32, #tpu.memory_space<vmem>>, vector<16xf32>,
        %add3A_685 = arith.constant 11 : i32
        %add3A_686 = arith.addi %mul3A_588, %add3A_685 : i32
        %mul3A_687 = arith.constant 16 : i32
        %mul3A_688 = arith.muli %add3A_686, %mul3A_687 : i32
        %get3A_689 = arith.index_cast %mul3A_688 : i32 to index
        %get3A_690 = tpu.vector_load %arg6[%get3A_689] {strides = array<i32>} : memref<8192xf32, #tpu.memory_space<vmem>>, vector<16xf32>,
        %add3A_691 = arith.constant 12 : i32
        %add3A_692 = arith.addi %mul3A_588, %add3A_691 : i32
        %mul3A_693 = arith.constant 16 : i32
        %mul3A_694 = arith.muli %add3A_692, %mul3A_693 : i32
        %get3A_695 = arith.index_cast %mul3A_694 : i32 to index
        %get3A_696 = tpu.vector_load %arg6[%get3A_695] {strides = array<i32>} : memref<8192xf32, #tpu.memory_space<vmem>>, vector<16xf32>,
        %add3A_697 = arith.constant 13 : i32
        %add3A_698 = arith.addi %mul3A_588, %add3A_697 : i32
        %mul3A_699 = arith.constant 16 : i32
        %mul3A_700 = arith.muli %add3A_698, %mul3A_699 : i32
        %get3A_701 = arith.index_cast %mul3A_700 : i32 to index
        %get3A_702 = tpu.vector_load %arg6[%get3A_701] {strides = array<i32>} : memref<8192xf32, #tpu.memory_space<vmem>>, vector<16xf32>,
        %add3A_703 = arith.constant 14 : i32
        %add3A_704 = arith.addi %mul3A_588, %add3A_703 : i32
        %mul3A_705 = arith.constant 16 : i32
        %mul3A_706 = arith.muli %add3A_704, %mul3A_705 : i32
        %get3A_707 = arith.index_cast %mul3A_706 : i32 to index
        %get3A_708 = tpu.vector_load %arg6[%get3A_707] {strides = array<i32>} : memref<8192xf32, #tpu.memory_space<vmem>>, vector<16xf32>,
        %add3A_709 = arith.constant 15 : i32
        %add3A_710 = arith.addi %mul3A_588, %add3A_709 : i32
        %mul3A_711 = arith.constant 16 : i32
        %mul3A_712 = arith.muli %add3A_710, %mul3A_711 : i32
        %get3A_713 = arith.index_cast %mul3A_712 : i32 to index
        %get3A_714 = tpu.vector_load %arg6[%get3A_713] {strides = array<i32>} : memref<8192xf32, #tpu.memory_space<vmem>>, vector<16xf32>,
        %add3A_715 = arith.addf %get3A_624, %get3A_630 : vector<16xf32>
        %add3A_716 = arith.addf %get3A_636, %get3A_642 : vector<16xf32>
        %add3A_717 = arith.addf %get3A_648, %get3A_654 : vector<16xf32>
        %add3A_718 = arith.addf %get3A_660, %get3A_666 : vector<16xf32>
        %add3A_719 = arith.addf %get3A_672, %get3A_678 : vector<16xf32>
        %add3A_720 = arith.addf %get3A_684, %get3A_690 : vector<16xf32>
        %add3A_721 = arith.addf %get3A_696, %get3A_702 : vector<16xf32>
        %add3A_722 = arith.addf %get3A_708, %get3A_714 : vector<16xf32>
        %add3A_723 = arith.addf %add3A_715, %add3A_716 : vector<16xf32>
        %add3A_724 = arith.addf %add3A_717, %add3A_718 : vector<16xf32>
        %add3A_725 = arith.addf %add3A_719, %add3A_720 : vector<16xf32>
        %add3A_726 = arith.addf %add3A_721, %add3A_722 : vector<16xf32>
        %add3A_727 = arith.addf %add3A_723, %add3A_724 : vector<16xf32>
        %add3A_728 = arith.addf %add3A_725, %add3A_726 : vector<16xf32>
        %add3A_729 = arith.addf %add3A_727, %add3A_728 : vector<16xf32>
        %mul3A_730 = arith.constant 16 : i32
        %mul3A_731 = arith.muli %squeeze3A, %mul3A_730 : i32
        %add3A_732 = vector.broadcast %mul3A_731 : i32 to vector<16xi32>
        %add3A_733 = arith.addi %add3A_732, %iota3A : vector<16xi32>
        %add3A_734 = vector.broadcast %mul3A_613 : i32 to vector<16xi32>
        %add3A_735 = arith.addi %add3A_733, %add3A_734 : vector<16xi32>
        %shift_right_logical3A = arith.constant 7 : i32
        %shift_right_logical3A_736 = vector.broadcast %shift_right_logical3A : i32 to vector<16xi32>
        %shift_right_logical3A_737 = arith.shrui %add3A_735, %shift_right_logical3A_736 : vector<16xi32>
        %and3A_738 = arith.constant 127 : i32
        %and3A_739 = vector.broadcast %and3A_738 : i32 to vector<16xi32>
        %and3A_740 = arith.andi %add3A_735, %and3A_739 : vector<16xi32>
        tpu.vector_store_idx %arg11[%shift_right_logical3A_737, %and3A_740], %add3A_729 {add = true} : memref<16x128xf32, #tpu.memory_space<vmem>>[vector<16xi32>, vector<16xi32>], vector<16xf32>,
        %add3A_741 = arith.constant 16 : i32
        %add3A_742 = arith.addi %squeeze3A, %add3A_741 : i32
        %mul3A_743 = arith.constant 16 : i32
        %mul3A_744 = arith.muli %add3A_742, %mul3A_743 : i32
        %add3A_745 = vector.broadcast %mul3A_744 : i32 to vector<16xi32>
        %add3A_746 = arith.addi %add3A_745, %iota3A : vector<16xi32>
        %add3A_747 = arith.constant 512 : i32
        %add3A_748 = arith.addi %mul3A_613, %add3A_747 : i32
        %add3A_749 = vector.broadcast %add3A_748 : i32 to vector<16xi32>
        %add3A_750 = arith.addi %add3A_746, %add3A_749 : vector<16xi32>
        %add3A_751 = arith.addf %get3A_596, %get3A_606 : vector<16xf32>
        %shift_right_logical3A_752 = arith.constant 7 : i32
        %shift_right_logical3A_753 = vector.broadcast %shift_right_logical3A_752 : i32 to vector<16xi32>
        %shift_right_logical3A_754 = arith.shrui %add3A_750, %shift_right_logical3A_753 : vector<16xi32>
        %and3A_755 = arith.constant 127 : i32
        %and3A_756 = vector.broadcast %and3A_755 : i32 to vector<16xi32>
        %and3A_757 = arith.andi %add3A_750, %and3A_756 : vector<16xi32>
        tpu.vector_store_idx %arg11[%shift_right_logical3A_754, %and3A_757], %add3A_751 {add = true} : memref<16x128xf32, #tpu.memory_space<vmem>>[vector<16xi32>, vector<16xi32>], vector<16xf32>,
      } else {
        %slice3A_619 = vector.extract_strided_slice %get3A_586 {offsets = [0], sizes = [1], strides = [1]} : vector<16xi32> to vector<1xi32>
        %squeeze3A_620 = vector.extract %slice3A_619[0] : i32 from vector<1xi32>
        %mul3A_621 = arith.constant 16 : i32
        %mul3A_622 = arith.muli %squeeze3A_620, %mul3A_621 : i32
        %add3A_623 = vector.broadcast %mul3A_622 : i32 to vector<16xi32>
        %add3A_624 = arith.addi %add3A_623, %add3A_532 : vector<16xi32>
        %add3A_625 = arith.constant 0 : i32
        %add3A_626 = arith.addi %mul3A_588, %add3A_625 : i32
        %mul3A_627 = arith.constant 16 : i32
        %mul3A_628 = arith.muli %add3A_626, %mul3A_627 : i32
        %get3A_629 = arith.index_cast %mul3A_628 : i32 to index
        %get3A_630 = tpu.vector_load %arg6[%get3A_629] {strides = array<i32>} : memref<8192xf32, #tpu.memory_space<vmem>>, vector<16xf32>,
        %shift_right_logical3A = arith.constant 7 : i32
        %shift_right_logical3A_631 = vector.broadcast %shift_right_logical3A : i32 to vector<16xi32>
        %shift_right_logical3A_632 = arith.shrui %add3A_624, %shift_right_logical3A_631 : vector<16xi32>
        %and3A_633 = arith.constant 127 : i32
        %and3A_634 = vector.broadcast %and3A_633 : i32 to vector<16xi32>
        %and3A_635 = arith.andi %add3A_624, %and3A_634 : vector<16xi32>
        tpu.vector_store_idx %arg11[%shift_right_logical3A_632, %and3A_635], %get3A_630 {add = true} : memref<16x128xf32, #tpu.memory_space<vmem>>[vector<16xi32>, vector<16xi32>], vector<16xf32>,
        %slice3A_636 = vector.extract_strided_slice %get3A_586 {offsets = [1], sizes = [1], strides = [1]} : vector<16xi32> to vector<1xi32>
        %squeeze3A_637 = vector.extract %slice3A_636[0] : i32 from vector<1xi32>
        %mul3A_638 = arith.constant 16 : i32
        %mul3A_639 = arith.muli %squeeze3A_637, %mul3A_638 : i32
        %add3A_640 = vector.broadcast %mul3A_639 : i32 to vector<16xi32>
        %add3A_641 = arith.addi %add3A_640, %add3A_535 : vector<16xi32>
        %add3A_642 = arith.constant 1 : i32
        %add3A_643 = arith.addi %mul3A_588, %add3A_642 : i32
        %mul3A_644 = arith.constant 16 : i32
        %mul3A_645 = arith.muli %add3A_643, %mul3A_644 : i32
        %get3A_646 = arith.index_cast %mul3A_645 : i32 to index
        %get3A_647 = tpu.vector_load %arg6[%get3A_646] {strides = array<i32>} : memref<8192xf32, #tpu.memory_space<vmem>>, vector<16xf32>,
        %shift_right_logical3A_648 = arith.constant 7 : i32
        %shift_right_logical3A_649 = vector.broadcast %shift_right_logical3A_648 : i32 to vector<16xi32>
        %shift_right_logical3A_650 = arith.shrui %add3A_641, %shift_right_logical3A_649 : vector<16xi32>
        %and3A_651 = arith.constant 127 : i32
        %and3A_652 = vector.broadcast %and3A_651 : i32 to vector<16xi32>
        %and3A_653 = arith.andi %add3A_641, %and3A_652 : vector<16xi32>
        tpu.vector_store_idx %arg11[%shift_right_logical3A_650, %and3A_653], %get3A_647 {add = true} : memref<16x128xf32, #tpu.memory_space<vmem>>[vector<16xi32>, vector<16xi32>], vector<16xf32>,
        %slice3A_654 = vector.extract_strided_slice %get3A_586 {offsets = [2], sizes = [1], strides = [1]} : vector<16xi32> to vector<1xi32>
        %squeeze3A_655 = vector.extract %slice3A_654[0] : i32 from vector<1xi32>
        %mul3A_656 = arith.constant 16 : i32
        %mul3A_657 = arith.muli %squeeze3A_655, %mul3A_656 : i32
        %add3A_658 = vector.broadcast %mul3A_657 : i32 to vector<16xi32>
        %add3A_659 = arith.addi %add3A_658, %add3A_538 : vector<16xi32>
        %add3A_660 = arith.constant 2 : i32
        %add3A_661 = arith.addi %mul3A_588, %add3A_660 : i32
        %mul3A_662 = arith.constant 16 : i32
        %mul3A_663 = arith.muli %add3A_661, %mul3A_662 : i32
        %get3A_664 = arith.index_cast %mul3A_663 : i32 to index
        %get3A_665 = tpu.vector_load %arg6[%get3A_664] {strides = array<i32>} : memref<8192xf32, #tpu.memory_space<vmem>>, vector<16xf32>,
        %shift_right_logical3A_666 = arith.constant 7 : i32
        %shift_right_logical3A_667 = vector.broadcast %shift_right_logical3A_666 : i32 to vector<16xi32>
        %shift_right_logical3A_668 = arith.shrui %add3A_659, %shift_right_logical3A_667 : vector<16xi32>
        %and3A_669 = arith.constant 127 : i32
        %and3A_670 = vector.broadcast %and3A_669 : i32 to vector<16xi32>
        %and3A_671 = arith.andi %add3A_659, %and3A_670 : vector<16xi32>
        tpu.vector_store_idx %arg11[%shift_right_logical3A_668, %and3A_671], %get3A_665 {add = true} : memref<16x128xf32, #tpu.memory_space<vmem>>[vector<16xi32>, vector<16xi32>], vector<16xf32>,
        %slice3A_672 = vector.extract_strided_slice %get3A_586 {offsets = [3], sizes = [1], strides = [1]} : vector<16xi32> to vector<1xi32>
        %squeeze3A_673 = vector.extract %slice3A_672[0] : i32 from vector<1xi32>
        %mul3A_674 = arith.constant 16 : i32
        %mul3A_675 = arith.muli %squeeze3A_673, %mul3A_674 : i32
        %add3A_676 = vector.broadcast %mul3A_675 : i32 to vector<16xi32>
        %add3A_677 = arith.addi %add3A_676, %add3A_541 : vector<16xi32>
        %add3A_678 = arith.constant 3 : i32
        %add3A_679 = arith.addi %mul3A_588, %add3A_678 : i32
        %mul3A_680 = arith.constant 16 : i32
        %mul3A_681 = arith.muli %add3A_679, %mul3A_680 : i32
        %get3A_682 = arith.index_cast %mul3A_681 : i32 to index
        %get3A_683 = tpu.vector_load %arg6[%get3A_682] {strides = array<i32>} : memref<8192xf32, #tpu.memory_space<vmem>>, vector<16xf32>,
        %shift_right_logical3A_684 = arith.constant 7 : i32
        %shift_right_logical3A_685 = vector.broadcast %shift_right_logical3A_684 : i32 to vector<16xi32>
        %shift_right_logical3A_686 = arith.shrui %add3A_677, %shift_right_logical3A_685 : vector<16xi32>
        %and3A_687 = arith.constant 127 : i32
        %and3A_688 = vector.broadcast %and3A_687 : i32 to vector<16xi32>
        %and3A_689 = arith.andi %add3A_677, %and3A_688 : vector<16xi32>
        tpu.vector_store_idx %arg11[%shift_right_logical3A_686, %and3A_689], %get3A_683 {add = true} : memref<16x128xf32, #tpu.memory_space<vmem>>[vector<16xi32>, vector<16xi32>], vector<16xf32>,
        %slice3A_690 = vector.extract_strided_slice %get3A_586 {offsets = [4], sizes = [1], strides = [1]} : vector<16xi32> to vector<1xi32>
        %squeeze3A_691 = vector.extract %slice3A_690[0] : i32 from vector<1xi32>
        %mul3A_692 = arith.constant 16 : i32
        %mul3A_693 = arith.muli %squeeze3A_691, %mul3A_692 : i32
        %add3A_694 = vector.broadcast %mul3A_693 : i32 to vector<16xi32>
        %add3A_695 = arith.addi %add3A_694, %add3A_532 : vector<16xi32>
        %add3A_696 = arith.constant 4 : i32
        %add3A_697 = arith.addi %mul3A_588, %add3A_696 : i32
        %mul3A_698 = arith.constant 16 : i32
        %mul3A_699 = arith.muli %add3A_697, %mul3A_698 : i32
        %get3A_700 = arith.index_cast %mul3A_699 : i32 to index
        %get3A_701 = tpu.vector_load %arg6[%get3A_700] {strides = array<i32>} : memref<8192xf32, #tpu.memory_space<vmem>>, vector<16xf32>,
        %shift_right_logical3A_702 = arith.constant 7 : i32
        %shift_right_logical3A_703 = vector.broadcast %shift_right_logical3A_702 : i32 to vector<16xi32>
        %shift_right_logical3A_704 = arith.shrui %add3A_695, %shift_right_logical3A_703 : vector<16xi32>
        %and3A_705 = arith.constant 127 : i32
        %and3A_706 = vector.broadcast %and3A_705 : i32 to vector<16xi32>
        %and3A_707 = arith.andi %add3A_695, %and3A_706 : vector<16xi32>
        tpu.vector_store_idx %arg11[%shift_right_logical3A_704, %and3A_707], %get3A_701 {add = true} : memref<16x128xf32, #tpu.memory_space<vmem>>[vector<16xi32>, vector<16xi32>], vector<16xf32>,
        %slice3A_708 = vector.extract_strided_slice %get3A_586 {offsets = [5], sizes = [1], strides = [1]} : vector<16xi32> to vector<1xi32>
        %squeeze3A_709 = vector.extract %slice3A_708[0] : i32 from vector<1xi32>
        %mul3A_710 = arith.constant 16 : i32
        %mul3A_711 = arith.muli %squeeze3A_709, %mul3A_710 : i32
        %add3A_712 = vector.broadcast %mul3A_711 : i32 to vector<16xi32>
        %add3A_713 = arith.addi %add3A_712, %add3A_535 : vector<16xi32>
        %add3A_714 = arith.constant 5 : i32
        %add3A_715 = arith.addi %mul3A_588, %add3A_714 : i32
        %mul3A_716 = arith.constant 16 : i32
        %mul3A_717 = arith.muli %add3A_715, %mul3A_716 : i32
        %get3A_718 = arith.index_cast %mul3A_717 : i32 to index
        %get3A_719 = tpu.vector_load %arg6[%get3A_718] {strides = array<i32>} : memref<8192xf32, #tpu.memory_space<vmem>>, vector<16xf32>,
        %shift_right_logical3A_720 = arith.constant 7 : i32
        %shift_right_logical3A_721 = vector.broadcast %shift_right_logical3A_720 : i32 to vector<16xi32>
        %shift_right_logical3A_722 = arith.shrui %add3A_713, %shift_right_logical3A_721 : vector<16xi32>
        %and3A_723 = arith.constant 127 : i32
        %and3A_724 = vector.broadcast %and3A_723 : i32 to vector<16xi32>
        %and3A_725 = arith.andi %add3A_713, %and3A_724 : vector<16xi32>
        tpu.vector_store_idx %arg11[%shift_right_logical3A_722, %and3A_725], %get3A_719 {add = true} : memref<16x128xf32, #tpu.memory_space<vmem>>[vector<16xi32>, vector<16xi32>], vector<16xf32>,
        %slice3A_726 = vector.extract_strided_slice %get3A_586 {offsets = [6], sizes = [1], strides = [1]} : vector<16xi32> to vector<1xi32>
        %squeeze3A_727 = vector.extract %slice3A_726[0] : i32 from vector<1xi32>
        %mul3A_728 = arith.constant 16 : i32
        %mul3A_729 = arith.muli %squeeze3A_727, %mul3A_728 : i32
        %add3A_730 = vector.broadcast %mul3A_729 : i32 to vector<16xi32>
        %add3A_731 = arith.addi %add3A_730, %add3A_538 : vector<16xi32>
        %add3A_732 = arith.constant 6 : i32
        %add3A_733 = arith.addi %mul3A_588, %add3A_732 : i32
        %mul3A_734 = arith.constant 16 : i32
        %mul3A_735 = arith.muli %add3A_733, %mul3A_734 : i32
        %get3A_736 = arith.index_cast %mul3A_735 : i32 to index
        %get3A_737 = tpu.vector_load %arg6[%get3A_736] {strides = array<i32>} : memref<8192xf32, #tpu.memory_space<vmem>>, vector<16xf32>,
        %shift_right_logical3A_738 = arith.constant 7 : i32
        %shift_right_logical3A_739 = vector.broadcast %shift_right_logical3A_738 : i32 to vector<16xi32>
        %shift_right_logical3A_740 = arith.shrui %add3A_731, %shift_right_logical3A_739 : vector<16xi32>
        %and3A_741 = arith.constant 127 : i32
        %and3A_742 = vector.broadcast %and3A_741 : i32 to vector<16xi32>
        %and3A_743 = arith.andi %add3A_731, %and3A_742 : vector<16xi32>
        tpu.vector_store_idx %arg11[%shift_right_logical3A_740, %and3A_743], %get3A_737 {add = true} : memref<16x128xf32, #tpu.memory_space<vmem>>[vector<16xi32>, vector<16xi32>], vector<16xf32>,
        %slice3A_744 = vector.extract_strided_slice %get3A_586 {offsets = [7], sizes = [1], strides = [1]} : vector<16xi32> to vector<1xi32>
        %squeeze3A_745 = vector.extract %slice3A_744[0] : i32 from vector<1xi32>
        %mul3A_746 = arith.constant 16 : i32
        %mul3A_747 = arith.muli %squeeze3A_745, %mul3A_746 : i32
        %add3A_748 = vector.broadcast %mul3A_747 : i32 to vector<16xi32>
        %add3A_749 = arith.addi %add3A_748, %add3A_541 : vector<16xi32>
        %add3A_750 = arith.constant 7 : i32
        %add3A_751 = arith.addi %mul3A_588, %add3A_750 : i32
        %mul3A_752 = arith.constant 16 : i32
        %mul3A_753 = arith.muli %add3A_751, %mul3A_752 : i32
        %get3A_754 = arith.index_cast %mul3A_753 : i32 to index
        %get3A_755 = tpu.vector_load %arg6[%get3A_754] {strides = array<i32>} : memref<8192xf32, #tpu.memory_space<vmem>>, vector<16xf32>,
        %shift_right_logical3A_756 = arith.constant 7 : i32
        %shift_right_logical3A_757 = vector.broadcast %shift_right_logical3A_756 : i32 to vector<16xi32>
        %shift_right_logical3A_758 = arith.shrui %add3A_749, %shift_right_logical3A_757 : vector<16xi32>
        %and3A_759 = arith.constant 127 : i32
        %and3A_760 = vector.broadcast %and3A_759 : i32 to vector<16xi32>
        %and3A_761 = arith.andi %add3A_749, %and3A_760 : vector<16xi32>
        tpu.vector_store_idx %arg11[%shift_right_logical3A_758, %and3A_761], %get3A_755 {add = true} : memref<16x128xf32, #tpu.memory_space<vmem>>[vector<16xi32>, vector<16xi32>], vector<16xf32>,
        %slice3A_762 = vector.extract_strided_slice %get3A_586 {offsets = [8], sizes = [1], strides = [1]} : vector<16xi32> to vector<1xi32>
        %squeeze3A_763 = vector.extract %slice3A_762[0] : i32 from vector<1xi32>
        %mul3A_764 = arith.constant 16 : i32
        %mul3A_765 = arith.muli %squeeze3A_763, %mul3A_764 : i32
        %add3A_766 = vector.broadcast %mul3A_765 : i32 to vector<16xi32>
        %add3A_767 = arith.addi %add3A_766, %add3A_532 : vector<16xi32>
        %add3A_768 = arith.constant 8 : i32
        %add3A_769 = arith.addi %mul3A_588, %add3A_768 : i32
        %mul3A_770 = arith.constant 16 : i32
        %mul3A_771 = arith.muli %add3A_769, %mul3A_770 : i32
        %get3A_772 = arith.index_cast %mul3A_771 : i32 to index
        %get3A_773 = tpu.vector_load %arg6[%get3A_772] {strides = array<i32>} : memref<8192xf32, #tpu.memory_space<vmem>>, vector<16xf32>,
        %shift_right_logical3A_774 = arith.constant 7 : i32
        %shift_right_logical3A_775 = vector.broadcast %shift_right_logical3A_774 : i32 to vector<16xi32>
        %shift_right_logical3A_776 = arith.shrui %add3A_767, %shift_right_logical3A_775 : vector<16xi32>
        %and3A_777 = arith.constant 127 : i32
        %and3A_778 = vector.broadcast %and3A_777 : i32 to vector<16xi32>
        %and3A_779 = arith.andi %add3A_767, %and3A_778 : vector<16xi32>
        tpu.vector_store_idx %arg11[%shift_right_logical3A_776, %and3A_779], %get3A_773 {add = true} : memref<16x128xf32, #tpu.memory_space<vmem>>[vector<16xi32>, vector<16xi32>], vector<16xf32>,
        %slice3A_780 = vector.extract_strided_slice %get3A_586 {offsets = [9], sizes = [1], strides = [1]} : vector<16xi32> to vector<1xi32>
        %squeeze3A_781 = vector.extract %slice3A_780[0] : i32 from vector<1xi32>
        %mul3A_782 = arith.constant 16 : i32
        %mul3A_783 = arith.muli %squeeze3A_781, %mul3A_782 : i32
        %add3A_784 = vector.broadcast %mul3A_783 : i32 to vector<16xi32>
        %add3A_785 = arith.addi %add3A_784, %add3A_535 : vector<16xi32>
        %add3A_786 = arith.constant 9 : i32
        %add3A_787 = arith.addi %mul3A_588, %add3A_786 : i32
        %mul3A_788 = arith.constant 16 : i32
        %mul3A_789 = arith.muli %add3A_787, %mul3A_788 : i32
        %get3A_790 = arith.index_cast %mul3A_789 : i32 to index
        %get3A_791 = tpu.vector_load %arg6[%get3A_790] {strides = array<i32>} : memref<8192xf32, #tpu.memory_space<vmem>>, vector<16xf32>,
        %shift_right_logical3A_792 = arith.constant 7 : i32
        %shift_right_logical3A_793 = vector.broadcast %shift_right_logical3A_792 : i32 to vector<16xi32>
        %shift_right_logical3A_794 = arith.shrui %add3A_785, %shift_right_logical3A_793 : vector<16xi32>
        %and3A_795 = arith.constant 127 : i32
        %and3A_796 = vector.broadcast %and3A_795 : i32 to vector<16xi32>
        %and3A_797 = arith.andi %add3A_785, %and3A_796 : vector<16xi32>
        tpu.vector_store_idx %arg11[%shift_right_logical3A_794, %and3A_797], %get3A_791 {add = true} : memref<16x128xf32, #tpu.memory_space<vmem>>[vector<16xi32>, vector<16xi32>], vector<16xf32>,
        %slice3A_798 = vector.extract_strided_slice %get3A_586 {offsets = [10], sizes = [1], strides = [1]} : vector<16xi32> to vector<1xi32>
        %squeeze3A_799 = vector.extract %slice3A_798[0] : i32 from vector<1xi32>
        %mul3A_800 = arith.constant 16 : i32
        %mul3A_801 = arith.muli %squeeze3A_799, %mul3A_800 : i32
        %add3A_802 = vector.broadcast %mul3A_801 : i32 to vector<16xi32>
        %add3A_803 = arith.addi %add3A_802, %add3A_538 : vector<16xi32>
        %add3A_804 = arith.constant 10 : i32
        %add3A_805 = arith.addi %mul3A_588, %add3A_804 : i32
        %mul3A_806 = arith.constant 16 : i32
        %mul3A_807 = arith.muli %add3A_805, %mul3A_806 : i32
        %get3A_808 = arith.index_cast %mul3A_807 : i32 to index
        %get3A_809 = tpu.vector_load %arg6[%get3A_808] {strides = array<i32>} : memref<8192xf32, #tpu.memory_space<vmem>>, vector<16xf32>,
        %shift_right_logical3A_810 = arith.constant 7 : i32
        %shift_right_logical3A_811 = vector.broadcast %shift_right_logical3A_810 : i32 to vector<16xi32>
        %shift_right_logical3A_812 = arith.shrui %add3A_803, %shift_right_logical3A_811 : vector<16xi32>
        %and3A_813 = arith.constant 127 : i32
        %and3A_814 = vector.broadcast %and3A_813 : i32 to vector<16xi32>
        %and3A_815 = arith.andi %add3A_803, %and3A_814 : vector<16xi32>
        tpu.vector_store_idx %arg11[%shift_right_logical3A_812, %and3A_815], %get3A_809 {add = true} : memref<16x128xf32, #tpu.memory_space<vmem>>[vector<16xi32>, vector<16xi32>], vector<16xf32>,
        %slice3A_816 = vector.extract_strided_slice %get3A_586 {offsets = [11], sizes = [1], strides = [1]} : vector<16xi32> to vector<1xi32>
        %squeeze3A_817 = vector.extract %slice3A_816[0] : i32 from vector<1xi32>
        %mul3A_818 = arith.constant 16 : i32
        %mul3A_819 = arith.muli %squeeze3A_817, %mul3A_818 : i32
        %add3A_820 = vector.broadcast %mul3A_819 : i32 to vector<16xi32>
        %add3A_821 = arith.addi %add3A_820, %add3A_541 : vector<16xi32>
        %add3A_822 = arith.constant 11 : i32
        %add3A_823 = arith.addi %mul3A_588, %add3A_822 : i32
        %mul3A_824 = arith.constant 16 : i32
        %mul3A_825 = arith.muli %add3A_823, %mul3A_824 : i32
        %get3A_826 = arith.index_cast %mul3A_825 : i32 to index
        %get3A_827 = tpu.vector_load %arg6[%get3A_826] {strides = array<i32>} : memref<8192xf32, #tpu.memory_space<vmem>>, vector<16xf32>,
        %shift_right_logical3A_828 = arith.constant 7 : i32
        %shift_right_logical3A_829 = vector.broadcast %shift_right_logical3A_828 : i32 to vector<16xi32>
        %shift_right_logical3A_830 = arith.shrui %add3A_821, %shift_right_logical3A_829 : vector<16xi32>
        %and3A_831 = arith.constant 127 : i32
        %and3A_832 = vector.broadcast %and3A_831 : i32 to vector<16xi32>
        %and3A_833 = arith.andi %add3A_821, %and3A_832 : vector<16xi32>
        tpu.vector_store_idx %arg11[%shift_right_logical3A_830, %and3A_833], %get3A_827 {add = true} : memref<16x128xf32, #tpu.memory_space<vmem>>[vector<16xi32>, vector<16xi32>], vector<16xf32>,
        %slice3A_834 = vector.extract_strided_slice %get3A_586 {offsets = [12], sizes = [1], strides = [1]} : vector<16xi32> to vector<1xi32>
        %squeeze3A_835 = vector.extract %slice3A_834[0] : i32 from vector<1xi32>
        %mul3A_836 = arith.constant 16 : i32
        %mul3A_837 = arith.muli %squeeze3A_835, %mul3A_836 : i32
        %add3A_838 = vector.broadcast %mul3A_837 : i32 to vector<16xi32>
        %add3A_839 = arith.addi %add3A_838, %add3A_532 : vector<16xi32>
        %add3A_840 = arith.constant 12 : i32
        %add3A_841 = arith.addi %mul3A_588, %add3A_840 : i32
        %mul3A_842 = arith.constant 16 : i32
        %mul3A_843 = arith.muli %add3A_841, %mul3A_842 : i32
        %get3A_844 = arith.index_cast %mul3A_843 : i32 to index
        %get3A_845 = tpu.vector_load %arg6[%get3A_844] {strides = array<i32>} : memref<8192xf32, #tpu.memory_space<vmem>>, vector<16xf32>,
        %shift_right_logical3A_846 = arith.constant 7 : i32
        %shift_right_logical3A_847 = vector.broadcast %shift_right_logical3A_846 : i32 to vector<16xi32>
        %shift_right_logical3A_848 = arith.shrui %add3A_839, %shift_right_logical3A_847 : vector<16xi32>
        %and3A_849 = arith.constant 127 : i32
        %and3A_850 = vector.broadcast %and3A_849 : i32 to vector<16xi32>
        %and3A_851 = arith.andi %add3A_839, %and3A_850 : vector<16xi32>
        tpu.vector_store_idx %arg11[%shift_right_logical3A_848, %and3A_851], %get3A_845 {add = true} : memref<16x128xf32, #tpu.memory_space<vmem>>[vector<16xi32>, vector<16xi32>], vector<16xf32>,
        %slice3A_852 = vector.extract_strided_slice %get3A_586 {offsets = [13], sizes = [1], strides = [1]} : vector<16xi32> to vector<1xi32>
        %squeeze3A_853 = vector.extract %slice3A_852[0] : i32 from vector<1xi32>
        %mul3A_854 = arith.constant 16 : i32
        %mul3A_855 = arith.muli %squeeze3A_853, %mul3A_854 : i32
        %add3A_856 = vector.broadcast %mul3A_855 : i32 to vector<16xi32>
        %add3A_857 = arith.addi %add3A_856, %add3A_535 : vector<16xi32>
        %add3A_858 = arith.constant 13 : i32
        %add3A_859 = arith.addi %mul3A_588, %add3A_858 : i32
        %mul3A_860 = arith.constant 16 : i32
        %mul3A_861 = arith.muli %add3A_859, %mul3A_860 : i32
        %get3A_862 = arith.index_cast %mul3A_861 : i32 to index
        %get3A_863 = tpu.vector_load %arg6[%get3A_862] {strides = array<i32>} : memref<8192xf32, #tpu.memory_space<vmem>>, vector<16xf32>,
        %shift_right_logical3A_864 = arith.constant 7 : i32
        %shift_right_logical3A_865 = vector.broadcast %shift_right_logical3A_864 : i32 to vector<16xi32>
        %shift_right_logical3A_866 = arith.shrui %add3A_857, %shift_right_logical3A_865 : vector<16xi32>
        %and3A_867 = arith.constant 127 : i32
        %and3A_868 = vector.broadcast %and3A_867 : i32 to vector<16xi32>
        %and3A_869 = arith.andi %add3A_857, %and3A_868 : vector<16xi32>
        tpu.vector_store_idx %arg11[%shift_right_logical3A_866, %and3A_869], %get3A_863 {add = true} : memref<16x128xf32, #tpu.memory_space<vmem>>[vector<16xi32>, vector<16xi32>], vector<16xf32>,
        %slice3A_870 = vector.extract_strided_slice %get3A_586 {offsets = [14], sizes = [1], strides = [1]} : vector<16xi32> to vector<1xi32>
        %squeeze3A_871 = vector.extract %slice3A_870[0] : i32 from vector<1xi32>
        %mul3A_872 = arith.constant 16 : i32
        %mul3A_873 = arith.muli %squeeze3A_871, %mul3A_872 : i32
        %add3A_874 = vector.broadcast %mul3A_873 : i32 to vector<16xi32>
        %add3A_875 = arith.addi %add3A_874, %add3A_538 : vector<16xi32>
        %add3A_876 = arith.constant 14 : i32
        %add3A_877 = arith.addi %mul3A_588, %add3A_876 : i32
        %mul3A_878 = arith.constant 16 : i32
        %mul3A_879 = arith.muli %add3A_877, %mul3A_878 : i32
        %get3A_880 = arith.index_cast %mul3A_879 : i32 to index
        %get3A_881 = tpu.vector_load %arg6[%get3A_880] {strides = array<i32>} : memref<8192xf32, #tpu.memory_space<vmem>>, vector<16xf32>,
        %shift_right_logical3A_882 = arith.constant 7 : i32
        %shift_right_logical3A_883 = vector.broadcast %shift_right_logical3A_882 : i32 to vector<16xi32>
        %shift_right_logical3A_884 = arith.shrui %add3A_875, %shift_right_logical3A_883 : vector<16xi32>
        %and3A_885 = arith.constant 127 : i32
        %and3A_886 = vector.broadcast %and3A_885 : i32 to vector<16xi32>
        %and3A_887 = arith.andi %add3A_875, %and3A_886 : vector<16xi32>
        tpu.vector_store_idx %arg11[%shift_right_logical3A_884, %and3A_887], %get3A_881 {add = true} : memref<16x128xf32, #tpu.memory_space<vmem>>[vector<16xi32>, vector<16xi32>], vector<16xf32>,
        %slice3A_888 = vector.extract_strided_slice %get3A_586 {offsets = [15], sizes = [1], strides = [1]} : vector<16xi32> to vector<1xi32>
        %squeeze3A_889 = vector.extract %slice3A_888[0] : i32 from vector<1xi32>
        %mul3A_890 = arith.constant 16 : i32
        %mul3A_891 = arith.muli %squeeze3A_889, %mul3A_890 : i32
        %add3A_892 = vector.broadcast %mul3A_891 : i32 to vector<16xi32>
        %add3A_893 = arith.addi %add3A_892, %add3A_541 : vector<16xi32>
        %add3A_894 = arith.constant 15 : i32
        %add3A_895 = arith.addi %mul3A_588, %add3A_894 : i32
        %mul3A_896 = arith.constant 16 : i32
        %mul3A_897 = arith.muli %add3A_895, %mul3A_896 : i32
        %get3A_898 = arith.index_cast %mul3A_897 : i32 to index
        %get3A_899 = tpu.vector_load %arg6[%get3A_898] {strides = array<i32>} : memref<8192xf32, #tpu.memory_space<vmem>>, vector<16xf32>,
        %shift_right_logical3A_900 = arith.constant 7 : i32
        %shift_right_logical3A_901 = vector.broadcast %shift_right_logical3A_900 : i32 to vector<16xi32>
        %shift_right_logical3A_902 = arith.shrui %add3A_893, %shift_right_logical3A_901 : vector<16xi32>
        %and3A_903 = arith.constant 127 : i32
        %and3A_904 = vector.broadcast %and3A_903 : i32 to vector<16xi32>
        %and3A_905 = arith.andi %add3A_893, %and3A_904 : vector<16xi32>
        tpu.vector_store_idx %arg11[%shift_right_logical3A_902, %and3A_905], %get3A_899 {add = true} : memref<16x128xf32, #tpu.memory_space<vmem>>[vector<16xi32>, vector<16xi32>], vector<16xf32>,
        %broadcast_in_dim3A_906 = vector.shape_cast %and3A_543 : vector<16xi32> to vector<16x1xi32>
        %gather3A = vector.shape_cast %broadcast_in_dim3A_906 : vector<16x1xi32> to vector<16xi32>
        %gather3A_907 = tpu.dynamic_gather %get3A_586[%gather3A] in [0] : vector<16xi32>, vector<16xi32> -> vector<16xi32>
        %broadcast_in_dim3A_908 = vector.shape_cast %add3A_546 : vector<16xi32> to vector<16x1xi32>
        %gather3A_909 = vector.shape_cast %broadcast_in_dim3A_908 : vector<16x1xi32> to vector<16xi32>
        %gather3A_910 = tpu.dynamic_gather %get3A_586[%gather3A_909] in [0] : vector<16xi32>, vector<16xi32> -> vector<16xi32>
        %add3A_911 = arith.constant 16 : i32
        %add3A_912 = vector.broadcast %add3A_911 : i32 to vector<16xi32>
        %add3A_913 = arith.addi %gather3A_907, %add3A_912 : vector<16xi32>
        %mul3A_914 = arith.constant 16 : i32
        %mul3A_915 = vector.broadcast %mul3A_914 : i32 to vector<16xi32>
        %mul3A_916 = arith.muli %add3A_913, %mul3A_915 : vector<16xi32>
        %add3A_917 = arith.addi %mul3A_916, %iota3A : vector<16xi32>
        %add3A_918 = vector.broadcast %mul3A_613 : i32 to vector<16xi32>
        %add3A_919 = arith.addi %add3A_917, %add3A_918 : vector<16xi32>
        %shift_right_logical3A_920 = arith.constant 7 : i32
        %shift_right_logical3A_921 = vector.broadcast %shift_right_logical3A_920 : i32 to vector<16xi32>
        %shift_right_logical3A_922 = arith.shrui %add3A_919, %shift_right_logical3A_921 : vector<16xi32>
        %and3A_923 = arith.constant 127 : i32
        %and3A_924 = vector.broadcast %and3A_923 : i32 to vector<16xi32>
        %and3A_925 = arith.andi %add3A_919, %and3A_924 : vector<16xi32>
        tpu.vector_store_idx %arg11[%shift_right_logical3A_922, %and3A_925], %get3A_596 {add = true} : memref<16x128xf32, #tpu.memory_space<vmem>>[vector<16xi32>, vector<16xi32>], vector<16xf32>,
        %add3A_926 = arith.constant 16 : i32
        %add3A_927 = vector.broadcast %add3A_926 : i32 to vector<16xi32>
        %add3A_928 = arith.addi %gather3A_910, %add3A_927 : vector<16xi32>
        %mul3A_929 = arith.constant 16 : i32
        %mul3A_930 = vector.broadcast %mul3A_929 : i32 to vector<16xi32>
        %mul3A_931 = arith.muli %add3A_928, %mul3A_930 : vector<16xi32>
        %add3A_932 = arith.addi %mul3A_931, %iota3A : vector<16xi32>
        %add3A_933 = arith.constant 512 : i32
        %add3A_934 = arith.addi %mul3A_613, %add3A_933 : i32
        %add3A_935 = vector.broadcast %add3A_934 : i32 to vector<16xi32>
        %add3A_936 = arith.addi %add3A_932, %add3A_935 : vector<16xi32>
        %shift_right_logical3A_937 = arith.constant 7 : i32
        %shift_right_logical3A_938 = vector.broadcast %shift_right_logical3A_937 : i32 to vector<16xi32>
        %shift_right_logical3A_939 = arith.shrui %add3A_936, %shift_right_logical3A_938 : vector<16xi32>
        %and3A_940 = arith.constant 127 : i32
        %and3A_941 = vector.broadcast %and3A_940 : i32 to vector<16xi32>
        %and3A_942 = arith.andi %add3A_936, %and3A_941 : vector<16xi32>
        tpu.vector_store_idx %arg11[%shift_right_logical3A_939, %and3A_942], %get3A_606 {add = true} : memref<16x128xf32, #tpu.memory_space<vmem>>[vector<16xi32>, vector<16xi32>], vector<16xf32>,
      }
    }
    %scan3A_568 = arith.constant 32 : i32
    %dma_wait3A_569 = tpu.memref_slice %arg2[%mul3A_555] : memref<524288xf32, #tpu.memory_space<hbm>> -> memref<8192xf32, #tpu.memory_space<hbm>>
    %dma_wait3A_570 = tpu.memref_slice %arg2[%mul3A_555] : memref<524288xf32, #tpu.memory_space<hbm>> -> memref<8192xf32, #tpu.memory_space<hbm>>
    tpu.wait_dma2 semaphore(%arg13 : memref<!tpu.dma_semaphore, #tpu.memory_space<semaphore_mem>>) src(%dma_wait3A_570 : memref<8192xf32, #tpu.memory_space<hbm>>) dst(%arg7 : memref<8192xf32, #tpu.memory_space<vmem>>)
    %dma_wait3A_571 = tpu.memref_slice %arg3[%mul3A_561] : memref<524288xf32, #tpu.memory_space<hbm>> -> memref<8192xf32, #tpu.memory_space<hbm>>
    %dma_wait3A_572 = tpu.memref_slice %arg3[%mul3A_561] : memref<524288xf32, #tpu.memory_space<hbm>> -> memref<8192xf32, #tpu.memory_space<hbm>>
    tpu.wait_dma2 semaphore(%arg13 : memref<!tpu.dma_semaphore, #tpu.memory_space<semaphore_mem>>) src(%dma_wait3A_572 : memref<8192xf32, #tpu.memory_space<hbm>>) dst(%arg9 : memref<8192xf32, #tpu.memory_space<vmem>>)
    %scan3A_573 = arith.constant 0 : i32
    %scan3A_574 = arith.constant 0 : i32
    %scan3A_575 = arith.constant 32 : i32
    %scan3A_576 = arith.addi %scan3A_574, %scan3A_575 : i32
    %scan3A_577 = arith.constant 1 : i32
    scf.for %scan3A_581 = %scan3A_574 to %scan3A_576 step %scan3A_577  : i32 {
      %mul3A_582 = arith.constant 16 : i32
      %mul3A_583 = arith.muli %scan3A_581, %mul3A_582 : i32
      %add3A_584 = arith.constant 512 : i32
      %add3A_585 = arith.addi %add3A_584, %mul3A_583 : i32
      %get3A = arith.index_cast %add3A_585 : i32 to index
      %get3A_586 = tpu.vector_load %arg10[%get3A] {strides = array<i32>} : memref<1024xi32, #tpu.memory_space<vmem>>, vector<16xi32>,
      %mul3A_587 = arith.constant 16 : i32
      %mul3A_588 = arith.muli %scan3A_581, %mul3A_587 : i32
      %mul3A_589 = arith.constant 2 : i32
      %mul3A_590 = arith.muli %scan3A_581, %mul3A_589 : i32
      %mul3A_591 = arith.constant 8 : i32
      %mul3A_592 = arith.muli %mul3A_590, %mul3A_591 : i32
      %mul3A_593 = arith.constant 16 : i32
      %mul3A_594 = arith.muli %mul3A_592, %mul3A_593 : i32
      %get3A_595 = arith.index_cast %mul3A_594 : i32 to index
      %get3A_596 = tpu.vector_load %arg9[%get3A_595] {strides = array<i32>} : memref<8192xf32, #tpu.memory_space<vmem>>, vector<16xf32>,
      %mul3A_597 = arith.constant 2 : i32
      %mul3A_598 = arith.muli %scan3A_581, %mul3A_597 : i32
      %add3A_599 = arith.constant 1 : i32
      %add3A_600 = arith.addi %mul3A_598, %add3A_599 : i32
      %mul3A_601 = arith.constant 8 : i32
      %mul3A_602 = arith.muli %add3A_600, %mul3A_601 : i32
      %mul3A_603 = arith.constant 16 : i32
      %mul3A_604 = arith.muli %mul3A_602, %mul3A_603 : i32
      %get3A_605 = arith.index_cast %mul3A_604 : i32 to index
      %get3A_606 = tpu.vector_load %arg9[%get3A_605] {strides = array<i32>} : memref<8192xf32, #tpu.memory_space<vmem>>, vector<16xf32>,
      %slice3A = vector.extract_strided_slice %get3A_586 {offsets = [0], sizes = [1], strides = [1]} : vector<16xi32> to vector<1xi32>
      %squeeze3A = vector.extract %slice3A[0] : i32 from vector<1xi32>
      %broadcast_in_dim3A_607 = vector.broadcast %squeeze3A : i32 to vector<16xi32>
      %eq3A = arith.cmpi eq, %get3A_586, %broadcast_in_dim3A_607 : vector<16xi32>
      %all_reduce_population_count3A = tpu.all_reduce %eq3A {dim = 0 : i64, kind = #tpu.reduction_kind<sum>} : vector<16xi1> -> vector<16xi32>
      %mul3A_608 = arith.constant 2 : i32
      %mul3A_609 = arith.muli %mul3A_608, %scan3A_581 : i32
      %and3A_610 = arith.constant 3 : i32
      %and3A_611 = arith.andi %mul3A_609, %and3A_610 : i32
      %mul3A_612 = arith.constant 512 : i32
      %mul3A_613 = arith.muli %and3A_611, %mul3A_612 : i32
      %slice3A_614 = vector.extract_strided_slice %all_reduce_population_count3A {offsets = [0], sizes = [1], strides = [1]} : vector<16xi32> to vector<1xi32>
      %squeeze3A_615 = vector.extract %slice3A_614[0] : i32 from vector<1xi32>
      %eq3A_616 = arith.constant 16 : i32
      %eq3A_617 = arith.cmpi eq, %squeeze3A_615, %eq3A_616 : i32
      %convert_element_type3A = arith.extui %eq3A_617 : i1 to i32
      %cond3A = arith.constant 0 : i32
      %cond3A_618 = arith.cmpi ne, %convert_element_type3A, %cond3A : i32
      scf.if %cond3A_618 {
        %add3A_619 = arith.constant 0 : i32
        %add3A_620 = arith.addi %mul3A_588, %add3A_619 : i32
        %mul3A_621 = arith.constant 16 : i32
        %mul3A_622 = arith.muli %add3A_620, %mul3A_621 : i32
        %get3A_623 = arith.index_cast %mul3A_622 : i32 to index
        %get3A_624 = tpu.vector_load %arg7[%get3A_623] {strides = array<i32>} : memref<8192xf32, #tpu.memory_space<vmem>>, vector<16xf32>,
        %add3A_625 = arith.constant 1 : i32
        %add3A_626 = arith.addi %mul3A_588, %add3A_625 : i32
        %mul3A_627 = arith.constant 16 : i32
        %mul3A_628 = arith.muli %add3A_626, %mul3A_627 : i32
        %get3A_629 = arith.index_cast %mul3A_628 : i32 to index
        %get3A_630 = tpu.vector_load %arg7[%get3A_629] {strides = array<i32>} : memref<8192xf32, #tpu.memory_space<vmem>>, vector<16xf32>,
        %add3A_631 = arith.constant 2 : i32
        %add3A_632 = arith.addi %mul3A_588, %add3A_631 : i32
        %mul3A_633 = arith.constant 16 : i32
        %mul3A_634 = arith.muli %add3A_632, %mul3A_633 : i32
        %get3A_635 = arith.index_cast %mul3A_634 : i32 to index
        %get3A_636 = tpu.vector_load %arg7[%get3A_635] {strides = array<i32>} : memref<8192xf32, #tpu.memory_space<vmem>>, vector<16xf32>,
        %add3A_637 = arith.constant 3 : i32
        %add3A_638 = arith.addi %mul3A_588, %add3A_637 : i32
        %mul3A_639 = arith.constant 16 : i32
        %mul3A_640 = arith.muli %add3A_638, %mul3A_639 : i32
        %get3A_641 = arith.index_cast %mul3A_640 : i32 to index
        %get3A_642 = tpu.vector_load %arg7[%get3A_641] {strides = array<i32>} : memref<8192xf32, #tpu.memory_space<vmem>>, vector<16xf32>,
        %add3A_643 = arith.constant 4 : i32
        %add3A_644 = arith.addi %mul3A_588, %add3A_643 : i32
        %mul3A_645 = arith.constant 16 : i32
        %mul3A_646 = arith.muli %add3A_644, %mul3A_645 : i32
        %get3A_647 = arith.index_cast %mul3A_646 : i32 to index
        %get3A_648 = tpu.vector_load %arg7[%get3A_647] {strides = array<i32>} : memref<8192xf32, #tpu.memory_space<vmem>>, vector<16xf32>,
        %add3A_649 = arith.constant 5 : i32
        %add3A_650 = arith.addi %mul3A_588, %add3A_649 : i32
        %mul3A_651 = arith.constant 16 : i32
        %mul3A_652 = arith.muli %add3A_650, %mul3A_651 : i32
        %get3A_653 = arith.index_cast %mul3A_652 : i32 to index
        %get3A_654 = tpu.vector_load %arg7[%get3A_653] {strides = array<i32>} : memref<8192xf32, #tpu.memory_space<vmem>>, vector<16xf32>,
        %add3A_655 = arith.constant 6 : i32
        %add3A_656 = arith.addi %mul3A_588, %add3A_655 : i32
        %mul3A_657 = arith.constant 16 : i32
        %mul3A_658 = arith.muli %add3A_656, %mul3A_657 : i32
        %get3A_659 = arith.index_cast %mul3A_658 : i32 to index
        %get3A_660 = tpu.vector_load %arg7[%get3A_659] {strides = array<i32>} : memref<8192xf32, #tpu.memory_space<vmem>>, vector<16xf32>,
        %add3A_661 = arith.constant 7 : i32
        %add3A_662 = arith.addi %mul3A_588, %add3A_661 : i32
        %mul3A_663 = arith.constant 16 : i32
        %mul3A_664 = arith.muli %add3A_662, %mul3A_663 : i32
        %get3A_665 = arith.index_cast %mul3A_664 : i32 to index
        %get3A_666 = tpu.vector_load %arg7[%get3A_665] {strides = array<i32>} : memref<8192xf32, #tpu.memory_space<vmem>>, vector<16xf32>,
        %add3A_667 = arith.constant 8 : i32
        %add3A_668 = arith.addi %mul3A_588, %add3A_667 : i32
        %mul3A_669 = arith.constant 16 : i32
        %mul3A_670 = arith.muli %add3A_668, %mul3A_669 : i32
        %get3A_671 = arith.index_cast %mul3A_670 : i32 to index
        %get3A_672 = tpu.vector_load %arg7[%get3A_671] {strides = array<i32>} : memref<8192xf32, #tpu.memory_space<vmem>>, vector<16xf32>,
        %add3A_673 = arith.constant 9 : i32
        %add3A_674 = arith.addi %mul3A_588, %add3A_673 : i32
        %mul3A_675 = arith.constant 16 : i32
        %mul3A_676 = arith.muli %add3A_674, %mul3A_675 : i32
        %get3A_677 = arith.index_cast %mul3A_676 : i32 to index
        %get3A_678 = tpu.vector_load %arg7[%get3A_677] {strides = array<i32>} : memref<8192xf32, #tpu.memory_space<vmem>>, vector<16xf32>,
        %add3A_679 = arith.constant 10 : i32
        %add3A_680 = arith.addi %mul3A_588, %add3A_679 : i32
        %mul3A_681 = arith.constant 16 : i32
        %mul3A_682 = arith.muli %add3A_680, %mul3A_681 : i32
        %get3A_683 = arith.index_cast %mul3A_682 : i32 to index
        %get3A_684 = tpu.vector_load %arg7[%get3A_683] {strides = array<i32>} : memref<8192xf32, #tpu.memory_space<vmem>>, vector<16xf32>,
        %add3A_685 = arith.constant 11 : i32
        %add3A_686 = arith.addi %mul3A_588, %add3A_685 : i32
        %mul3A_687 = arith.constant 16 : i32
        %mul3A_688 = arith.muli %add3A_686, %mul3A_687 : i32
        %get3A_689 = arith.index_cast %mul3A_688 : i32 to index
        %get3A_690 = tpu.vector_load %arg7[%get3A_689] {strides = array<i32>} : memref<8192xf32, #tpu.memory_space<vmem>>, vector<16xf32>,
        %add3A_691 = arith.constant 12 : i32
        %add3A_692 = arith.addi %mul3A_588, %add3A_691 : i32
        %mul3A_693 = arith.constant 16 : i32
        %mul3A_694 = arith.muli %add3A_692, %mul3A_693 : i32
        %get3A_695 = arith.index_cast %mul3A_694 : i32 to index
        %get3A_696 = tpu.vector_load %arg7[%get3A_695] {strides = array<i32>} : memref<8192xf32, #tpu.memory_space<vmem>>, vector<16xf32>,
        %add3A_697 = arith.constant 13 : i32
        %add3A_698 = arith.addi %mul3A_588, %add3A_697 : i32
        %mul3A_699 = arith.constant 16 : i32
        %mul3A_700 = arith.muli %add3A_698, %mul3A_699 : i32
        %get3A_701 = arith.index_cast %mul3A_700 : i32 to index
        %get3A_702 = tpu.vector_load %arg7[%get3A_701] {strides = array<i32>} : memref<8192xf32, #tpu.memory_space<vmem>>, vector<16xf32>,
        %add3A_703 = arith.constant 14 : i32
        %add3A_704 = arith.addi %mul3A_588, %add3A_703 : i32
        %mul3A_705 = arith.constant 16 : i32
        %mul3A_706 = arith.muli %add3A_704, %mul3A_705 : i32
        %get3A_707 = arith.index_cast %mul3A_706 : i32 to index
        %get3A_708 = tpu.vector_load %arg7[%get3A_707] {strides = array<i32>} : memref<8192xf32, #tpu.memory_space<vmem>>, vector<16xf32>,
        %add3A_709 = arith.constant 15 : i32
        %add3A_710 = arith.addi %mul3A_588, %add3A_709 : i32
        %mul3A_711 = arith.constant 16 : i32
        %mul3A_712 = arith.muli %add3A_710, %mul3A_711 : i32
        %get3A_713 = arith.index_cast %mul3A_712 : i32 to index
        %get3A_714 = tpu.vector_load %arg7[%get3A_713] {strides = array<i32>} : memref<8192xf32, #tpu.memory_space<vmem>>, vector<16xf32>,
        %add3A_715 = arith.addf %get3A_624, %get3A_630 : vector<16xf32>
        %add3A_716 = arith.addf %get3A_636, %get3A_642 : vector<16xf32>
        %add3A_717 = arith.addf %get3A_648, %get3A_654 : vector<16xf32>
        %add3A_718 = arith.addf %get3A_660, %get3A_666 : vector<16xf32>
        %add3A_719 = arith.addf %get3A_672, %get3A_678 : vector<16xf32>
        %add3A_720 = arith.addf %get3A_684, %get3A_690 : vector<16xf32>
        %add3A_721 = arith.addf %get3A_696, %get3A_702 : vector<16xf32>
        %add3A_722 = arith.addf %get3A_708, %get3A_714 : vector<16xf32>
        %add3A_723 = arith.addf %add3A_715, %add3A_716 : vector<16xf32>
        %add3A_724 = arith.addf %add3A_717, %add3A_718 : vector<16xf32>
        %add3A_725 = arith.addf %add3A_719, %add3A_720 : vector<16xf32>
        %add3A_726 = arith.addf %add3A_721, %add3A_722 : vector<16xf32>
        %add3A_727 = arith.addf %add3A_723, %add3A_724 : vector<16xf32>
        %add3A_728 = arith.addf %add3A_725, %add3A_726 : vector<16xf32>
        %add3A_729 = arith.addf %add3A_727, %add3A_728 : vector<16xf32>
        %mul3A_730 = arith.constant 16 : i32
        %mul3A_731 = arith.muli %squeeze3A, %mul3A_730 : i32
        %add3A_732 = vector.broadcast %mul3A_731 : i32 to vector<16xi32>
        %add3A_733 = arith.addi %add3A_732, %iota3A : vector<16xi32>
        %add3A_734 = vector.broadcast %mul3A_613 : i32 to vector<16xi32>
        %add3A_735 = arith.addi %add3A_733, %add3A_734 : vector<16xi32>
        %shift_right_logical3A = arith.constant 7 : i32
        %shift_right_logical3A_736 = vector.broadcast %shift_right_logical3A : i32 to vector<16xi32>
        %shift_right_logical3A_737 = arith.shrui %add3A_735, %shift_right_logical3A_736 : vector<16xi32>
        %and3A_738 = arith.constant 127 : i32
        %and3A_739 = vector.broadcast %and3A_738 : i32 to vector<16xi32>
        %and3A_740 = arith.andi %add3A_735, %and3A_739 : vector<16xi32>
        tpu.vector_store_idx %arg11[%shift_right_logical3A_737, %and3A_740], %add3A_729 {add = true} : memref<16x128xf32, #tpu.memory_space<vmem>>[vector<16xi32>, vector<16xi32>], vector<16xf32>,
        %add3A_741 = arith.constant 16 : i32
        %add3A_742 = arith.addi %squeeze3A, %add3A_741 : i32
        %mul3A_743 = arith.constant 16 : i32
        %mul3A_744 = arith.muli %add3A_742, %mul3A_743 : i32
        %add3A_745 = vector.broadcast %mul3A_744 : i32 to vector<16xi32>
        %add3A_746 = arith.addi %add3A_745, %iota3A : vector<16xi32>
        %add3A_747 = arith.constant 512 : i32
        %add3A_748 = arith.addi %mul3A_613, %add3A_747 : i32
        %add3A_749 = vector.broadcast %add3A_748 : i32 to vector<16xi32>
        %add3A_750 = arith.addi %add3A_746, %add3A_749 : vector<16xi32>
        %add3A_751 = arith.addf %get3A_596, %get3A_606 : vector<16xf32>
        %shift_right_logical3A_752 = arith.constant 7 : i32
        %shift_right_logical3A_753 = vector.broadcast %shift_right_logical3A_752 : i32 to vector<16xi32>
        %shift_right_logical3A_754 = arith.shrui %add3A_750, %shift_right_logical3A_753 : vector<16xi32>
        %and3A_755 = arith.constant 127 : i32
        %and3A_756 = vector.broadcast %and3A_755 : i32 to vector<16xi32>
        %and3A_757 = arith.andi %add3A_750, %and3A_756 : vector<16xi32>
        tpu.vector_store_idx %arg11[%shift_right_logical3A_754, %and3A_757], %add3A_751 {add = true} : memref<16x128xf32, #tpu.memory_space<vmem>>[vector<16xi32>, vector<16xi32>], vector<16xf32>,
      } else {
        %slice3A_619 = vector.extract_strided_slice %get3A_586 {offsets = [0], sizes = [1], strides = [1]} : vector<16xi32> to vector<1xi32>
        %squeeze3A_620 = vector.extract %slice3A_619[0] : i32 from vector<1xi32>
        %mul3A_621 = arith.constant 16 : i32
        %mul3A_622 = arith.muli %squeeze3A_620, %mul3A_621 : i32
        %add3A_623 = vector.broadcast %mul3A_622 : i32 to vector<16xi32>
        %add3A_624 = arith.addi %add3A_623, %add3A_532 : vector<16xi32>
        %add3A_625 = arith.constant 0 : i32
        %add3A_626 = arith.addi %mul3A_588, %add3A_625 : i32
        %mul3A_627 = arith.constant 16 : i32
        %mul3A_628 = arith.muli %add3A_626, %mul3A_627 : i32
        %get3A_629 = arith.index_cast %mul3A_628 : i32 to index
        %get3A_630 = tpu.vector_load %arg7[%get3A_629] {strides = array<i32>} : memref<8192xf32, #tpu.memory_space<vmem>>, vector<16xf32>,
        %shift_right_logical3A = arith.constant 7 : i32
        %shift_right_logical3A_631 = vector.broadcast %shift_right_logical3A : i32 to vector<16xi32>
        %shift_right_logical3A_632 = arith.shrui %add3A_624, %shift_right_logical3A_631 : vector<16xi32>
        %and3A_633 = arith.constant 127 : i32
        %and3A_634 = vector.broadcast %and3A_633 : i32 to vector<16xi32>
        %and3A_635 = arith.andi %add3A_624, %and3A_634 : vector<16xi32>
        tpu.vector_store_idx %arg11[%shift_right_logical3A_632, %and3A_635], %get3A_630 {add = true} : memref<16x128xf32, #tpu.memory_space<vmem>>[vector<16xi32>, vector<16xi32>], vector<16xf32>,
        %slice3A_636 = vector.extract_strided_slice %get3A_586 {offsets = [1], sizes = [1], strides = [1]} : vector<16xi32> to vector<1xi32>
        %squeeze3A_637 = vector.extract %slice3A_636[0] : i32 from vector<1xi32>
        %mul3A_638 = arith.constant 16 : i32
        %mul3A_639 = arith.muli %squeeze3A_637, %mul3A_638 : i32
        %add3A_640 = vector.broadcast %mul3A_639 : i32 to vector<16xi32>
        %add3A_641 = arith.addi %add3A_640, %add3A_535 : vector<16xi32>
        %add3A_642 = arith.constant 1 : i32
        %add3A_643 = arith.addi %mul3A_588, %add3A_642 : i32
        %mul3A_644 = arith.constant 16 : i32
        %mul3A_645 = arith.muli %add3A_643, %mul3A_644 : i32
        %get3A_646 = arith.index_cast %mul3A_645 : i32 to index
        %get3A_647 = tpu.vector_load %arg7[%get3A_646] {strides = array<i32>} : memref<8192xf32, #tpu.memory_space<vmem>>, vector<16xf32>,
        %shift_right_logical3A_648 = arith.constant 7 : i32
        %shift_right_logical3A_649 = vector.broadcast %shift_right_logical3A_648 : i32 to vector<16xi32>
        %shift_right_logical3A_650 = arith.shrui %add3A_641, %shift_right_logical3A_649 : vector<16xi32>
        %and3A_651 = arith.constant 127 : i32
        %and3A_652 = vector.broadcast %and3A_651 : i32 to vector<16xi32>
        %and3A_653 = arith.andi %add3A_641, %and3A_652 : vector<16xi32>
        tpu.vector_store_idx %arg11[%shift_right_logical3A_650, %and3A_653], %get3A_647 {add = true} : memref<16x128xf32, #tpu.memory_space<vmem>>[vector<16xi32>, vector<16xi32>], vector<16xf32>,
        %slice3A_654 = vector.extract_strided_slice %get3A_586 {offsets = [2], sizes = [1], strides = [1]} : vector<16xi32> to vector<1xi32>
        %squeeze3A_655 = vector.extract %slice3A_654[0] : i32 from vector<1xi32>
        %mul3A_656 = arith.constant 16 : i32
        %mul3A_657 = arith.muli %squeeze3A_655, %mul3A_656 : i32
        %add3A_658 = vector.broadcast %mul3A_657 : i32 to vector<16xi32>
        %add3A_659 = arith.addi %add3A_658, %add3A_538 : vector<16xi32>
        %add3A_660 = arith.constant 2 : i32
        %add3A_661 = arith.addi %mul3A_588, %add3A_660 : i32
        %mul3A_662 = arith.constant 16 : i32
        %mul3A_663 = arith.muli %add3A_661, %mul3A_662 : i32
        %get3A_664 = arith.index_cast %mul3A_663 : i32 to index
        %get3A_665 = tpu.vector_load %arg7[%get3A_664] {strides = array<i32>} : memref<8192xf32, #tpu.memory_space<vmem>>, vector<16xf32>,
        %shift_right_logical3A_666 = arith.constant 7 : i32
        %shift_right_logical3A_667 = vector.broadcast %shift_right_logical3A_666 : i32 to vector<16xi32>
        %shift_right_logical3A_668 = arith.shrui %add3A_659, %shift_right_logical3A_667 : vector<16xi32>
        %and3A_669 = arith.constant 127 : i32
        %and3A_670 = vector.broadcast %and3A_669 : i32 to vector<16xi32>
        %and3A_671 = arith.andi %add3A_659, %and3A_670 : vector<16xi32>
        tpu.vector_store_idx %arg11[%shift_right_logical3A_668, %and3A_671], %get3A_665 {add = true} : memref<16x128xf32, #tpu.memory_space<vmem>>[vector<16xi32>, vector<16xi32>], vector<16xf32>,
        %slice3A_672 = vector.extract_strided_slice %get3A_586 {offsets = [3], sizes = [1], strides = [1]} : vector<16xi32> to vector<1xi32>
        %squeeze3A_673 = vector.extract %slice3A_672[0] : i32 from vector<1xi32>
        %mul3A_674 = arith.constant 16 : i32
        %mul3A_675 = arith.muli %squeeze3A_673, %mul3A_674 : i32
        %add3A_676 = vector.broadcast %mul3A_675 : i32 to vector<16xi32>
        %add3A_677 = arith.addi %add3A_676, %add3A_541 : vector<16xi32>
        %add3A_678 = arith.constant 3 : i32
        %add3A_679 = arith.addi %mul3A_588, %add3A_678 : i32
        %mul3A_680 = arith.constant 16 : i32
        %mul3A_681 = arith.muli %add3A_679, %mul3A_680 : i32
        %get3A_682 = arith.index_cast %mul3A_681 : i32 to index
        %get3A_683 = tpu.vector_load %arg7[%get3A_682] {strides = array<i32>} : memref<8192xf32, #tpu.memory_space<vmem>>, vector<16xf32>,
        %shift_right_logical3A_684 = arith.constant 7 : i32
        %shift_right_logical3A_685 = vector.broadcast %shift_right_logical3A_684 : i32 to vector<16xi32>
        %shift_right_logical3A_686 = arith.shrui %add3A_677, %shift_right_logical3A_685 : vector<16xi32>
        %and3A_687 = arith.constant 127 : i32
        %and3A_688 = vector.broadcast %and3A_687 : i32 to vector<16xi32>
        %and3A_689 = arith.andi %add3A_677, %and3A_688 : vector<16xi32>
        tpu.vector_store_idx %arg11[%shift_right_logical3A_686, %and3A_689], %get3A_683 {add = true} : memref<16x128xf32, #tpu.memory_space<vmem>>[vector<16xi32>, vector<16xi32>], vector<16xf32>,
        %slice3A_690 = vector.extract_strided_slice %get3A_586 {offsets = [4], sizes = [1], strides = [1]} : vector<16xi32> to vector<1xi32>
        %squeeze3A_691 = vector.extract %slice3A_690[0] : i32 from vector<1xi32>
        %mul3A_692 = arith.constant 16 : i32
        %mul3A_693 = arith.muli %squeeze3A_691, %mul3A_692 : i32
        %add3A_694 = vector.broadcast %mul3A_693 : i32 to vector<16xi32>
        %add3A_695 = arith.addi %add3A_694, %add3A_532 : vector<16xi32>
        %add3A_696 = arith.constant 4 : i32
        %add3A_697 = arith.addi %mul3A_588, %add3A_696 : i32
        %mul3A_698 = arith.constant 16 : i32
        %mul3A_699 = arith.muli %add3A_697, %mul3A_698 : i32
        %get3A_700 = arith.index_cast %mul3A_699 : i32 to index
        %get3A_701 = tpu.vector_load %arg7[%get3A_700] {strides = array<i32>} : memref<8192xf32, #tpu.memory_space<vmem>>, vector<16xf32>,
        %shift_right_logical3A_702 = arith.constant 7 : i32
        %shift_right_logical3A_703 = vector.broadcast %shift_right_logical3A_702 : i32 to vector<16xi32>
        %shift_right_logical3A_704 = arith.shrui %add3A_695, %shift_right_logical3A_703 : vector<16xi32>
        %and3A_705 = arith.constant 127 : i32
        %and3A_706 = vector.broadcast %and3A_705 : i32 to vector<16xi32>
        %and3A_707 = arith.andi %add3A_695, %and3A_706 : vector<16xi32>
        tpu.vector_store_idx %arg11[%shift_right_logical3A_704, %and3A_707], %get3A_701 {add = true} : memref<16x128xf32, #tpu.memory_space<vmem>>[vector<16xi32>, vector<16xi32>], vector<16xf32>,
        %slice3A_708 = vector.extract_strided_slice %get3A_586 {offsets = [5], sizes = [1], strides = [1]} : vector<16xi32> to vector<1xi32>
        %squeeze3A_709 = vector.extract %slice3A_708[0] : i32 from vector<1xi32>
        %mul3A_710 = arith.constant 16 : i32
        %mul3A_711 = arith.muli %squeeze3A_709, %mul3A_710 : i32
        %add3A_712 = vector.broadcast %mul3A_711 : i32 to vector<16xi32>
        %add3A_713 = arith.addi %add3A_712, %add3A_535 : vector<16xi32>
        %add3A_714 = arith.constant 5 : i32
        %add3A_715 = arith.addi %mul3A_588, %add3A_714 : i32
        %mul3A_716 = arith.constant 16 : i32
        %mul3A_717 = arith.muli %add3A_715, %mul3A_716 : i32
        %get3A_718 = arith.index_cast %mul3A_717 : i32 to index
        %get3A_719 = tpu.vector_load %arg7[%get3A_718] {strides = array<i32>} : memref<8192xf32, #tpu.memory_space<vmem>>, vector<16xf32>,
        %shift_right_logical3A_720 = arith.constant 7 : i32
        %shift_right_logical3A_721 = vector.broadcast %shift_right_logical3A_720 : i32 to vector<16xi32>
        %shift_right_logical3A_722 = arith.shrui %add3A_713, %shift_right_logical3A_721 : vector<16xi32>
        %and3A_723 = arith.constant 127 : i32
        %and3A_724 = vector.broadcast %and3A_723 : i32 to vector<16xi32>
        %and3A_725 = arith.andi %add3A_713, %and3A_724 : vector<16xi32>
        tpu.vector_store_idx %arg11[%shift_right_logical3A_722, %and3A_725], %get3A_719 {add = true} : memref<16x128xf32, #tpu.memory_space<vmem>>[vector<16xi32>, vector<16xi32>], vector<16xf32>,
        %slice3A_726 = vector.extract_strided_slice %get3A_586 {offsets = [6], sizes = [1], strides = [1]} : vector<16xi32> to vector<1xi32>
        %squeeze3A_727 = vector.extract %slice3A_726[0] : i32 from vector<1xi32>
        %mul3A_728 = arith.constant 16 : i32
        %mul3A_729 = arith.muli %squeeze3A_727, %mul3A_728 : i32
        %add3A_730 = vector.broadcast %mul3A_729 : i32 to vector<16xi32>
        %add3A_731 = arith.addi %add3A_730, %add3A_538 : vector<16xi32>
        %add3A_732 = arith.constant 6 : i32
        %add3A_733 = arith.addi %mul3A_588, %add3A_732 : i32
        %mul3A_734 = arith.constant 16 : i32
        %mul3A_735 = arith.muli %add3A_733, %mul3A_734 : i32
        %get3A_736 = arith.index_cast %mul3A_735 : i32 to index
        %get3A_737 = tpu.vector_load %arg7[%get3A_736] {strides = array<i32>} : memref<8192xf32, #tpu.memory_space<vmem>>, vector<16xf32>,
        %shift_right_logical3A_738 = arith.constant 7 : i32
        %shift_right_logical3A_739 = vector.broadcast %shift_right_logical3A_738 : i32 to vector<16xi32>
        %shift_right_logical3A_740 = arith.shrui %add3A_731, %shift_right_logical3A_739 : vector<16xi32>
        %and3A_741 = arith.constant 127 : i32
        %and3A_742 = vector.broadcast %and3A_741 : i32 to vector<16xi32>
        %and3A_743 = arith.andi %add3A_731, %and3A_742 : vector<16xi32>
        tpu.vector_store_idx %arg11[%shift_right_logical3A_740, %and3A_743], %get3A_737 {add = true} : memref<16x128xf32, #tpu.memory_space<vmem>>[vector<16xi32>, vector<16xi32>], vector<16xf32>,
        %slice3A_744 = vector.extract_strided_slice %get3A_586 {offsets = [7], sizes = [1], strides = [1]} : vector<16xi32> to vector<1xi32>
        %squeeze3A_745 = vector.extract %slice3A_744[0] : i32 from vector<1xi32>
        %mul3A_746 = arith.constant 16 : i32
        %mul3A_747 = arith.muli %squeeze3A_745, %mul3A_746 : i32
        %add3A_748 = vector.broadcast %mul3A_747 : i32 to vector<16xi32>
        %add3A_749 = arith.addi %add3A_748, %add3A_541 : vector<16xi32>
        %add3A_750 = arith.constant 7 : i32
        %add3A_751 = arith.addi %mul3A_588, %add3A_750 : i32
        %mul3A_752 = arith.constant 16 : i32
        %mul3A_753 = arith.muli %add3A_751, %mul3A_752 : i32
        %get3A_754 = arith.index_cast %mul3A_753 : i32 to index
        %get3A_755 = tpu.vector_load %arg7[%get3A_754] {strides = array<i32>} : memref<8192xf32, #tpu.memory_space<vmem>>, vector<16xf32>,
        %shift_right_logical3A_756 = arith.constant 7 : i32
        %shift_right_logical3A_757 = vector.broadcast %shift_right_logical3A_756 : i32 to vector<16xi32>
        %shift_right_logical3A_758 = arith.shrui %add3A_749, %shift_right_logical3A_757 : vector<16xi32>
        %and3A_759 = arith.constant 127 : i32
        %and3A_760 = vector.broadcast %and3A_759 : i32 to vector<16xi32>
        %and3A_761 = arith.andi %add3A_749, %and3A_760 : vector<16xi32>
        tpu.vector_store_idx %arg11[%shift_right_logical3A_758, %and3A_761], %get3A_755 {add = true} : memref<16x128xf32, #tpu.memory_space<vmem>>[vector<16xi32>, vector<16xi32>], vector<16xf32>,
        %slice3A_762 = vector.extract_strided_slice %get3A_586 {offsets = [8], sizes = [1], strides = [1]} : vector<16xi32> to vector<1xi32>
        %squeeze3A_763 = vector.extract %slice3A_762[0] : i32 from vector<1xi32>
        %mul3A_764 = arith.constant 16 : i32
        %mul3A_765 = arith.muli %squeeze3A_763, %mul3A_764 : i32
        %add3A_766 = vector.broadcast %mul3A_765 : i32 to vector<16xi32>
        %add3A_767 = arith.addi %add3A_766, %add3A_532 : vector<16xi32>
        %add3A_768 = arith.constant 8 : i32
        %add3A_769 = arith.addi %mul3A_588, %add3A_768 : i32
        %mul3A_770 = arith.constant 16 : i32
        %mul3A_771 = arith.muli %add3A_769, %mul3A_770 : i32
        %get3A_772 = arith.index_cast %mul3A_771 : i32 to index
        %get3A_773 = tpu.vector_load %arg7[%get3A_772] {strides = array<i32>} : memref<8192xf32, #tpu.memory_space<vmem>>, vector<16xf32>,
        %shift_right_logical3A_774 = arith.constant 7 : i32
        %shift_right_logical3A_775 = vector.broadcast %shift_right_logical3A_774 : i32 to vector<16xi32>
        %shift_right_logical3A_776 = arith.shrui %add3A_767, %shift_right_logical3A_775 : vector<16xi32>
        %and3A_777 = arith.constant 127 : i32
        %and3A_778 = vector.broadcast %and3A_777 : i32 to vector<16xi32>
        %and3A_779 = arith.andi %add3A_767, %and3A_778 : vector<16xi32>
        tpu.vector_store_idx %arg11[%shift_right_logical3A_776, %and3A_779], %get3A_773 {add = true} : memref<16x128xf32, #tpu.memory_space<vmem>>[vector<16xi32>, vector<16xi32>], vector<16xf32>,
        %slice3A_780 = vector.extract_strided_slice %get3A_586 {offsets = [9], sizes = [1], strides = [1]} : vector<16xi32> to vector<1xi32>
        %squeeze3A_781 = vector.extract %slice3A_780[0] : i32 from vector<1xi32>
        %mul3A_782 = arith.constant 16 : i32
        %mul3A_783 = arith.muli %squeeze3A_781, %mul3A_782 : i32
        %add3A_784 = vector.broadcast %mul3A_783 : i32 to vector<16xi32>
        %add3A_785 = arith.addi %add3A_784, %add3A_535 : vector<16xi32>
        %add3A_786 = arith.constant 9 : i32
        %add3A_787 = arith.addi %mul3A_588, %add3A_786 : i32
        %mul3A_788 = arith.constant 16 : i32
        %mul3A_789 = arith.muli %add3A_787, %mul3A_788 : i32
        %get3A_790 = arith.index_cast %mul3A_789 : i32 to index
        %get3A_791 = tpu.vector_load %arg7[%get3A_790] {strides = array<i32>} : memref<8192xf32, #tpu.memory_space<vmem>>, vector<16xf32>,
        %shift_right_logical3A_792 = arith.constant 7 : i32
        %shift_right_logical3A_793 = vector.broadcast %shift_right_logical3A_792 : i32 to vector<16xi32>
        %shift_right_logical3A_794 = arith.shrui %add3A_785, %shift_right_logical3A_793 : vector<16xi32>
        %and3A_795 = arith.constant 127 : i32
        %and3A_796 = vector.broadcast %and3A_795 : i32 to vector<16xi32>
        %and3A_797 = arith.andi %add3A_785, %and3A_796 : vector<16xi32>
        tpu.vector_store_idx %arg11[%shift_right_logical3A_794, %and3A_797], %get3A_791 {add = true} : memref<16x128xf32, #tpu.memory_space<vmem>>[vector<16xi32>, vector<16xi32>], vector<16xf32>,
        %slice3A_798 = vector.extract_strided_slice %get3A_586 {offsets = [10], sizes = [1], strides = [1]} : vector<16xi32> to vector<1xi32>
        %squeeze3A_799 = vector.extract %slice3A_798[0] : i32 from vector<1xi32>
        %mul3A_800 = arith.constant 16 : i32
        %mul3A_801 = arith.muli %squeeze3A_799, %mul3A_800 : i32
        %add3A_802 = vector.broadcast %mul3A_801 : i32 to vector<16xi32>
        %add3A_803 = arith.addi %add3A_802, %add3A_538 : vector<16xi32>
        %add3A_804 = arith.constant 10 : i32
        %add3A_805 = arith.addi %mul3A_588, %add3A_804 : i32
        %mul3A_806 = arith.constant 16 : i32
        %mul3A_807 = arith.muli %add3A_805, %mul3A_806 : i32
        %get3A_808 = arith.index_cast %mul3A_807 : i32 to index
        %get3A_809 = tpu.vector_load %arg7[%get3A_808] {strides = array<i32>} : memref<8192xf32, #tpu.memory_space<vmem>>, vector<16xf32>,
        %shift_right_logical3A_810 = arith.constant 7 : i32
        %shift_right_logical3A_811 = vector.broadcast %shift_right_logical3A_810 : i32 to vector<16xi32>
        %shift_right_logical3A_812 = arith.shrui %add3A_803, %shift_right_logical3A_811 : vector<16xi32>
        %and3A_813 = arith.constant 127 : i32
        %and3A_814 = vector.broadcast %and3A_813 : i32 to vector<16xi32>
        %and3A_815 = arith.andi %add3A_803, %and3A_814 : vector<16xi32>
        tpu.vector_store_idx %arg11[%shift_right_logical3A_812, %and3A_815], %get3A_809 {add = true} : memref<16x128xf32, #tpu.memory_space<vmem>>[vector<16xi32>, vector<16xi32>], vector<16xf32>,
        %slice3A_816 = vector.extract_strided_slice %get3A_586 {offsets = [11], sizes = [1], strides = [1]} : vector<16xi32> to vector<1xi32>
        %squeeze3A_817 = vector.extract %slice3A_816[0] : i32 from vector<1xi32>
        %mul3A_818 = arith.constant 16 : i32
        %mul3A_819 = arith.muli %squeeze3A_817, %mul3A_818 : i32
        %add3A_820 = vector.broadcast %mul3A_819 : i32 to vector<16xi32>
        %add3A_821 = arith.addi %add3A_820, %add3A_541 : vector<16xi32>
        %add3A_822 = arith.constant 11 : i32
        %add3A_823 = arith.addi %mul3A_588, %add3A_822 : i32
        %mul3A_824 = arith.constant 16 : i32
        %mul3A_825 = arith.muli %add3A_823, %mul3A_824 : i32
        %get3A_826 = arith.index_cast %mul3A_825 : i32 to index
        %get3A_827 = tpu.vector_load %arg7[%get3A_826] {strides = array<i32>} : memref<8192xf32, #tpu.memory_space<vmem>>, vector<16xf32>,
        %shift_right_logical3A_828 = arith.constant 7 : i32
        %shift_right_logical3A_829 = vector.broadcast %shift_right_logical3A_828 : i32 to vector<16xi32>
        %shift_right_logical3A_830 = arith.shrui %add3A_821, %shift_right_logical3A_829 : vector<16xi32>
        %and3A_831 = arith.constant 127 : i32
        %and3A_832 = vector.broadcast %and3A_831 : i32 to vector<16xi32>
        %and3A_833 = arith.andi %add3A_821, %and3A_832 : vector<16xi32>
        tpu.vector_store_idx %arg11[%shift_right_logical3A_830, %and3A_833], %get3A_827 {add = true} : memref<16x128xf32, #tpu.memory_space<vmem>>[vector<16xi32>, vector<16xi32>], vector<16xf32>,
        %slice3A_834 = vector.extract_strided_slice %get3A_586 {offsets = [12], sizes = [1], strides = [1]} : vector<16xi32> to vector<1xi32>
        %squeeze3A_835 = vector.extract %slice3A_834[0] : i32 from vector<1xi32>
        %mul3A_836 = arith.constant 16 : i32
        %mul3A_837 = arith.muli %squeeze3A_835, %mul3A_836 : i32
        %add3A_838 = vector.broadcast %mul3A_837 : i32 to vector<16xi32>
        %add3A_839 = arith.addi %add3A_838, %add3A_532 : vector<16xi32>
        %add3A_840 = arith.constant 12 : i32
        %add3A_841 = arith.addi %mul3A_588, %add3A_840 : i32
        %mul3A_842 = arith.constant 16 : i32
        %mul3A_843 = arith.muli %add3A_841, %mul3A_842 : i32
        %get3A_844 = arith.index_cast %mul3A_843 : i32 to index
        %get3A_845 = tpu.vector_load %arg7[%get3A_844] {strides = array<i32>} : memref<8192xf32, #tpu.memory_space<vmem>>, vector<16xf32>,
        %shift_right_logical3A_846 = arith.constant 7 : i32
        %shift_right_logical3A_847 = vector.broadcast %shift_right_logical3A_846 : i32 to vector<16xi32>
        %shift_right_logical3A_848 = arith.shrui %add3A_839, %shift_right_logical3A_847 : vector<16xi32>
        %and3A_849 = arith.constant 127 : i32
        %and3A_850 = vector.broadcast %and3A_849 : i32 to vector<16xi32>
        %and3A_851 = arith.andi %add3A_839, %and3A_850 : vector<16xi32>
        tpu.vector_store_idx %arg11[%shift_right_logical3A_848, %and3A_851], %get3A_845 {add = true} : memref<16x128xf32, #tpu.memory_space<vmem>>[vector<16xi32>, vector<16xi32>], vector<16xf32>,
        %slice3A_852 = vector.extract_strided_slice %get3A_586 {offsets = [13], sizes = [1], strides = [1]} : vector<16xi32> to vector<1xi32>
        %squeeze3A_853 = vector.extract %slice3A_852[0] : i32 from vector<1xi32>
        %mul3A_854 = arith.constant 16 : i32
        %mul3A_855 = arith.muli %squeeze3A_853, %mul3A_854 : i32
        %add3A_856 = vector.broadcast %mul3A_855 : i32 to vector<16xi32>
        %add3A_857 = arith.addi %add3A_856, %add3A_535 : vector<16xi32>
        %add3A_858 = arith.constant 13 : i32
        %add3A_859 = arith.addi %mul3A_588, %add3A_858 : i32
        %mul3A_860 = arith.constant 16 : i32
        %mul3A_861 = arith.muli %add3A_859, %mul3A_860 : i32
        %get3A_862 = arith.index_cast %mul3A_861 : i32 to index
        %get3A_863 = tpu.vector_load %arg7[%get3A_862] {strides = array<i32>} : memref<8192xf32, #tpu.memory_space<vmem>>, vector<16xf32>,
        %shift_right_logical3A_864 = arith.constant 7 : i32
        %shift_right_logical3A_865 = vector.broadcast %shift_right_logical3A_864 : i32 to vector<16xi32>
        %shift_right_logical3A_866 = arith.shrui %add3A_857, %shift_right_logical3A_865 : vector<16xi32>
        %and3A_867 = arith.constant 127 : i32
        %and3A_868 = vector.broadcast %and3A_867 : i32 to vector<16xi32>
        %and3A_869 = arith.andi %add3A_857, %and3A_868 : vector<16xi32>
        tpu.vector_store_idx %arg11[%shift_right_logical3A_866, %and3A_869], %get3A_863 {add = true} : memref<16x128xf32, #tpu.memory_space<vmem>>[vector<16xi32>, vector<16xi32>], vector<16xf32>,
        %slice3A_870 = vector.extract_strided_slice %get3A_586 {offsets = [14], sizes = [1], strides = [1]} : vector<16xi32> to vector<1xi32>
        %squeeze3A_871 = vector.extract %slice3A_870[0] : i32 from vector<1xi32>
        %mul3A_872 = arith.constant 16 : i32
        %mul3A_873 = arith.muli %squeeze3A_871, %mul3A_872 : i32
        %add3A_874 = vector.broadcast %mul3A_873 : i32 to vector<16xi32>
        %add3A_875 = arith.addi %add3A_874, %add3A_538 : vector<16xi32>
        %add3A_876 = arith.constant 14 : i32
        %add3A_877 = arith.addi %mul3A_588, %add3A_876 : i32
        %mul3A_878 = arith.constant 16 : i32
        %mul3A_879 = arith.muli %add3A_877, %mul3A_878 : i32
        %get3A_880 = arith.index_cast %mul3A_879 : i32 to index
        %get3A_881 = tpu.vector_load %arg7[%get3A_880] {strides = array<i32>} : memref<8192xf32, #tpu.memory_space<vmem>>, vector<16xf32>,
        %shift_right_logical3A_882 = arith.constant 7 : i32
        %shift_right_logical3A_883 = vector.broadcast %shift_right_logical3A_882 : i32 to vector<16xi32>
        %shift_right_logical3A_884 = arith.shrui %add3A_875, %shift_right_logical3A_883 : vector<16xi32>
        %and3A_885 = arith.constant 127 : i32
        %and3A_886 = vector.broadcast %and3A_885 : i32 to vector<16xi32>
        %and3A_887 = arith.andi %add3A_875, %and3A_886 : vector<16xi32>
        tpu.vector_store_idx %arg11[%shift_right_logical3A_884, %and3A_887], %get3A_881 {add = true} : memref<16x128xf32, #tpu.memory_space<vmem>>[vector<16xi32>, vector<16xi32>], vector<16xf32>,
        %slice3A_888 = vector.extract_strided_slice %get3A_586 {offsets = [15], sizes = [1], strides = [1]} : vector<16xi32> to vector<1xi32>
        %squeeze3A_889 = vector.extract %slice3A_888[0] : i32 from vector<1xi32>
        %mul3A_890 = arith.constant 16 : i32
        %mul3A_891 = arith.muli %squeeze3A_889, %mul3A_890 : i32
        %add3A_892 = vector.broadcast %mul3A_891 : i32 to vector<16xi32>
        %add3A_893 = arith.addi %add3A_892, %add3A_541 : vector<16xi32>
        %add3A_894 = arith.constant 15 : i32
        %add3A_895 = arith.addi %mul3A_588, %add3A_894 : i32
        %mul3A_896 = arith.constant 16 : i32
        %mul3A_897 = arith.muli %add3A_895, %mul3A_896 : i32
        %get3A_898 = arith.index_cast %mul3A_897 : i32 to index
        %get3A_899 = tpu.vector_load %arg7[%get3A_898] {strides = array<i32>} : memref<8192xf32, #tpu.memory_space<vmem>>, vector<16xf32>,
        %shift_right_logical3A_900 = arith.constant 7 : i32
        %shift_right_logical3A_901 = vector.broadcast %shift_right_logical3A_900 : i32 to vector<16xi32>
        %shift_right_logical3A_902 = arith.shrui %add3A_893, %shift_right_logical3A_901 : vector<16xi32>
        %and3A_903 = arith.constant 127 : i32
        %and3A_904 = vector.broadcast %and3A_903 : i32 to vector<16xi32>
        %and3A_905 = arith.andi %add3A_893, %and3A_904 : vector<16xi32>
        tpu.vector_store_idx %arg11[%shift_right_logical3A_902, %and3A_905], %get3A_899 {add = true} : memref<16x128xf32, #tpu.memory_space<vmem>>[vector<16xi32>, vector<16xi32>], vector<16xf32>,
        %broadcast_in_dim3A_906 = vector.shape_cast %and3A_543 : vector<16xi32> to vector<16x1xi32>
        %gather3A = vector.shape_cast %broadcast_in_dim3A_906 : vector<16x1xi32> to vector<16xi32>
        %gather3A_907 = tpu.dynamic_gather %get3A_586[%gather3A] in [0] : vector<16xi32>, vector<16xi32> -> vector<16xi32>
        %broadcast_in_dim3A_908 = vector.shape_cast %add3A_546 : vector<16xi32> to vector<16x1xi32>
        %gather3A_909 = vector.shape_cast %broadcast_in_dim3A_908 : vector<16x1xi32> to vector<16xi32>
        %gather3A_910 = tpu.dynamic_gather %get3A_586[%gather3A_909] in [0] : vector<16xi32>, vector<16xi32> -> vector<16xi32>
        %add3A_911 = arith.constant 16 : i32
        %add3A_912 = vector.broadcast %add3A_911 : i32 to vector<16xi32>
        %add3A_913 = arith.addi %gather3A_907, %add3A_912 : vector<16xi32>
        %mul3A_914 = arith.constant 16 : i32
        %mul3A_915 = vector.broadcast %mul3A_914 : i32 to vector<16xi32>
        %mul3A_916 = arith.muli %add3A_913, %mul3A_915 : vector<16xi32>
        %add3A_917 = arith.addi %mul3A_916, %iota3A : vector<16xi32>
        %add3A_918 = vector.broadcast %mul3A_613 : i32 to vector<16xi32>
        %add3A_919 = arith.addi %add3A_917, %add3A_918 : vector<16xi32>
        %shift_right_logical3A_920 = arith.constant 7 : i32
        %shift_right_logical3A_921 = vector.broadcast %shift_right_logical3A_920 : i32 to vector<16xi32>
        %shift_right_logical3A_922 = arith.shrui %add3A_919, %shift_right_logical3A_921 : vector<16xi32>
        %and3A_923 = arith.constant 127 : i32
        %and3A_924 = vector.broadcast %and3A_923 : i32 to vector<16xi32>
        %and3A_925 = arith.andi %add3A_919, %and3A_924 : vector<16xi32>
        tpu.vector_store_idx %arg11[%shift_right_logical3A_922, %and3A_925], %get3A_596 {add = true} : memref<16x128xf32, #tpu.memory_space<vmem>>[vector<16xi32>, vector<16xi32>], vector<16xf32>,
        %add3A_926 = arith.constant 16 : i32
        %add3A_927 = vector.broadcast %add3A_926 : i32 to vector<16xi32>
        %add3A_928 = arith.addi %gather3A_910, %add3A_927 : vector<16xi32>
        %mul3A_929 = arith.constant 16 : i32
        %mul3A_930 = vector.broadcast %mul3A_929 : i32 to vector<16xi32>
        %mul3A_931 = arith.muli %add3A_928, %mul3A_930 : vector<16xi32>
        %add3A_932 = arith.addi %mul3A_931, %iota3A : vector<16xi32>
        %add3A_933 = arith.constant 512 : i32
        %add3A_934 = arith.addi %mul3A_613, %add3A_933 : i32
        %add3A_935 = vector.broadcast %add3A_934 : i32 to vector<16xi32>
        %add3A_936 = arith.addi %add3A_932, %add3A_935 : vector<16xi32>
        %shift_right_logical3A_937 = arith.constant 7 : i32
        %shift_right_logical3A_938 = vector.broadcast %shift_right_logical3A_937 : i32 to vector<16xi32>
        %shift_right_logical3A_939 = arith.shrui %add3A_936, %shift_right_logical3A_938 : vector<16xi32>
        %and3A_940 = arith.constant 127 : i32
        %and3A_941 = vector.broadcast %and3A_940 : i32 to vector<16xi32>
        %and3A_942 = arith.andi %add3A_936, %and3A_941 : vector<16xi32>
        tpu.vector_store_idx %arg11[%shift_right_logical3A_939, %and3A_942], %get3A_606 {add = true} : memref<16x128xf32, #tpu.memory_space<vmem>>[vector<16xi32>, vector<16xi32>], vector<16xf32>,
      }
    }
    %scan3A_578 = arith.constant 32 : i32
    %mul3A_579 = arith.constant 16 : i32
    %mul3A_580 = arith.muli %add3A, %mul3A_579 : i32
    "tpu.region"() ({
      %run_scoped3A = tpu.sem_alloc : memref<!tpu.dma_semaphore, #tpu.memory_space<semaphore_mem>>
      %dma_start3A_581 = arith.constant 0 : i32
      %dma_start3A_582 = tpu.memref_slice %arg5[%mul3A_580, %dma_start3A_581] : memref<512x128xf32, #tpu.memory_space<hbm>> -> memref<16x128xf32, #tpu.memory_space<hbm>>
      %dma_start3A_583 = arith.constant 0 : i32
      %dma_start3A_584 = tpu.memref_slice %arg5[%mul3A_580, %dma_start3A_583] : memref<512x128xf32, #tpu.memory_space<hbm>> -> memref<16x128xf32, #tpu.memory_space<hbm>>
      tpu.enqueue_dma source(%arg11 : memref<16x128xf32, #tpu.memory_space<vmem>>) target(%dma_start3A_584 : memref<16x128xf32, #tpu.memory_space<hbm>>) target_semaphore(%run_scoped3A : memref<!tpu.dma_semaphore, #tpu.memory_space<semaphore_mem>>)
      %dma_wait3A_585 = arith.constant 0 : i32
      %dma_wait3A_586 = tpu.memref_slice %arg5[%mul3A_580, %dma_wait3A_585] : memref<512x128xf32, #tpu.memory_space<hbm>> -> memref<16x128xf32, #tpu.memory_space<hbm>>
      %dma_wait3A_587 = arith.constant 0 : i32
      %dma_wait3A_588 = tpu.memref_slice %arg5[%mul3A_580, %dma_wait3A_587] : memref<512x128xf32, #tpu.memory_space<hbm>> -> memref<16x128xf32, #tpu.memory_space<hbm>>
      tpu.wait_dma2 semaphore(%run_scoped3A : memref<!tpu.dma_semaphore, #tpu.memory_space<semaphore_mem>>) src(%arg11 : memref<16x128xf32, #tpu.memory_space<vmem>>) dst(%dma_wait3A_588 : memref<16x128xf32, #tpu.memory_space<hbm>>)
      tpu.yield
    }) : () -> ()
    return
  }
}

module attributes {stable_mosaic.version = 14 : i64} {
  func.func @_finalize_body(%arg0: i32, %arg1: memref<8x64xf32, #tpu.memory_space<vmem>>, %arg2: memref<512x128xf32, #tpu.memory_space<vmem>>, %arg3: memref<1x16xf32, #tpu.memory_space<vmem>>, %arg4: memref<16x18xf32, #tpu.memory_space<vmem>>) attributes {dimension_semantics = [#tpu.dimension_semantics<arbitrary>], iteration_bounds = array<i64: 1>, scalar_prefetch = 0 : i64, scratch_operands = 0 : i64, tpu.core_type = #tpu.core_type<tc>, window_params = [{pipeline_mode = #tpu.pipeline_mode<synchronous>, transform_indices = @transform_0, window_bounds = array<i64: 8, 64>}, {pipeline_mode = #tpu.pipeline_mode<synchronous>, transform_indices = @transform_1, window_bounds = array<i64: 512, 128>}, {pipeline_mode = #tpu.pipeline_mode<synchronous>, transform_indices = @transform_2, window_bounds = array<i64: 1, 16>}, {pipeline_mode = #tpu.pipeline_mode<synchronous>, transform_indices = @transform_3, window_bounds = array<i64: 16, 18>}]} {
    %get3A = arith.constant 0 : index
    %get3A_0 = arith.constant 0 : index
    %get3A_1 = vector.load %arg2[%get3A, %get3A_0] : memref<512x128xf32, #tpu.memory_space<vmem>>, vector<4x128xf32>
    %get3A_2 = arith.constant 4 : index
    %get3A_3 = arith.constant 0 : index
    %get3A_4 = vector.load %arg2[%get3A_2, %get3A_3] : memref<512x128xf32, #tpu.memory_space<vmem>>, vector<4x128xf32>
    %add3A = arith.addf %get3A_1, %get3A_4 : vector<4x128xf32>
    %get3A_5 = arith.constant 8 : index
    %get3A_6 = arith.constant 0 : index
    %get3A_7 = vector.load %arg2[%get3A_5, %get3A_6] : memref<512x128xf32, #tpu.memory_space<vmem>>, vector<4x128xf32>
    %add3A_8 = arith.addf %add3A, %get3A_7 : vector<4x128xf32>
    %get3A_9 = arith.constant 12 : index
    %get3A_10 = arith.constant 0 : index
    %get3A_11 = vector.load %arg2[%get3A_9, %get3A_10] : memref<512x128xf32, #tpu.memory_space<vmem>>, vector<4x128xf32>
    %add3A_12 = arith.addf %add3A_8, %get3A_11 : vector<4x128xf32>
    %get3A_13 = arith.constant 16 : index
    %get3A_14 = arith.constant 0 : index
    %get3A_15 = vector.load %arg2[%get3A_13, %get3A_14] : memref<512x128xf32, #tpu.memory_space<vmem>>, vector<4x128xf32>
    %add3A_16 = arith.addf %add3A_12, %get3A_15 : vector<4x128xf32>
    %get3A_17 = arith.constant 20 : index
    %get3A_18 = arith.constant 0 : index
    %get3A_19 = vector.load %arg2[%get3A_17, %get3A_18] : memref<512x128xf32, #tpu.memory_space<vmem>>, vector<4x128xf32>
    %add3A_20 = arith.addf %add3A_16, %get3A_19 : vector<4x128xf32>
    %get3A_21 = arith.constant 24 : index
    %get3A_22 = arith.constant 0 : index
    %get3A_23 = vector.load %arg2[%get3A_21, %get3A_22] : memref<512x128xf32, #tpu.memory_space<vmem>>, vector<4x128xf32>
    %add3A_24 = arith.addf %add3A_20, %get3A_23 : vector<4x128xf32>
    %get3A_25 = arith.constant 28 : index
    %get3A_26 = arith.constant 0 : index
    %get3A_27 = vector.load %arg2[%get3A_25, %get3A_26] : memref<512x128xf32, #tpu.memory_space<vmem>>, vector<4x128xf32>
    %add3A_28 = arith.addf %add3A_24, %get3A_27 : vector<4x128xf32>
    %get3A_29 = arith.constant 32 : index
    %get3A_30 = arith.constant 0 : index
    %get3A_31 = vector.load %arg2[%get3A_29, %get3A_30] : memref<512x128xf32, #tpu.memory_space<vmem>>, vector<4x128xf32>
    %add3A_32 = arith.addf %add3A_28, %get3A_31 : vector<4x128xf32>
    %get3A_33 = arith.constant 36 : index
    %get3A_34 = arith.constant 0 : index
    %get3A_35 = vector.load %arg2[%get3A_33, %get3A_34] : memref<512x128xf32, #tpu.memory_space<vmem>>, vector<4x128xf32>
    %add3A_36 = arith.addf %add3A_32, %get3A_35 : vector<4x128xf32>
    %get3A_37 = arith.constant 40 : index
    %get3A_38 = arith.constant 0 : index
    %get3A_39 = vector.load %arg2[%get3A_37, %get3A_38] : memref<512x128xf32, #tpu.memory_space<vmem>>, vector<4x128xf32>
    %add3A_40 = arith.addf %add3A_36, %get3A_39 : vector<4x128xf32>
    %get3A_41 = arith.constant 44 : index
    %get3A_42 = arith.constant 0 : index
    %get3A_43 = vector.load %arg2[%get3A_41, %get3A_42] : memref<512x128xf32, #tpu.memory_space<vmem>>, vector<4x128xf32>
    %add3A_44 = arith.addf %add3A_40, %get3A_43 : vector<4x128xf32>
    %get3A_45 = arith.constant 48 : index
    %get3A_46 = arith.constant 0 : index
    %get3A_47 = vector.load %arg2[%get3A_45, %get3A_46] : memref<512x128xf32, #tpu.memory_space<vmem>>, vector<4x128xf32>
    %add3A_48 = arith.addf %add3A_44, %get3A_47 : vector<4x128xf32>
    %get3A_49 = arith.constant 52 : index
    %get3A_50 = arith.constant 0 : index
    %get3A_51 = vector.load %arg2[%get3A_49, %get3A_50] : memref<512x128xf32, #tpu.memory_space<vmem>>, vector<4x128xf32>
    %add3A_52 = arith.addf %add3A_48, %get3A_51 : vector<4x128xf32>
    %get3A_53 = arith.constant 56 : index
    %get3A_54 = arith.constant 0 : index
    %get3A_55 = vector.load %arg2[%get3A_53, %get3A_54] : memref<512x128xf32, #tpu.memory_space<vmem>>, vector<4x128xf32>
    %add3A_56 = arith.addf %add3A_52, %get3A_55 : vector<4x128xf32>
    %get3A_57 = arith.constant 60 : index
    %get3A_58 = arith.constant 0 : index
    %get3A_59 = vector.load %arg2[%get3A_57, %get3A_58] : memref<512x128xf32, #tpu.memory_space<vmem>>, vector<4x128xf32>
    %add3A_60 = arith.addf %add3A_56, %get3A_59 : vector<4x128xf32>
    %get3A_61 = arith.constant 64 : index
    %get3A_62 = arith.constant 0 : index
    %get3A_63 = vector.load %arg2[%get3A_61, %get3A_62] : memref<512x128xf32, #tpu.memory_space<vmem>>, vector<4x128xf32>
    %add3A_64 = arith.addf %add3A_60, %get3A_63 : vector<4x128xf32>
    %get3A_65 = arith.constant 68 : index
    %get3A_66 = arith.constant 0 : index
    %get3A_67 = vector.load %arg2[%get3A_65, %get3A_66] : memref<512x128xf32, #tpu.memory_space<vmem>>, vector<4x128xf32>
    %add3A_68 = arith.addf %add3A_64, %get3A_67 : vector<4x128xf32>
    %get3A_69 = arith.constant 72 : index
    %get3A_70 = arith.constant 0 : index
    %get3A_71 = vector.load %arg2[%get3A_69, %get3A_70] : memref<512x128xf32, #tpu.memory_space<vmem>>, vector<4x128xf32>
    %add3A_72 = arith.addf %add3A_68, %get3A_71 : vector<4x128xf32>
    %get3A_73 = arith.constant 76 : index
    %get3A_74 = arith.constant 0 : index
    %get3A_75 = vector.load %arg2[%get3A_73, %get3A_74] : memref<512x128xf32, #tpu.memory_space<vmem>>, vector<4x128xf32>
    %add3A_76 = arith.addf %add3A_72, %get3A_75 : vector<4x128xf32>
    %get3A_77 = arith.constant 80 : index
    %get3A_78 = arith.constant 0 : index
    %get3A_79 = vector.load %arg2[%get3A_77, %get3A_78] : memref<512x128xf32, #tpu.memory_space<vmem>>, vector<4x128xf32>
    %add3A_80 = arith.addf %add3A_76, %get3A_79 : vector<4x128xf32>
    %get3A_81 = arith.constant 84 : index
    %get3A_82 = arith.constant 0 : index
    %get3A_83 = vector.load %arg2[%get3A_81, %get3A_82] : memref<512x128xf32, #tpu.memory_space<vmem>>, vector<4x128xf32>
    %add3A_84 = arith.addf %add3A_80, %get3A_83 : vector<4x128xf32>
    %get3A_85 = arith.constant 88 : index
    %get3A_86 = arith.constant 0 : index
    %get3A_87 = vector.load %arg2[%get3A_85, %get3A_86] : memref<512x128xf32, #tpu.memory_space<vmem>>, vector<4x128xf32>
    %add3A_88 = arith.addf %add3A_84, %get3A_87 : vector<4x128xf32>
    %get3A_89 = arith.constant 92 : index
    %get3A_90 = arith.constant 0 : index
    %get3A_91 = vector.load %arg2[%get3A_89, %get3A_90] : memref<512x128xf32, #tpu.memory_space<vmem>>, vector<4x128xf32>
    %add3A_92 = arith.addf %add3A_88, %get3A_91 : vector<4x128xf32>
    %get3A_93 = arith.constant 96 : index
    %get3A_94 = arith.constant 0 : index
    %get3A_95 = vector.load %arg2[%get3A_93, %get3A_94] : memref<512x128xf32, #tpu.memory_space<vmem>>, vector<4x128xf32>
    %add3A_96 = arith.addf %add3A_92, %get3A_95 : vector<4x128xf32>
    %get3A_97 = arith.constant 100 : index
    %get3A_98 = arith.constant 0 : index
    %get3A_99 = vector.load %arg2[%get3A_97, %get3A_98] : memref<512x128xf32, #tpu.memory_space<vmem>>, vector<4x128xf32>
    %add3A_100 = arith.addf %add3A_96, %get3A_99 : vector<4x128xf32>
    %get3A_101 = arith.constant 104 : index
    %get3A_102 = arith.constant 0 : index
    %get3A_103 = vector.load %arg2[%get3A_101, %get3A_102] : memref<512x128xf32, #tpu.memory_space<vmem>>, vector<4x128xf32>
    %add3A_104 = arith.addf %add3A_100, %get3A_103 : vector<4x128xf32>
    %get3A_105 = arith.constant 108 : index
    %get3A_106 = arith.constant 0 : index
    %get3A_107 = vector.load %arg2[%get3A_105, %get3A_106] : memref<512x128xf32, #tpu.memory_space<vmem>>, vector<4x128xf32>
    %add3A_108 = arith.addf %add3A_104, %get3A_107 : vector<4x128xf32>
    %get3A_109 = arith.constant 112 : index
    %get3A_110 = arith.constant 0 : index
    %get3A_111 = vector.load %arg2[%get3A_109, %get3A_110] : memref<512x128xf32, #tpu.memory_space<vmem>>, vector<4x128xf32>
    %add3A_112 = arith.addf %add3A_108, %get3A_111 : vector<4x128xf32>
    %get3A_113 = arith.constant 116 : index
    %get3A_114 = arith.constant 0 : index
    %get3A_115 = vector.load %arg2[%get3A_113, %get3A_114] : memref<512x128xf32, #tpu.memory_space<vmem>>, vector<4x128xf32>
    %add3A_116 = arith.addf %add3A_112, %get3A_115 : vector<4x128xf32>
    %get3A_117 = arith.constant 120 : index
    %get3A_118 = arith.constant 0 : index
    %get3A_119 = vector.load %arg2[%get3A_117, %get3A_118] : memref<512x128xf32, #tpu.memory_space<vmem>>, vector<4x128xf32>
    %add3A_120 = arith.addf %add3A_116, %get3A_119 : vector<4x128xf32>
    %get3A_121 = arith.constant 124 : index
    %get3A_122 = arith.constant 0 : index
    %get3A_123 = vector.load %arg2[%get3A_121, %get3A_122] : memref<512x128xf32, #tpu.memory_space<vmem>>, vector<4x128xf32>
    %add3A_124 = arith.addf %add3A_120, %get3A_123 : vector<4x128xf32>
    %get3A_125 = arith.constant 128 : index
    %get3A_126 = arith.constant 0 : index
    %get3A_127 = vector.load %arg2[%get3A_125, %get3A_126] : memref<512x128xf32, #tpu.memory_space<vmem>>, vector<4x128xf32>
    %add3A_128 = arith.addf %add3A_124, %get3A_127 : vector<4x128xf32>
    %get3A_129 = arith.constant 132 : index
    %get3A_130 = arith.constant 0 : index
    %get3A_131 = vector.load %arg2[%get3A_129, %get3A_130] : memref<512x128xf32, #tpu.memory_space<vmem>>, vector<4x128xf32>
    %add3A_132 = arith.addf %add3A_128, %get3A_131 : vector<4x128xf32>
    %get3A_133 = arith.constant 136 : index
    %get3A_134 = arith.constant 0 : index
    %get3A_135 = vector.load %arg2[%get3A_133, %get3A_134] : memref<512x128xf32, #tpu.memory_space<vmem>>, vector<4x128xf32>
    %add3A_136 = arith.addf %add3A_132, %get3A_135 : vector<4x128xf32>
    %get3A_137 = arith.constant 140 : index
    %get3A_138 = arith.constant 0 : index
    %get3A_139 = vector.load %arg2[%get3A_137, %get3A_138] : memref<512x128xf32, #tpu.memory_space<vmem>>, vector<4x128xf32>
    %add3A_140 = arith.addf %add3A_136, %get3A_139 : vector<4x128xf32>
    %get3A_141 = arith.constant 144 : index
    %get3A_142 = arith.constant 0 : index
    %get3A_143 = vector.load %arg2[%get3A_141, %get3A_142] : memref<512x128xf32, #tpu.memory_space<vmem>>, vector<4x128xf32>
    %add3A_144 = arith.addf %add3A_140, %get3A_143 : vector<4x128xf32>
    %get3A_145 = arith.constant 148 : index
    %get3A_146 = arith.constant 0 : index
    %get3A_147 = vector.load %arg2[%get3A_145, %get3A_146] : memref<512x128xf32, #tpu.memory_space<vmem>>, vector<4x128xf32>
    %add3A_148 = arith.addf %add3A_144, %get3A_147 : vector<4x128xf32>
    %get3A_149 = arith.constant 152 : index
    %get3A_150 = arith.constant 0 : index
    %get3A_151 = vector.load %arg2[%get3A_149, %get3A_150] : memref<512x128xf32, #tpu.memory_space<vmem>>, vector<4x128xf32>
    %add3A_152 = arith.addf %add3A_148, %get3A_151 : vector<4x128xf32>
    %get3A_153 = arith.constant 156 : index
    %get3A_154 = arith.constant 0 : index
    %get3A_155 = vector.load %arg2[%get3A_153, %get3A_154] : memref<512x128xf32, #tpu.memory_space<vmem>>, vector<4x128xf32>
    %add3A_156 = arith.addf %add3A_152, %get3A_155 : vector<4x128xf32>
    %get3A_157 = arith.constant 160 : index
    %get3A_158 = arith.constant 0 : index
    %get3A_159 = vector.load %arg2[%get3A_157, %get3A_158] : memref<512x128xf32, #tpu.memory_space<vmem>>, vector<4x128xf32>
    %add3A_160 = arith.addf %add3A_156, %get3A_159 : vector<4x128xf32>
    %get3A_161 = arith.constant 164 : index
    %get3A_162 = arith.constant 0 : index
    %get3A_163 = vector.load %arg2[%get3A_161, %get3A_162] : memref<512x128xf32, #tpu.memory_space<vmem>>, vector<4x128xf32>
    %add3A_164 = arith.addf %add3A_160, %get3A_163 : vector<4x128xf32>
    %get3A_165 = arith.constant 168 : index
    %get3A_166 = arith.constant 0 : index
    %get3A_167 = vector.load %arg2[%get3A_165, %get3A_166] : memref<512x128xf32, #tpu.memory_space<vmem>>, vector<4x128xf32>
    %add3A_168 = arith.addf %add3A_164, %get3A_167 : vector<4x128xf32>
    %get3A_169 = arith.constant 172 : index
    %get3A_170 = arith.constant 0 : index
    %get3A_171 = vector.load %arg2[%get3A_169, %get3A_170] : memref<512x128xf32, #tpu.memory_space<vmem>>, vector<4x128xf32>
    %add3A_172 = arith.addf %add3A_168, %get3A_171 : vector<4x128xf32>
    %get3A_173 = arith.constant 176 : index
    %get3A_174 = arith.constant 0 : index
    %get3A_175 = vector.load %arg2[%get3A_173, %get3A_174] : memref<512x128xf32, #tpu.memory_space<vmem>>, vector<4x128xf32>
    %add3A_176 = arith.addf %add3A_172, %get3A_175 : vector<4x128xf32>
    %get3A_177 = arith.constant 180 : index
    %get3A_178 = arith.constant 0 : index
    %get3A_179 = vector.load %arg2[%get3A_177, %get3A_178] : memref<512x128xf32, #tpu.memory_space<vmem>>, vector<4x128xf32>
    %add3A_180 = arith.addf %add3A_176, %get3A_179 : vector<4x128xf32>
    %get3A_181 = arith.constant 184 : index
    %get3A_182 = arith.constant 0 : index
    %get3A_183 = vector.load %arg2[%get3A_181, %get3A_182] : memref<512x128xf32, #tpu.memory_space<vmem>>, vector<4x128xf32>
    %add3A_184 = arith.addf %add3A_180, %get3A_183 : vector<4x128xf32>
    %get3A_185 = arith.constant 188 : index
    %get3A_186 = arith.constant 0 : index
    %get3A_187 = vector.load %arg2[%get3A_185, %get3A_186] : memref<512x128xf32, #tpu.memory_space<vmem>>, vector<4x128xf32>
    %add3A_188 = arith.addf %add3A_184, %get3A_187 : vector<4x128xf32>
    %get3A_189 = arith.constant 192 : index
    %get3A_190 = arith.constant 0 : index
    %get3A_191 = vector.load %arg2[%get3A_189, %get3A_190] : memref<512x128xf32, #tpu.memory_space<vmem>>, vector<4x128xf32>
    %add3A_192 = arith.addf %add3A_188, %get3A_191 : vector<4x128xf32>
    %get3A_193 = arith.constant 196 : index
    %get3A_194 = arith.constant 0 : index
    %get3A_195 = vector.load %arg2[%get3A_193, %get3A_194] : memref<512x128xf32, #tpu.memory_space<vmem>>, vector<4x128xf32>
    %add3A_196 = arith.addf %add3A_192, %get3A_195 : vector<4x128xf32>
    %get3A_197 = arith.constant 200 : index
    %get3A_198 = arith.constant 0 : index
    %get3A_199 = vector.load %arg2[%get3A_197, %get3A_198] : memref<512x128xf32, #tpu.memory_space<vmem>>, vector<4x128xf32>
    %add3A_200 = arith.addf %add3A_196, %get3A_199 : vector<4x128xf32>
    %get3A_201 = arith.constant 204 : index
    %get3A_202 = arith.constant 0 : index
    %get3A_203 = vector.load %arg2[%get3A_201, %get3A_202] : memref<512x128xf32, #tpu.memory_space<vmem>>, vector<4x128xf32>
    %add3A_204 = arith.addf %add3A_200, %get3A_203 : vector<4x128xf32>
    %get3A_205 = arith.constant 208 : index
    %get3A_206 = arith.constant 0 : index
    %get3A_207 = vector.load %arg2[%get3A_205, %get3A_206] : memref<512x128xf32, #tpu.memory_space<vmem>>, vector<4x128xf32>
    %add3A_208 = arith.addf %add3A_204, %get3A_207 : vector<4x128xf32>
    %get3A_209 = arith.constant 212 : index
    %get3A_210 = arith.constant 0 : index
    %get3A_211 = vector.load %arg2[%get3A_209, %get3A_210] : memref<512x128xf32, #tpu.memory_space<vmem>>, vector<4x128xf32>
    %add3A_212 = arith.addf %add3A_208, %get3A_211 : vector<4x128xf32>
    %get3A_213 = arith.constant 216 : index
    %get3A_214 = arith.constant 0 : index
    %get3A_215 = vector.load %arg2[%get3A_213, %get3A_214] : memref<512x128xf32, #tpu.memory_space<vmem>>, vector<4x128xf32>
    %add3A_216 = arith.addf %add3A_212, %get3A_215 : vector<4x128xf32>
    %get3A_217 = arith.constant 220 : index
    %get3A_218 = arith.constant 0 : index
    %get3A_219 = vector.load %arg2[%get3A_217, %get3A_218] : memref<512x128xf32, #tpu.memory_space<vmem>>, vector<4x128xf32>
    %add3A_220 = arith.addf %add3A_216, %get3A_219 : vector<4x128xf32>
    %get3A_221 = arith.constant 224 : index
    %get3A_222 = arith.constant 0 : index
    %get3A_223 = vector.load %arg2[%get3A_221, %get3A_222] : memref<512x128xf32, #tpu.memory_space<vmem>>, vector<4x128xf32>
    %add3A_224 = arith.addf %add3A_220, %get3A_223 : vector<4x128xf32>
    %get3A_225 = arith.constant 228 : index
    %get3A_226 = arith.constant 0 : index
    %get3A_227 = vector.load %arg2[%get3A_225, %get3A_226] : memref<512x128xf32, #tpu.memory_space<vmem>>, vector<4x128xf32>
    %add3A_228 = arith.addf %add3A_224, %get3A_227 : vector<4x128xf32>
    %get3A_229 = arith.constant 232 : index
    %get3A_230 = arith.constant 0 : index
    %get3A_231 = vector.load %arg2[%get3A_229, %get3A_230] : memref<512x128xf32, #tpu.memory_space<vmem>>, vector<4x128xf32>
    %add3A_232 = arith.addf %add3A_228, %get3A_231 : vector<4x128xf32>
    %get3A_233 = arith.constant 236 : index
    %get3A_234 = arith.constant 0 : index
    %get3A_235 = vector.load %arg2[%get3A_233, %get3A_234] : memref<512x128xf32, #tpu.memory_space<vmem>>, vector<4x128xf32>
    %add3A_236 = arith.addf %add3A_232, %get3A_235 : vector<4x128xf32>
    %get3A_237 = arith.constant 240 : index
    %get3A_238 = arith.constant 0 : index
    %get3A_239 = vector.load %arg2[%get3A_237, %get3A_238] : memref<512x128xf32, #tpu.memory_space<vmem>>, vector<4x128xf32>
    %add3A_240 = arith.addf %add3A_236, %get3A_239 : vector<4x128xf32>
    %get3A_241 = arith.constant 244 : index
    %get3A_242 = arith.constant 0 : index
    %get3A_243 = vector.load %arg2[%get3A_241, %get3A_242] : memref<512x128xf32, #tpu.memory_space<vmem>>, vector<4x128xf32>
    %add3A_244 = arith.addf %add3A_240, %get3A_243 : vector<4x128xf32>
    %get3A_245 = arith.constant 248 : index
    %get3A_246 = arith.constant 0 : index
    %get3A_247 = vector.load %arg2[%get3A_245, %get3A_246] : memref<512x128xf32, #tpu.memory_space<vmem>>, vector<4x128xf32>
    %add3A_248 = arith.addf %add3A_244, %get3A_247 : vector<4x128xf32>
    %get3A_249 = arith.constant 252 : index
    %get3A_250 = arith.constant 0 : index
    %get3A_251 = vector.load %arg2[%get3A_249, %get3A_250] : memref<512x128xf32, #tpu.memory_space<vmem>>, vector<4x128xf32>
    %add3A_252 = arith.addf %add3A_248, %get3A_251 : vector<4x128xf32>
    %get3A_253 = arith.constant 256 : index
    %get3A_254 = arith.constant 0 : index
    %get3A_255 = vector.load %arg2[%get3A_253, %get3A_254] : memref<512x128xf32, #tpu.memory_space<vmem>>, vector<4x128xf32>
    %add3A_256 = arith.addf %add3A_252, %get3A_255 : vector<4x128xf32>
    %get3A_257 = arith.constant 260 : index
    %get3A_258 = arith.constant 0 : index
    %get3A_259 = vector.load %arg2[%get3A_257, %get3A_258] : memref<512x128xf32, #tpu.memory_space<vmem>>, vector<4x128xf32>
    %add3A_260 = arith.addf %add3A_256, %get3A_259 : vector<4x128xf32>
    %get3A_261 = arith.constant 264 : index
    %get3A_262 = arith.constant 0 : index
    %get3A_263 = vector.load %arg2[%get3A_261, %get3A_262] : memref<512x128xf32, #tpu.memory_space<vmem>>, vector<4x128xf32>
    %add3A_264 = arith.addf %add3A_260, %get3A_263 : vector<4x128xf32>
    %get3A_265 = arith.constant 268 : index
    %get3A_266 = arith.constant 0 : index
    %get3A_267 = vector.load %arg2[%get3A_265, %get3A_266] : memref<512x128xf32, #tpu.memory_space<vmem>>, vector<4x128xf32>
    %add3A_268 = arith.addf %add3A_264, %get3A_267 : vector<4x128xf32>
    %get3A_269 = arith.constant 272 : index
    %get3A_270 = arith.constant 0 : index
    %get3A_271 = vector.load %arg2[%get3A_269, %get3A_270] : memref<512x128xf32, #tpu.memory_space<vmem>>, vector<4x128xf32>
    %add3A_272 = arith.addf %add3A_268, %get3A_271 : vector<4x128xf32>
    %get3A_273 = arith.constant 276 : index
    %get3A_274 = arith.constant 0 : index
    %get3A_275 = vector.load %arg2[%get3A_273, %get3A_274] : memref<512x128xf32, #tpu.memory_space<vmem>>, vector<4x128xf32>
    %add3A_276 = arith.addf %add3A_272, %get3A_275 : vector<4x128xf32>
    %get3A_277 = arith.constant 280 : index
    %get3A_278 = arith.constant 0 : index
    %get3A_279 = vector.load %arg2[%get3A_277, %get3A_278] : memref<512x128xf32, #tpu.memory_space<vmem>>, vector<4x128xf32>
    %add3A_280 = arith.addf %add3A_276, %get3A_279 : vector<4x128xf32>
    %get3A_281 = arith.constant 284 : index
    %get3A_282 = arith.constant 0 : index
    %get3A_283 = vector.load %arg2[%get3A_281, %get3A_282] : memref<512x128xf32, #tpu.memory_space<vmem>>, vector<4x128xf32>
    %add3A_284 = arith.addf %add3A_280, %get3A_283 : vector<4x128xf32>
    %get3A_285 = arith.constant 288 : index
    %get3A_286 = arith.constant 0 : index
    %get3A_287 = vector.load %arg2[%get3A_285, %get3A_286] : memref<512x128xf32, #tpu.memory_space<vmem>>, vector<4x128xf32>
    %add3A_288 = arith.addf %add3A_284, %get3A_287 : vector<4x128xf32>
    %get3A_289 = arith.constant 292 : index
    %get3A_290 = arith.constant 0 : index
    %get3A_291 = vector.load %arg2[%get3A_289, %get3A_290] : memref<512x128xf32, #tpu.memory_space<vmem>>, vector<4x128xf32>
    %add3A_292 = arith.addf %add3A_288, %get3A_291 : vector<4x128xf32>
    %get3A_293 = arith.constant 296 : index
    %get3A_294 = arith.constant 0 : index
    %get3A_295 = vector.load %arg2[%get3A_293, %get3A_294] : memref<512x128xf32, #tpu.memory_space<vmem>>, vector<4x128xf32>
    %add3A_296 = arith.addf %add3A_292, %get3A_295 : vector<4x128xf32>
    %get3A_297 = arith.constant 300 : index
    %get3A_298 = arith.constant 0 : index
    %get3A_299 = vector.load %arg2[%get3A_297, %get3A_298] : memref<512x128xf32, #tpu.memory_space<vmem>>, vector<4x128xf32>
    %add3A_300 = arith.addf %add3A_296, %get3A_299 : vector<4x128xf32>
    %get3A_301 = arith.constant 304 : index
    %get3A_302 = arith.constant 0 : index
    %get3A_303 = vector.load %arg2[%get3A_301, %get3A_302] : memref<512x128xf32, #tpu.memory_space<vmem>>, vector<4x128xf32>
    %add3A_304 = arith.addf %add3A_300, %get3A_303 : vector<4x128xf32>
    %get3A_305 = arith.constant 308 : index
    %get3A_306 = arith.constant 0 : index
    %get3A_307 = vector.load %arg2[%get3A_305, %get3A_306] : memref<512x128xf32, #tpu.memory_space<vmem>>, vector<4x128xf32>
    %add3A_308 = arith.addf %add3A_304, %get3A_307 : vector<4x128xf32>
    %get3A_309 = arith.constant 312 : index
    %get3A_310 = arith.constant 0 : index
    %get3A_311 = vector.load %arg2[%get3A_309, %get3A_310] : memref<512x128xf32, #tpu.memory_space<vmem>>, vector<4x128xf32>
    %add3A_312 = arith.addf %add3A_308, %get3A_311 : vector<4x128xf32>
    %get3A_313 = arith.constant 316 : index
    %get3A_314 = arith.constant 0 : index
    %get3A_315 = vector.load %arg2[%get3A_313, %get3A_314] : memref<512x128xf32, #tpu.memory_space<vmem>>, vector<4x128xf32>
    %add3A_316 = arith.addf %add3A_312, %get3A_315 : vector<4x128xf32>
    %get3A_317 = arith.constant 320 : index
    %get3A_318 = arith.constant 0 : index
    %get3A_319 = vector.load %arg2[%get3A_317, %get3A_318] : memref<512x128xf32, #tpu.memory_space<vmem>>, vector<4x128xf32>
    %add3A_320 = arith.addf %add3A_316, %get3A_319 : vector<4x128xf32>
    %get3A_321 = arith.constant 324 : index
    %get3A_322 = arith.constant 0 : index
    %get3A_323 = vector.load %arg2[%get3A_321, %get3A_322] : memref<512x128xf32, #tpu.memory_space<vmem>>, vector<4x128xf32>
    %add3A_324 = arith.addf %add3A_320, %get3A_323 : vector<4x128xf32>
    %get3A_325 = arith.constant 328 : index
    %get3A_326 = arith.constant 0 : index
    %get3A_327 = vector.load %arg2[%get3A_325, %get3A_326] : memref<512x128xf32, #tpu.memory_space<vmem>>, vector<4x128xf32>
    %add3A_328 = arith.addf %add3A_324, %get3A_327 : vector<4x128xf32>
    %get3A_329 = arith.constant 332 : index
    %get3A_330 = arith.constant 0 : index
    %get3A_331 = vector.load %arg2[%get3A_329, %get3A_330] : memref<512x128xf32, #tpu.memory_space<vmem>>, vector<4x128xf32>
    %add3A_332 = arith.addf %add3A_328, %get3A_331 : vector<4x128xf32>
    %get3A_333 = arith.constant 336 : index
    %get3A_334 = arith.constant 0 : index
    %get3A_335 = vector.load %arg2[%get3A_333, %get3A_334] : memref<512x128xf32, #tpu.memory_space<vmem>>, vector<4x128xf32>
    %add3A_336 = arith.addf %add3A_332, %get3A_335 : vector<4x128xf32>
    %get3A_337 = arith.constant 340 : index
    %get3A_338 = arith.constant 0 : index
    %get3A_339 = vector.load %arg2[%get3A_337, %get3A_338] : memref<512x128xf32, #tpu.memory_space<vmem>>, vector<4x128xf32>
    %add3A_340 = arith.addf %add3A_336, %get3A_339 : vector<4x128xf32>
    %get3A_341 = arith.constant 344 : index
    %get3A_342 = arith.constant 0 : index
    %get3A_343 = vector.load %arg2[%get3A_341, %get3A_342] : memref<512x128xf32, #tpu.memory_space<vmem>>, vector<4x128xf32>
    %add3A_344 = arith.addf %add3A_340, %get3A_343 : vector<4x128xf32>
    %get3A_345 = arith.constant 348 : index
    %get3A_346 = arith.constant 0 : index
    %get3A_347 = vector.load %arg2[%get3A_345, %get3A_346] : memref<512x128xf32, #tpu.memory_space<vmem>>, vector<4x128xf32>
    %add3A_348 = arith.addf %add3A_344, %get3A_347 : vector<4x128xf32>
    %get3A_349 = arith.constant 352 : index
    %get3A_350 = arith.constant 0 : index
    %get3A_351 = vector.load %arg2[%get3A_349, %get3A_350] : memref<512x128xf32, #tpu.memory_space<vmem>>, vector<4x128xf32>
    %add3A_352 = arith.addf %add3A_348, %get3A_351 : vector<4x128xf32>
    %get3A_353 = arith.constant 356 : index
    %get3A_354 = arith.constant 0 : index
    %get3A_355 = vector.load %arg2[%get3A_353, %get3A_354] : memref<512x128xf32, #tpu.memory_space<vmem>>, vector<4x128xf32>
    %add3A_356 = arith.addf %add3A_352, %get3A_355 : vector<4x128xf32>
    %get3A_357 = arith.constant 360 : index
    %get3A_358 = arith.constant 0 : index
    %get3A_359 = vector.load %arg2[%get3A_357, %get3A_358] : memref<512x128xf32, #tpu.memory_space<vmem>>, vector<4x128xf32>
    %add3A_360 = arith.addf %add3A_356, %get3A_359 : vector<4x128xf32>
    %get3A_361 = arith.constant 364 : index
    %get3A_362 = arith.constant 0 : index
    %get3A_363 = vector.load %arg2[%get3A_361, %get3A_362] : memref<512x128xf32, #tpu.memory_space<vmem>>, vector<4x128xf32>
    %add3A_364 = arith.addf %add3A_360, %get3A_363 : vector<4x128xf32>
    %get3A_365 = arith.constant 368 : index
    %get3A_366 = arith.constant 0 : index
    %get3A_367 = vector.load %arg2[%get3A_365, %get3A_366] : memref<512x128xf32, #tpu.memory_space<vmem>>, vector<4x128xf32>
    %add3A_368 = arith.addf %add3A_364, %get3A_367 : vector<4x128xf32>
    %get3A_369 = arith.constant 372 : index
    %get3A_370 = arith.constant 0 : index
    %get3A_371 = vector.load %arg2[%get3A_369, %get3A_370] : memref<512x128xf32, #tpu.memory_space<vmem>>, vector<4x128xf32>
    %add3A_372 = arith.addf %add3A_368, %get3A_371 : vector<4x128xf32>
    %get3A_373 = arith.constant 376 : index
    %get3A_374 = arith.constant 0 : index
    %get3A_375 = vector.load %arg2[%get3A_373, %get3A_374] : memref<512x128xf32, #tpu.memory_space<vmem>>, vector<4x128xf32>
    %add3A_376 = arith.addf %add3A_372, %get3A_375 : vector<4x128xf32>
    %get3A_377 = arith.constant 380 : index
    %get3A_378 = arith.constant 0 : index
    %get3A_379 = vector.load %arg2[%get3A_377, %get3A_378] : memref<512x128xf32, #tpu.memory_space<vmem>>, vector<4x128xf32>
    %add3A_380 = arith.addf %add3A_376, %get3A_379 : vector<4x128xf32>
    %get3A_381 = arith.constant 384 : index
    %get3A_382 = arith.constant 0 : index
    %get3A_383 = vector.load %arg2[%get3A_381, %get3A_382] : memref<512x128xf32, #tpu.memory_space<vmem>>, vector<4x128xf32>
    %add3A_384 = arith.addf %add3A_380, %get3A_383 : vector<4x128xf32>
    %get3A_385 = arith.constant 388 : index
    %get3A_386 = arith.constant 0 : index
    %get3A_387 = vector.load %arg2[%get3A_385, %get3A_386] : memref<512x128xf32, #tpu.memory_space<vmem>>, vector<4x128xf32>
    %add3A_388 = arith.addf %add3A_384, %get3A_387 : vector<4x128xf32>
    %get3A_389 = arith.constant 392 : index
    %get3A_390 = arith.constant 0 : index
    %get3A_391 = vector.load %arg2[%get3A_389, %get3A_390] : memref<512x128xf32, #tpu.memory_space<vmem>>, vector<4x128xf32>
    %add3A_392 = arith.addf %add3A_388, %get3A_391 : vector<4x128xf32>
    %get3A_393 = arith.constant 396 : index
    %get3A_394 = arith.constant 0 : index
    %get3A_395 = vector.load %arg2[%get3A_393, %get3A_394] : memref<512x128xf32, #tpu.memory_space<vmem>>, vector<4x128xf32>
    %add3A_396 = arith.addf %add3A_392, %get3A_395 : vector<4x128xf32>
    %get3A_397 = arith.constant 400 : index
    %get3A_398 = arith.constant 0 : index
    %get3A_399 = vector.load %arg2[%get3A_397, %get3A_398] : memref<512x128xf32, #tpu.memory_space<vmem>>, vector<4x128xf32>
    %add3A_400 = arith.addf %add3A_396, %get3A_399 : vector<4x128xf32>
    %get3A_401 = arith.constant 404 : index
    %get3A_402 = arith.constant 0 : index
    %get3A_403 = vector.load %arg2[%get3A_401, %get3A_402] : memref<512x128xf32, #tpu.memory_space<vmem>>, vector<4x128xf32>
    %add3A_404 = arith.addf %add3A_400, %get3A_403 : vector<4x128xf32>
    %get3A_405 = arith.constant 408 : index
    %get3A_406 = arith.constant 0 : index
    %get3A_407 = vector.load %arg2[%get3A_405, %get3A_406] : memref<512x128xf32, #tpu.memory_space<vmem>>, vector<4x128xf32>
    %add3A_408 = arith.addf %add3A_404, %get3A_407 : vector<4x128xf32>
    %get3A_409 = arith.constant 412 : index
    %get3A_410 = arith.constant 0 : index
    %get3A_411 = vector.load %arg2[%get3A_409, %get3A_410] : memref<512x128xf32, #tpu.memory_space<vmem>>, vector<4x128xf32>
    %add3A_412 = arith.addf %add3A_408, %get3A_411 : vector<4x128xf32>
    %get3A_413 = arith.constant 416 : index
    %get3A_414 = arith.constant 0 : index
    %get3A_415 = vector.load %arg2[%get3A_413, %get3A_414] : memref<512x128xf32, #tpu.memory_space<vmem>>, vector<4x128xf32>
    %add3A_416 = arith.addf %add3A_412, %get3A_415 : vector<4x128xf32>
    %get3A_417 = arith.constant 420 : index
    %get3A_418 = arith.constant 0 : index
    %get3A_419 = vector.load %arg2[%get3A_417, %get3A_418] : memref<512x128xf32, #tpu.memory_space<vmem>>, vector<4x128xf32>
    %add3A_420 = arith.addf %add3A_416, %get3A_419 : vector<4x128xf32>
    %get3A_421 = arith.constant 424 : index
    %get3A_422 = arith.constant 0 : index
    %get3A_423 = vector.load %arg2[%get3A_421, %get3A_422] : memref<512x128xf32, #tpu.memory_space<vmem>>, vector<4x128xf32>
    %add3A_424 = arith.addf %add3A_420, %get3A_423 : vector<4x128xf32>
    %get3A_425 = arith.constant 428 : index
    %get3A_426 = arith.constant 0 : index
    %get3A_427 = vector.load %arg2[%get3A_425, %get3A_426] : memref<512x128xf32, #tpu.memory_space<vmem>>, vector<4x128xf32>
    %add3A_428 = arith.addf %add3A_424, %get3A_427 : vector<4x128xf32>
    %get3A_429 = arith.constant 432 : index
    %get3A_430 = arith.constant 0 : index
    %get3A_431 = vector.load %arg2[%get3A_429, %get3A_430] : memref<512x128xf32, #tpu.memory_space<vmem>>, vector<4x128xf32>
    %add3A_432 = arith.addf %add3A_428, %get3A_431 : vector<4x128xf32>
    %get3A_433 = arith.constant 436 : index
    %get3A_434 = arith.constant 0 : index
    %get3A_435 = vector.load %arg2[%get3A_433, %get3A_434] : memref<512x128xf32, #tpu.memory_space<vmem>>, vector<4x128xf32>
    %add3A_436 = arith.addf %add3A_432, %get3A_435 : vector<4x128xf32>
    %get3A_437 = arith.constant 440 : index
    %get3A_438 = arith.constant 0 : index
    %get3A_439 = vector.load %arg2[%get3A_437, %get3A_438] : memref<512x128xf32, #tpu.memory_space<vmem>>, vector<4x128xf32>
    %add3A_440 = arith.addf %add3A_436, %get3A_439 : vector<4x128xf32>
    %get3A_441 = arith.constant 444 : index
    %get3A_442 = arith.constant 0 : index
    %get3A_443 = vector.load %arg2[%get3A_441, %get3A_442] : memref<512x128xf32, #tpu.memory_space<vmem>>, vector<4x128xf32>
    %add3A_444 = arith.addf %add3A_440, %get3A_443 : vector<4x128xf32>
    %get3A_445 = arith.constant 448 : index
    %get3A_446 = arith.constant 0 : index
    %get3A_447 = vector.load %arg2[%get3A_445, %get3A_446] : memref<512x128xf32, #tpu.memory_space<vmem>>, vector<4x128xf32>
    %add3A_448 = arith.addf %add3A_444, %get3A_447 : vector<4x128xf32>
    %get3A_449 = arith.constant 452 : index
    %get3A_450 = arith.constant 0 : index
    %get3A_451 = vector.load %arg2[%get3A_449, %get3A_450] : memref<512x128xf32, #tpu.memory_space<vmem>>, vector<4x128xf32>
    %add3A_452 = arith.addf %add3A_448, %get3A_451 : vector<4x128xf32>
    %get3A_453 = arith.constant 456 : index
    %get3A_454 = arith.constant 0 : index
    %get3A_455 = vector.load %arg2[%get3A_453, %get3A_454] : memref<512x128xf32, #tpu.memory_space<vmem>>, vector<4x128xf32>
    %add3A_456 = arith.addf %add3A_452, %get3A_455 : vector<4x128xf32>
    %get3A_457 = arith.constant 460 : index
    %get3A_458 = arith.constant 0 : index
    %get3A_459 = vector.load %arg2[%get3A_457, %get3A_458] : memref<512x128xf32, #tpu.memory_space<vmem>>, vector<4x128xf32>
    %add3A_460 = arith.addf %add3A_456, %get3A_459 : vector<4x128xf32>
    %get3A_461 = arith.constant 464 : index
    %get3A_462 = arith.constant 0 : index
    %get3A_463 = vector.load %arg2[%get3A_461, %get3A_462] : memref<512x128xf32, #tpu.memory_space<vmem>>, vector<4x128xf32>
    %add3A_464 = arith.addf %add3A_460, %get3A_463 : vector<4x128xf32>
    %get3A_465 = arith.constant 468 : index
    %get3A_466 = arith.constant 0 : index
    %get3A_467 = vector.load %arg2[%get3A_465, %get3A_466] : memref<512x128xf32, #tpu.memory_space<vmem>>, vector<4x128xf32>
    %add3A_468 = arith.addf %add3A_464, %get3A_467 : vector<4x128xf32>
    %get3A_469 = arith.constant 472 : index
    %get3A_470 = arith.constant 0 : index
    %get3A_471 = vector.load %arg2[%get3A_469, %get3A_470] : memref<512x128xf32, #tpu.memory_space<vmem>>, vector<4x128xf32>
    %add3A_472 = arith.addf %add3A_468, %get3A_471 : vector<4x128xf32>
    %get3A_473 = arith.constant 476 : index
    %get3A_474 = arith.constant 0 : index
    %get3A_475 = vector.load %arg2[%get3A_473, %get3A_474] : memref<512x128xf32, #tpu.memory_space<vmem>>, vector<4x128xf32>
    %add3A_476 = arith.addf %add3A_472, %get3A_475 : vector<4x128xf32>
    %get3A_477 = arith.constant 480 : index
    %get3A_478 = arith.constant 0 : index
    %get3A_479 = vector.load %arg2[%get3A_477, %get3A_478] : memref<512x128xf32, #tpu.memory_space<vmem>>, vector<4x128xf32>
    %add3A_480 = arith.addf %add3A_476, %get3A_479 : vector<4x128xf32>
    %get3A_481 = arith.constant 484 : index
    %get3A_482 = arith.constant 0 : index
    %get3A_483 = vector.load %arg2[%get3A_481, %get3A_482] : memref<512x128xf32, #tpu.memory_space<vmem>>, vector<4x128xf32>
    %add3A_484 = arith.addf %add3A_480, %get3A_483 : vector<4x128xf32>
    %get3A_485 = arith.constant 488 : index
    %get3A_486 = arith.constant 0 : index
    %get3A_487 = vector.load %arg2[%get3A_485, %get3A_486] : memref<512x128xf32, #tpu.memory_space<vmem>>, vector<4x128xf32>
    %add3A_488 = arith.addf %add3A_484, %get3A_487 : vector<4x128xf32>
    %get3A_489 = arith.constant 492 : index
    %get3A_490 = arith.constant 0 : index
    %get3A_491 = vector.load %arg2[%get3A_489, %get3A_490] : memref<512x128xf32, #tpu.memory_space<vmem>>, vector<4x128xf32>
    %add3A_492 = arith.addf %add3A_488, %get3A_491 : vector<4x128xf32>
    %get3A_493 = arith.constant 496 : index
    %get3A_494 = arith.constant 0 : index
    %get3A_495 = vector.load %arg2[%get3A_493, %get3A_494] : memref<512x128xf32, #tpu.memory_space<vmem>>, vector<4x128xf32>
    %add3A_496 = arith.addf %add3A_492, %get3A_495 : vector<4x128xf32>
    %get3A_497 = arith.constant 500 : index
    %get3A_498 = arith.constant 0 : index
    %get3A_499 = vector.load %arg2[%get3A_497, %get3A_498] : memref<512x128xf32, #tpu.memory_space<vmem>>, vector<4x128xf32>
    %add3A_500 = arith.addf %add3A_496, %get3A_499 : vector<4x128xf32>
    %get3A_501 = arith.constant 504 : index
    %get3A_502 = arith.constant 0 : index
    %get3A_503 = vector.load %arg2[%get3A_501, %get3A_502] : memref<512x128xf32, #tpu.memory_space<vmem>>, vector<4x128xf32>
    %add3A_504 = arith.addf %add3A_500, %get3A_503 : vector<4x128xf32>
    %get3A_505 = arith.constant 508 : index
    %get3A_506 = arith.constant 0 : index
    %get3A_507 = vector.load %arg2[%get3A_505, %get3A_506] : memref<512x128xf32, #tpu.memory_space<vmem>>, vector<4x128xf32>
    %add3A_508 = arith.addf %add3A_504, %get3A_507 : vector<4x128xf32>
    %slice3A = vector.extract_strided_slice %add3A_508 {offsets = [0, 0], sizes = [1, 16], strides = [1, 1]} : vector<4x128xf32> to vector<1x16xf32>
    %slice3A_509 = vector.extract_strided_slice %add3A_508 {offsets = [0, 16], sizes = [1, 16], strides = [1, 1]} : vector<4x128xf32> to vector<1x16xf32>
    %slice3A_510 = vector.extract_strided_slice %add3A_508 {offsets = [0, 32], sizes = [1, 16], strides = [1, 1]} : vector<4x128xf32> to vector<1x16xf32>
    %slice3A_511 = vector.extract_strided_slice %add3A_508 {offsets = [0, 48], sizes = [1, 16], strides = [1, 1]} : vector<4x128xf32> to vector<1x16xf32>
    %slice3A_512 = vector.extract_strided_slice %add3A_508 {offsets = [0, 64], sizes = [1, 16], strides = [1, 1]} : vector<4x128xf32> to vector<1x16xf32>
    %slice3A_513 = vector.extract_strided_slice %add3A_508 {offsets = [0, 80], sizes = [1, 16], strides = [1, 1]} : vector<4x128xf32> to vector<1x16xf32>
    %slice3A_514 = vector.extract_strided_slice %add3A_508 {offsets = [0, 96], sizes = [1, 16], strides = [1, 1]} : vector<4x128xf32> to vector<1x16xf32>
    %slice3A_515 = vector.extract_strided_slice %add3A_508 {offsets = [0, 112], sizes = [1, 16], strides = [1, 1]} : vector<4x128xf32> to vector<1x16xf32>
    %slice3A_516 = vector.extract_strided_slice %add3A_508 {offsets = [1, 0], sizes = [1, 16], strides = [1, 1]} : vector<4x128xf32> to vector<1x16xf32>
    %slice3A_517 = vector.extract_strided_slice %add3A_508 {offsets = [1, 16], sizes = [1, 16], strides = [1, 1]} : vector<4x128xf32> to vector<1x16xf32>
    %slice3A_518 = vector.extract_strided_slice %add3A_508 {offsets = [1, 32], sizes = [1, 16], strides = [1, 1]} : vector<4x128xf32> to vector<1x16xf32>
    %slice3A_519 = vector.extract_strided_slice %add3A_508 {offsets = [1, 48], sizes = [1, 16], strides = [1, 1]} : vector<4x128xf32> to vector<1x16xf32>
    %slice3A_520 = vector.extract_strided_slice %add3A_508 {offsets = [1, 64], sizes = [1, 16], strides = [1, 1]} : vector<4x128xf32> to vector<1x16xf32>
    %slice3A_521 = vector.extract_strided_slice %add3A_508 {offsets = [1, 80], sizes = [1, 16], strides = [1, 1]} : vector<4x128xf32> to vector<1x16xf32>
    %slice3A_522 = vector.extract_strided_slice %add3A_508 {offsets = [1, 96], sizes = [1, 16], strides = [1, 1]} : vector<4x128xf32> to vector<1x16xf32>
    %slice3A_523 = vector.extract_strided_slice %add3A_508 {offsets = [1, 112], sizes = [1, 16], strides = [1, 1]} : vector<4x128xf32> to vector<1x16xf32>
    %slice3A_524 = vector.extract_strided_slice %add3A_508 {offsets = [2, 0], sizes = [1, 16], strides = [1, 1]} : vector<4x128xf32> to vector<1x16xf32>
    %slice3A_525 = vector.extract_strided_slice %add3A_508 {offsets = [2, 16], sizes = [1, 16], strides = [1, 1]} : vector<4x128xf32> to vector<1x16xf32>
    %slice3A_526 = vector.extract_strided_slice %add3A_508 {offsets = [2, 32], sizes = [1, 16], strides = [1, 1]} : vector<4x128xf32> to vector<1x16xf32>
    %slice3A_527 = vector.extract_strided_slice %add3A_508 {offsets = [2, 48], sizes = [1, 16], strides = [1, 1]} : vector<4x128xf32> to vector<1x16xf32>
    %slice3A_528 = vector.extract_strided_slice %add3A_508 {offsets = [2, 64], sizes = [1, 16], strides = [1, 1]} : vector<4x128xf32> to vector<1x16xf32>
    %slice3A_529 = vector.extract_strided_slice %add3A_508 {offsets = [2, 80], sizes = [1, 16], strides = [1, 1]} : vector<4x128xf32> to vector<1x16xf32>
    %slice3A_530 = vector.extract_strided_slice %add3A_508 {offsets = [2, 96], sizes = [1, 16], strides = [1, 1]} : vector<4x128xf32> to vector<1x16xf32>
    %slice3A_531 = vector.extract_strided_slice %add3A_508 {offsets = [2, 112], sizes = [1, 16], strides = [1, 1]} : vector<4x128xf32> to vector<1x16xf32>
    %slice3A_532 = vector.extract_strided_slice %add3A_508 {offsets = [3, 0], sizes = [1, 16], strides = [1, 1]} : vector<4x128xf32> to vector<1x16xf32>
    %slice3A_533 = vector.extract_strided_slice %add3A_508 {offsets = [3, 16], sizes = [1, 16], strides = [1, 1]} : vector<4x128xf32> to vector<1x16xf32>
    %slice3A_534 = vector.extract_strided_slice %add3A_508 {offsets = [3, 32], sizes = [1, 16], strides = [1, 1]} : vector<4x128xf32> to vector<1x16xf32>
    %slice3A_535 = vector.extract_strided_slice %add3A_508 {offsets = [3, 48], sizes = [1, 16], strides = [1, 1]} : vector<4x128xf32> to vector<1x16xf32>
    %slice3A_536 = vector.extract_strided_slice %add3A_508 {offsets = [3, 64], sizes = [1, 16], strides = [1, 1]} : vector<4x128xf32> to vector<1x16xf32>
    %slice3A_537 = vector.extract_strided_slice %add3A_508 {offsets = [3, 80], sizes = [1, 16], strides = [1, 1]} : vector<4x128xf32> to vector<1x16xf32>
    %slice3A_538 = vector.extract_strided_slice %add3A_508 {offsets = [3, 96], sizes = [1, 16], strides = [1, 1]} : vector<4x128xf32> to vector<1x16xf32>
    %slice3A_539 = vector.extract_strided_slice %add3A_508 {offsets = [3, 112], sizes = [1, 16], strides = [1, 1]} : vector<4x128xf32> to vector<1x16xf32>
    %concatenate3A = tpu.concatenate %slice3A, %slice3A_509, %slice3A_510, %slice3A_511, %slice3A_512, %slice3A_513, %slice3A_514, %slice3A_515, %slice3A_516, %slice3A_517, %slice3A_518, %slice3A_519, %slice3A_520, %slice3A_521, %slice3A_522, %slice3A_523, %slice3A_524, %slice3A_525, %slice3A_526, %slice3A_527, %slice3A_528, %slice3A_529, %slice3A_530, %slice3A_531, %slice3A_532, %slice3A_533, %slice3A_534, %slice3A_535, %slice3A_536, %slice3A_537, %slice3A_538, %slice3A_539 in 0 : vector<1x16xf32>, vector<1x16xf32>, vector<1x16xf32>, vector<1x16xf32>, vector<1x16xf32>, vector<1x16xf32>, vector<1x16xf32>, vector<1x16xf32>, vector<1x16xf32>, vector<1x16xf32>, vector<1x16xf32>, vector<1x16xf32>, vector<1x16xf32>, vector<1x16xf32>, vector<1x16xf32>, vector<1x16xf32>, vector<1x16xf32>, vector<1x16xf32>, vector<1x16xf32>, vector<1x16xf32>, vector<1x16xf32>, vector<1x16xf32>, vector<1x16xf32>, vector<1x16xf32>, vector<1x16xf32>, vector<1x16xf32>, vector<1x16xf32>, vector<1x16xf32>, vector<1x16xf32>, vector<1x16xf32>, vector<1x16xf32>, vector<1x16xf32> -> vector<32x16xf32>
    %slice3A_540 = vector.extract_strided_slice %concatenate3A {offsets = [0, 0], sizes = [16, 16], strides = [1, 1]} : vector<32x16xf32> to vector<16x16xf32>
    %slice3A_541 = vector.extract_strided_slice %concatenate3A {offsets = [16, 0], sizes = [16, 8], strides = [1, 1]} : vector<32x16xf32> to vector<16x8xf32>
    %reduce_sum3A = arith.constant dense<0.000000e+00> : vector<16xf32>
    %reduce_sum3A_542 = vector.multi_reduction <add>, %slice3A_541, %reduce_sum3A [1] : vector<16x8xf32> to vector<16xf32>
    %broadcast_in_dim3A = vector.shape_cast %reduce_sum3A_542 : vector<16xf32> to vector<16x1xf32>
    %slice3A_543 = vector.extract_strided_slice %concatenate3A {offsets = [16, 8], sizes = [16, 8], strides = [1, 1]} : vector<32x16xf32> to vector<16x8xf32>
    %reduce_sum3A_544 = arith.constant dense<0.000000e+00> : vector<16xf32>
    %reduce_sum3A_545 = vector.multi_reduction <add>, %slice3A_543, %reduce_sum3A_544 [1] : vector<16x8xf32> to vector<16xf32>
    %broadcast_in_dim3A_546 = vector.shape_cast %reduce_sum3A_545 : vector<16xf32> to vector<16x1xf32>
    %get3A_547 = arith.constant 5 : index
    %get3A_548 = arith.constant 0 : index
    %get3A_549 = vector.load %arg1[%get3A_547, %get3A_548] : memref<8x64xf32, #tpu.memory_space<vmem>>, vector<1x16xf32>
    %reduce_max3A = arith.constant dense<0xFF800000> : vector<1xf32>
    %reduce_max3A_550 = vector.multi_reduction <maximumf>, %get3A_549, %reduce_max3A [1] : vector<1x16xf32> to vector<1xf32>
    %broadcast_in_dim3A_551 = vector.shape_cast %reduce_max3A_550 : vector<1xf32> to vector<1x1xf32>
    %sub3A = vector.broadcast %broadcast_in_dim3A_551 : vector<1x1xf32> to vector<1x16xf32>
    %sub3A_552 = arith.subf %get3A_549, %sub3A : vector<1x16xf32>
    %exp3A = math.exp %sub3A_552 : vector<1x16xf32>
    %reduce_sum3A_553 = arith.constant dense<0.000000e+00> : vector<1xf32>
    %reduce_sum3A_554 = vector.multi_reduction <add>, %exp3A, %reduce_sum3A_553 [1] : vector<1x16xf32> to vector<1xf32>
    %broadcast_in_dim3A_555 = vector.shape_cast %reduce_sum3A_554 : vector<1xf32> to vector<1x1xf32>
    %log3A = math.log %broadcast_in_dim3A_555 : vector<1x1xf32>
    %add3A_556 = arith.addf %broadcast_in_dim3A_551, %log3A : vector<1x1xf32>
    %sub3A_557 = vector.broadcast %add3A_556 : vector<1x1xf32> to vector<1x16xf32>
    %sub3A_558 = arith.subf %get3A_549, %sub3A_557 : vector<1x16xf32>
    %add3A_559 = vector.broadcast %sub3A_558 : vector<1x16xf32> to vector<16x16xf32>
    %add3A_560 = arith.addf %slice3A_540, %add3A_559 : vector<16x16xf32>
    %reduce_max3A_561 = arith.constant dense<0xFF800000> : vector<16xf32>
    %reduce_max3A_562 = vector.multi_reduction <maximumf>, %add3A_560, %reduce_max3A_561 [1] : vector<16x16xf32> to vector<16xf32>
    %broadcast_in_dim3A_563 = vector.shape_cast %reduce_max3A_562 : vector<16xf32> to vector<16x1xf32>
    %sub3A_564 = vector.broadcast %broadcast_in_dim3A_563 : vector<16x1xf32> to vector<16x16xf32>
    %sub3A_565 = arith.subf %add3A_560, %sub3A_564 : vector<16x16xf32>
    %exp3A_566 = math.exp %sub3A_565 : vector<16x16xf32>
    %reduce_sum3A_567 = arith.constant dense<0.000000e+00> : vector<16xf32>
    %reduce_sum3A_568 = vector.multi_reduction <add>, %exp3A_566, %reduce_sum3A_567 [1] : vector<16x16xf32> to vector<16xf32>
    %broadcast_in_dim3A_569 = vector.shape_cast %reduce_sum3A_568 : vector<16xf32> to vector<16x1xf32>
    %log3A_570 = math.log %broadcast_in_dim3A_569 : vector<16x1xf32>
    %add3A_571 = arith.addf %broadcast_in_dim3A_563, %log3A_570 : vector<16x1xf32>
    %sub3A_572 = arith.subf %add3A_571, %broadcast_in_dim3A : vector<16x1xf32>
    %div3A = arith.constant 2.000000e+01 : f32
    %div3A_573 = vector.broadcast %div3A : f32 to vector<16x1xf32>
    %div3A_574 = arith.divf %sub3A_572, %div3A_573 : vector<16x1xf32>
    %tanh3A = math.tanh %div3A_574 : vector<16x1xf32>
    %mul3A = arith.constant 2.000000e+01 : f32
    %mul3A_575 = vector.broadcast %mul3A : f32 to vector<16x1xf32>
    %mul3A_576 = arith.mulf %mul3A_575, %tanh3A : vector<16x1xf32>
    %transpose3A = tpu.transpose %mul3A_576, [1, 0] : vector<16x1xf32> -> vector<1x16xf32>
    %swap3A = arith.constant 0 : index
    %swap3A_577 = arith.constant 0 : index
    %swap3A_578 = vector.load %arg3[%swap3A, %swap3A_577] : memref<1x16xf32, #tpu.memory_space<vmem>>, vector<1x16xf32>
    tpu.vector_store %arg3[%swap3A, %swap3A_577], %transpose3A {strides = array<i32>} : memref<1x16xf32, #tpu.memory_space<vmem>>, vector<1x16xf32>,
    %concatenate3A_579 = tpu.concatenate %broadcast_in_dim3A, %broadcast_in_dim3A_546, %add3A_560 in 1 : vector<16x1xf32>, vector<16x1xf32>, vector<16x16xf32> -> vector<16x18xf32>
    %swap3A_580 = arith.constant 0 : index
    %swap3A_581 = arith.constant 0 : index
    %swap3A_582 = vector.load %arg4[%swap3A_580, %swap3A_581] : memref<16x18xf32, #tpu.memory_space<vmem>>, vector<16x18xf32>
    tpu.vector_store %arg4[%swap3A_580, %swap3A_581], %concatenate3A_579 {strides = array<i32>} : memref<16x18xf32, #tpu.memory_space<vmem>>, vector<16x18xf32>,
    return
  }
  func.func @transform_0(%arg0: i32) -> (i32, i32) {
    %c0_i32 = arith.constant 0 : i32
    %c0_i32_0 = arith.constant 0 : i32
    %c0_i32_1 = arith.constant 0 : i32
    return %c0_i32, %c0_i32_0 : i32, i32
  }
  func.func @transform_1(%arg0: i32) -> (i32, i32) {
    %c0_i32 = arith.constant 0 : i32
    %c0_i32_0 = arith.constant 0 : i32
    %c0_i32_1 = arith.constant 0 : i32
    return %c0_i32, %c0_i32_0 : i32, i32
  }
  func.func @transform_2(%arg0: i32) -> (i32, i32) {
    %c0_i32 = arith.constant 0 : i32
    %c0_i32_0 = arith.constant 0 : i32
    %c0_i32_1 = arith.constant 0 : i32
    return %c0_i32, %c0_i32_0 : i32, i32
  }
  func.func @transform_3(%arg0: i32) -> (i32, i32) {
    %c0_i32 = arith.constant 0 : i32
    %c0_i32_0 = arith.constant 0 : i32
    %c0_i32_1 = arith.constant 0 : i32
    return %c0_i32, %c0_i32_0 : i32, i32
  }
}

module attributes {stable_mosaic.version = 14 : i64} {
  func.func @_dense_body(%arg0: i32, %arg1: memref<8192x64xf32, #tpu.memory_space<vmem>>, %arg2: memref<8x64xf32, #tpu.memory_space<vmem>>, %arg3: memref<16x64xf32, #tpu.memory_space<vmem>>, %arg4: memref<1024x128xf32, #tpu.memory_space<vmem>>, %arg5: memref<1024x128xf32, #tpu.memory_space<vmem>>, %arg6: memref<128x1024xf32, #tpu.memory_space<vmem>>, %arg7: memref<64x1024xf32, #tpu.memory_space<vmem>>, %arg8: memref<128x64xf32, #tpu.memory_space<vmem>>, %arg9: memref<128x64xf32, #tpu.memory_space<vmem>>, %arg10: memref<8x512xf32, #tpu.memory_space<vmem>>) attributes {dimension_semantics = [#tpu.dimension_semantics<arbitrary>], iteration_bounds = array<i64: 4>, scalar_prefetch = 0 : i64, scratch_operands = 5 : i64, tpu.core_type = #tpu.core_type<tc>, window_params = [{transform_indices = @transform_0, window_bounds = array<i64: 8192, 64>}, {pipeline_mode = #tpu.pipeline_mode<synchronous>, transform_indices = @transform_1, window_bounds = array<i64: 8, 64>}, {pipeline_mode = #tpu.pipeline_mode<synchronous>, transform_indices = @transform_2, window_bounds = array<i64: 16, 64>}, {transform_indices = @transform_3, window_bounds = array<i64: 1024, 128>}, {transform_indices = @transform_4, window_bounds = array<i64: 1024, 128>}]} {
    %eq3A = arith.constant 0 : i32
    %eq3A_0 = arith.cmpi eq, %arg0, %eq3A : i32
    %convert_element_type3A = arith.extui %eq3A_0 : i1 to i32
    %cond3A = arith.constant 0 : i32
    %cond3A_1 = arith.cmpi ne, %convert_element_type3A, %cond3A : i32
    scf.if %cond3A_1 {
      %get3A_118 = arith.constant 0 : index
      %get3A_119 = arith.constant 0 : index
      %get3A_120 = vector.load %arg2[%get3A_118, %get3A_119] : memref<8x64xf32, #tpu.memory_space<vmem>>, vector<1x64xf32>
      %get3A_121 = arith.constant 1 : index
      %get3A_122 = arith.constant 0 : index
      %get3A_123 = vector.load %arg2[%get3A_121, %get3A_122] : memref<8x64xf32, #tpu.memory_space<vmem>>, vector<1x16xf32>
      %concatenate3A_124 = tpu.concatenate %get3A_123, %get3A_123, %get3A_123, %get3A_123, %get3A_123, %get3A_123, %get3A_123, %get3A_123 in 1 : vector<1x16xf32>, vector<1x16xf32>, vector<1x16xf32>, vector<1x16xf32>, vector<1x16xf32>, vector<1x16xf32>, vector<1x16xf32>, vector<1x16xf32> -> vector<1x128xf32>
      %get3A_125 = arith.constant 2 : index
      %get3A_126 = arith.constant 0 : index
      %get3A_127 = vector.load %arg2[%get3A_125, %get3A_126] : memref<8x64xf32, #tpu.memory_space<vmem>>, vector<1x16xf32>
      %concatenate3A_128 = tpu.concatenate %get3A_127, %get3A_127, %get3A_127, %get3A_127, %get3A_127, %get3A_127, %get3A_127, %get3A_127 in 1 : vector<1x16xf32>, vector<1x16xf32>, vector<1x16xf32>, vector<1x16xf32>, vector<1x16xf32>, vector<1x16xf32>, vector<1x16xf32>, vector<1x16xf32> -> vector<1x128xf32>
      %get3A_129 = arith.constant 3 : index
      %get3A_130 = arith.constant 0 : index
      %get3A_131 = vector.load %arg2[%get3A_129, %get3A_130] : memref<8x64xf32, #tpu.memory_space<vmem>>, vector<1x16xf32>
      %concatenate3A_132 = tpu.concatenate %get3A_131, %get3A_131, %get3A_131, %get3A_131, %get3A_131, %get3A_131, %get3A_131, %get3A_131 in 1 : vector<1x16xf32>, vector<1x16xf32>, vector<1x16xf32>, vector<1x16xf32>, vector<1x16xf32>, vector<1x16xf32>, vector<1x16xf32>, vector<1x16xf32> -> vector<1x128xf32>
      %get3A_133 = arith.constant 4 : index
      %get3A_134 = arith.constant 0 : index
      %get3A_135 = vector.load %arg2[%get3A_133, %get3A_134] : memref<8x64xf32, #tpu.memory_space<vmem>>, vector<1x16xf32>
      %concatenate3A_136 = tpu.concatenate %get3A_135, %get3A_135, %get3A_135, %get3A_135, %get3A_135, %get3A_135, %get3A_135, %get3A_135 in 1 : vector<1x16xf32>, vector<1x16xf32>, vector<1x16xf32>, vector<1x16xf32>, vector<1x16xf32>, vector<1x16xf32>, vector<1x16xf32>, vector<1x16xf32> -> vector<1x128xf32>
      %get3A_137 = arith.constant 0 : index
      %get3A_138 = arith.constant 0 : index
      %get3A_139 = vector.load %arg3[%get3A_137, %get3A_138] : memref<16x64xf32, #tpu.memory_space<vmem>>, vector<16x64xf32>
      %mul3A_140 = arith.mulf %get3A_139, %get3A_139 : vector<16x64xf32>
      %reduce_sum3A = arith.constant dense<0.000000e+00> : vector<16xf32>
      %reduce_sum3A_141 = vector.multi_reduction <add>, %mul3A_140, %reduce_sum3A [1] : vector<16x64xf32> to vector<16xf32>
      %broadcast_in_dim3A_142 = vector.shape_cast %reduce_sum3A_141 : vector<16xf32> to vector<16x1xf32>
      %rsqrt3A = math.rsqrt %broadcast_in_dim3A_142 : vector<16x1xf32>
      %mul3A_143 = vector.broadcast %rsqrt3A : vector<16x1xf32> to vector<16x64xf32>
      %mul3A_144 = arith.mulf %get3A_139, %mul3A_143 : vector<16x64xf32>
      %div3A_145 = arith.constant 1.000000e+00 : f32
      %div3A_146 = vector.broadcast %div3A_145 : f32 to vector<1x64xf32>
      %div3A_147 = arith.divf %div3A_146, %get3A_120 : vector<1x64xf32>
      %log3A_148 = math.log %get3A_120 : vector<1x64xf32>
      %reduce_sum3A_149 = arith.constant dense<0.000000e+00> : vector<1xf32>
      %reduce_sum3A_150 = vector.multi_reduction <add>, %log3A_148, %reduce_sum3A_149 [1] : vector<1x64xf32> to vector<1xf32>
      %broadcast_in_dim3A_151 = vector.shape_cast %reduce_sum3A_150 : vector<1xf32> to vector<1x1xf32>
      %sub3A_152 = arith.constant -58.8120651 : f32
      %sub3A_153 = vector.broadcast %sub3A_152 : f32 to vector<1x1xf32>
      %sub3A_154 = arith.subf %sub3A_153, %broadcast_in_dim3A_151 : vector<1x1xf32>
      %sub3A_155 = arith.constant 44.3614197 : f32
      %sub3A_156 = vector.broadcast %sub3A_155 : f32 to vector<1x1xf32>
      %sub3A_157 = arith.subf %sub3A_154, %sub3A_156 : vector<1x1xf32>
      %log3A_158 = math.log %concatenate3A_124 : vector<1x128xf32>
      %mul3A_159 = arith.constant 6.300000e+01 : f32
      %mul3A_160 = vector.broadcast %mul3A_159 : f32 to vector<1x128xf32>
      %mul3A_161 = arith.mulf %mul3A_160, %log3A_158 : vector<1x128xf32>
      %sub3A_162 = arith.constant -57.8931274 : f32
      %sub3A_163 = vector.broadcast %sub3A_162 : f32 to vector<1x128xf32>
      %sub3A_164 = arith.subf %sub3A_163, %mul3A_161 : vector<1x128xf32>
      %mul3A_165 = arith.constant 2.000000e+00 : f32
      %mul3A_166 = vector.broadcast %mul3A_165 : f32 to vector<1x128xf32>
      %mul3A_167 = arith.mulf %mul3A_166, %concatenate3A_124 : vector<1x128xf32>
      %mul3A_168 = arith.mulf %mul3A_167, %concatenate3A_124 : vector<1x128xf32>
      %div3A_169 = arith.constant 1.000000e+00 : f32
      %div3A_170 = vector.broadcast %div3A_169 : f32 to vector<1x128xf32>
      %div3A_171 = arith.divf %div3A_170, %mul3A_168 : vector<1x128xf32>
      %mul3A_172 = arith.mulf %concatenate3A_136, %concatenate3A_132 : vector<1x128xf32>
      %mul3A_173 = arith.mulf %mul3A_172, %concatenate3A_132 : vector<1x128xf32>
      %add3A_174 = arith.addf %concatenate3A_128, %mul3A_173 : vector<1x128xf32>
      %mul3A_175 = arith.constant 5.000000e-01 : f32
      %mul3A_176 = vector.broadcast %mul3A_175 : f32 to vector<1x128xf32>
      %mul3A_177 = arith.mulf %mul3A_176, %concatenate3A_136 : vector<1x128xf32>
      %log3A_178 = math.log %mul3A_177 : vector<1x128xf32>
      %mul3A_179 = arith.mulf %concatenate3A_136, %concatenate3A_132 : vector<1x128xf32>
      %mul3A_180 = arith.constant 5.000000e-01 : f32
      %mul3A_181 = vector.broadcast %mul3A_180 : f32 to vector<1x128xf32>
      %mul3A_182 = arith.mulf %mul3A_181, %mul3A_179 : vector<1x128xf32>
      %mul3A_183 = arith.mulf %concatenate3A_136, %concatenate3A_132 : vector<1x128xf32>
      %mul3A_184 = arith.mulf %mul3A_182, %mul3A_183 : vector<1x128xf32>
      %sub3A_185 = arith.subf %log3A_178, %mul3A_184 : vector<1x128xf32>
      %mul3A_186 = arith.constant 1.41421354 : f32
      %mul3A_187 = vector.broadcast %mul3A_186 : f32 to vector<1x128xf32>
      %mul3A_188 = arith.mulf %mul3A_187, %concatenate3A_132 : vector<1x128xf32>
      %div3A_189 = arith.constant 1.000000e+00 : f32
      %div3A_190 = vector.broadcast %div3A_189 : f32 to vector<1x128xf32>
      %div3A_191 = arith.divf %div3A_190, %mul3A_188 : vector<1x128xf32>
      %broadcast_in_dim3A_192 = arith.constant 0.000000e+00 : f32
      %broadcast_in_dim3A_193 = vector.broadcast %broadcast_in_dim3A_192 : f32 to vector<16x128xf32>
      %broadcast_in_dim3A_194 = arith.constant 0.000000e+00 : f32
      %broadcast_in_dim3A_195 = vector.broadcast %broadcast_in_dim3A_194 : f32 to vector<16x64xf32>
      %concatenate3A_196 = tpu.concatenate %mul3A_144, %broadcast_in_dim3A_195 in 1 : vector<16x64xf32>, vector<16x64xf32> -> vector<16x128xf32>
      %concatenate3A_197 = tpu.concatenate %concatenate3A_196, %broadcast_in_dim3A_193, %broadcast_in_dim3A_193, %broadcast_in_dim3A_193, %broadcast_in_dim3A_193, %broadcast_in_dim3A_193, %broadcast_in_dim3A_193, %broadcast_in_dim3A_193 in 1 : vector<16x128xf32>, vector<16x128xf32>, vector<16x128xf32>, vector<16x128xf32>, vector<16x128xf32>, vector<16x128xf32>, vector<16x128xf32>, vector<16x128xf32> -> vector<16x1024xf32>
      %concatenate3A_198 = tpu.concatenate %broadcast_in_dim3A_193, %concatenate3A_196, %broadcast_in_dim3A_193, %broadcast_in_dim3A_193, %broadcast_in_dim3A_193, %broadcast_in_dim3A_193, %broadcast_in_dim3A_193, %broadcast_in_dim3A_193 in 1 : vector<16x128xf32>, vector<16x128xf32>, vector<16x128xf32>, vector<16x128xf32>, vector<16x128xf32>, vector<16x128xf32>, vector<16x128xf32>, vector<16x128xf32> -> vector<16x1024xf32>
      %concatenate3A_199 = tpu.concatenate %broadcast_in_dim3A_193, %broadcast_in_dim3A_193, %concatenate3A_196, %broadcast_in_dim3A_193, %broadcast_in_dim3A_193, %broadcast_in_dim3A_193, %broadcast_in_dim3A_193, %broadcast_in_dim3A_193 in 1 : vector<16x128xf32>, vector<16x128xf32>, vector<16x128xf32>, vector<16x128xf32>, vector<16x128xf32>, vector<16x128xf32>, vector<16x128xf32>, vector<16x128xf32> -> vector<16x1024xf32>
      %concatenate3A_200 = tpu.concatenate %broadcast_in_dim3A_193, %broadcast_in_dim3A_193, %broadcast_in_dim3A_193, %concatenate3A_196, %broadcast_in_dim3A_193, %broadcast_in_dim3A_193, %broadcast_in_dim3A_193, %broadcast_in_dim3A_193 in 1 : vector<16x128xf32>, vector<16x128xf32>, vector<16x128xf32>, vector<16x128xf32>, vector<16x128xf32>, vector<16x128xf32>, vector<16x128xf32>, vector<16x128xf32> -> vector<16x1024xf32>
      %concatenate3A_201 = tpu.concatenate %broadcast_in_dim3A_193, %broadcast_in_dim3A_193, %broadcast_in_dim3A_193, %broadcast_in_dim3A_193, %concatenate3A_196, %broadcast_in_dim3A_193, %broadcast_in_dim3A_193, %broadcast_in_dim3A_193 in 1 : vector<16x128xf32>, vector<16x128xf32>, vector<16x128xf32>, vector<16x128xf32>, vector<16x128xf32>, vector<16x128xf32>, vector<16x128xf32>, vector<16x128xf32> -> vector<16x1024xf32>
      %concatenate3A_202 = tpu.concatenate %broadcast_in_dim3A_193, %broadcast_in_dim3A_193, %broadcast_in_dim3A_193, %broadcast_in_dim3A_193, %broadcast_in_dim3A_193, %concatenate3A_196, %broadcast_in_dim3A_193, %broadcast_in_dim3A_193 in 1 : vector<16x128xf32>, vector<16x128xf32>, vector<16x128xf32>, vector<16x128xf32>, vector<16x128xf32>, vector<16x128xf32>, vector<16x128xf32>, vector<16x128xf32> -> vector<16x1024xf32>
      %concatenate3A_203 = tpu.concatenate %broadcast_in_dim3A_193, %broadcast_in_dim3A_193, %broadcast_in_dim3A_193, %broadcast_in_dim3A_193, %broadcast_in_dim3A_193, %broadcast_in_dim3A_193, %concatenate3A_196, %broadcast_in_dim3A_193 in 1 : vector<16x128xf32>, vector<16x128xf32>, vector<16x128xf32>, vector<16x128xf32>, vector<16x128xf32>, vector<16x128xf32>, vector<16x128xf32>, vector<16x128xf32> -> vector<16x1024xf32>
      %concatenate3A_204 = tpu.concatenate %broadcast_in_dim3A_193, %broadcast_in_dim3A_193, %broadcast_in_dim3A_193, %broadcast_in_dim3A_193, %broadcast_in_dim3A_193, %broadcast_in_dim3A_193, %broadcast_in_dim3A_193, %concatenate3A_196 in 1 : vector<16x128xf32>, vector<16x128xf32>, vector<16x128xf32>, vector<16x128xf32>, vector<16x128xf32>, vector<16x128xf32>, vector<16x128xf32>, vector<16x128xf32> -> vector<16x1024xf32>
      %concatenate3A_205 = tpu.concatenate %concatenate3A_197, %concatenate3A_198, %concatenate3A_199, %concatenate3A_200, %concatenate3A_201, %concatenate3A_202, %concatenate3A_203, %concatenate3A_204 in 0 : vector<16x1024xf32>, vector<16x1024xf32>, vector<16x1024xf32>, vector<16x1024xf32>, vector<16x1024xf32>, vector<16x1024xf32>, vector<16x1024xf32>, vector<16x1024xf32> -> vector<128x1024xf32>
      %swap3A_206 = arith.constant 0 : index
      %swap3A_207 = arith.constant 0 : index
      %swap3A_208 = vector.load %arg6[%swap3A_206, %swap3A_207] : memref<128x1024xf32, #tpu.memory_space<vmem>>, vector<128x1024xf32>
      tpu.vector_store %arg6[%swap3A_206, %swap3A_207], %concatenate3A_205 {strides = array<i32>} : memref<128x1024xf32, #tpu.memory_space<vmem>>, vector<128x1024xf32>,
      %iota3A = tpu.iota {dimensions = array<i32: 0>} : vector<64x1024xi32>
      %iota3A_209 = tpu.iota {dimensions = array<i32: 1>} : vector<64x1024xi32>
      %jit3A_210 = arith.constant 8 : i32
      %div3A_211 = vector.broadcast %jit3A_210 : i32 to vector<64x1024xi32>
      %div3A_212 = arith.divsi %iota3A, %div3A_211 : vector<64x1024xi32>
      %sign3A = arith.constant 0 : i32
      %sign3A_213 = vector.broadcast %sign3A : i32 to vector<64x1024xi32>
      %sign3A_214 = arith.cmpi sgt, %iota3A, %sign3A_213 : vector<64x1024xi32>
      %sign3A_215 = arith.extui %sign3A_214 : vector<64x1024xi1> to vector<64x1024xi32>
      %sign3A_216 = arith.constant 0 : i32
      %sign3A_217 = vector.broadcast %sign3A_216 : i32 to vector<64x1024xi32>
      %sign3A_218 = arith.cmpi slt, %iota3A, %sign3A_217 : vector<64x1024xi32>
      %sign3A_219 = arith.extui %sign3A_218 : vector<64x1024xi1> to vector<64x1024xi32>
      %sign3A_220 = arith.subi %sign3A_215, %sign3A_219 : vector<64x1024xi32>
      %sign3A_221 = arith.constant 0 : i32
      %sign3A_222 = arith.cmpi sgt, %jit3A_210, %sign3A_221 : i32
      %sign3A_223 = arith.extui %sign3A_222 : i1 to i32
      %sign3A_224 = arith.constant 0 : i32
      %sign3A_225 = arith.cmpi slt, %jit3A_210, %sign3A_224 : i32
      %sign3A_226 = arith.extui %sign3A_225 : i1 to i32
      %sign3A_227 = arith.subi %sign3A_223, %sign3A_226 : i32
      %ne3A = vector.broadcast %sign3A_227 : i32 to vector<64x1024xi32>
      %ne3A_228 = arith.cmpi ne, %sign3A_220, %ne3A : vector<64x1024xi32>
      %rem3A = vector.broadcast %jit3A_210 : i32 to vector<64x1024xi32>
      %rem3A_229 = arith.remsi %iota3A, %rem3A : vector<64x1024xi32>
      %ne3A_230 = arith.constant 0 : i32
      %ne3A_231 = vector.broadcast %ne3A_230 : i32 to vector<64x1024xi32>
      %ne3A_232 = arith.cmpi ne, %rem3A_229, %ne3A_231 : vector<64x1024xi32>
      %and3A = arith.andi %ne3A_228, %ne3A_232 : vector<64x1024xi1>
      %sub3A_233 = arith.constant 1 : i32
      %sub3A_234 = vector.broadcast %sub3A_233 : i32 to vector<64x1024xi32>
      %sub3A_235 = arith.subi %div3A_212, %sub3A_234 : vector<64x1024xi32>
      %select_n3A_236 = arith.select %and3A, %sub3A_235, %div3A_212 : vector<64x1024xi1>, vector<64x1024xi32>
      %jit3A_237 = arith.constant 128 : i32
      %div3A_238 = vector.broadcast %jit3A_237 : i32 to vector<64x1024xi32>
      %div3A_239 = arith.divsi %iota3A_209, %div3A_238 : vector<64x1024xi32>
      %sign3A_240 = arith.constant 0 : i32
      %sign3A_241 = vector.broadcast %sign3A_240 : i32 to vector<64x1024xi32>
      %sign3A_242 = arith.cmpi sgt, %iota3A_209, %sign3A_241 : vector<64x1024xi32>
      %sign3A_243 = arith.extui %sign3A_242 : vector<64x1024xi1> to vector<64x1024xi32>
      %sign3A_244 = arith.constant 0 : i32
      %sign3A_245 = vector.broadcast %sign3A_244 : i32 to vector<64x1024xi32>
      %sign3A_246 = arith.cmpi slt, %iota3A_209, %sign3A_245 : vector<64x1024xi32>
      %sign3A_247 = arith.extui %sign3A_246 : vector<64x1024xi1> to vector<64x1024xi32>
      %sign3A_248 = arith.subi %sign3A_243, %sign3A_247 : vector<64x1024xi32>
      %sign3A_249 = arith.constant 0 : i32
      %sign3A_250 = arith.cmpi sgt, %jit3A_237, %sign3A_249 : i32
      %sign3A_251 = arith.extui %sign3A_250 : i1 to i32
      %sign3A_252 = arith.constant 0 : i32
      %sign3A_253 = arith.cmpi slt, %jit3A_237, %sign3A_252 : i32
      %sign3A_254 = arith.extui %sign3A_253 : i1 to i32
      %sign3A_255 = arith.subi %sign3A_251, %sign3A_254 : i32
      %ne3A_256 = vector.broadcast %sign3A_255 : i32 to vector<64x1024xi32>
      %ne3A_257 = arith.cmpi ne, %sign3A_248, %ne3A_256 : vector<64x1024xi32>
      %rem3A_258 = vector.broadcast %jit3A_237 : i32 to vector<64x1024xi32>
      %rem3A_259 = arith.remsi %iota3A_209, %rem3A_258 : vector<64x1024xi32>
      %ne3A_260 = arith.constant 0 : i32
      %ne3A_261 = vector.broadcast %ne3A_260 : i32 to vector<64x1024xi32>
      %ne3A_262 = arith.cmpi ne, %rem3A_259, %ne3A_261 : vector<64x1024xi32>
      %and3A_263 = arith.andi %ne3A_257, %ne3A_262 : vector<64x1024xi1>
      %sub3A_264 = arith.constant 1 : i32
      %sub3A_265 = vector.broadcast %sub3A_264 : i32 to vector<64x1024xi32>
      %sub3A_266 = arith.subi %div3A_239, %sub3A_265 : vector<64x1024xi32>
      %select_n3A_267 = arith.select %and3A_263, %sub3A_266, %div3A_239 : vector<64x1024xi1>, vector<64x1024xi32>
      %eq3A_268 = arith.cmpi eq, %select_n3A_236, %select_n3A_267 : vector<64x1024xi32>
      %jit3A_269 = arith.constant 128 : i32
      %div3A_270 = vector.broadcast %jit3A_269 : i32 to vector<64x1024xi32>
      %div3A_271 = arith.divsi %iota3A_209, %div3A_270 : vector<64x1024xi32>
      %sign3A_272 = arith.constant 0 : i32
      %sign3A_273 = vector.broadcast %sign3A_272 : i32 to vector<64x1024xi32>
      %sign3A_274 = arith.cmpi sgt, %iota3A_209, %sign3A_273 : vector<64x1024xi32>
      %sign3A_275 = arith.extui %sign3A_274 : vector<64x1024xi1> to vector<64x1024xi32>
      %sign3A_276 = arith.constant 0 : i32
      %sign3A_277 = vector.broadcast %sign3A_276 : i32 to vector<64x1024xi32>
      %sign3A_278 = arith.cmpi slt, %iota3A_209, %sign3A_277 : vector<64x1024xi32>
      %sign3A_279 = arith.extui %sign3A_278 : vector<64x1024xi1> to vector<64x1024xi32>
      %sign3A_280 = arith.subi %sign3A_275, %sign3A_279 : vector<64x1024xi32>
      %sign3A_281 = arith.constant 0 : i32
      %sign3A_282 = arith.cmpi sgt, %jit3A_269, %sign3A_281 : i32
      %sign3A_283 = arith.extui %sign3A_282 : i1 to i32
      %sign3A_284 = arith.constant 0 : i32
      %sign3A_285 = arith.cmpi slt, %jit3A_269, %sign3A_284 : i32
      %sign3A_286 = arith.extui %sign3A_285 : i1 to i32
      %sign3A_287 = arith.subi %sign3A_283, %sign3A_286 : i32
      %ne3A_288 = vector.broadcast %sign3A_287 : i32 to vector<64x1024xi32>
      %ne3A_289 = arith.cmpi ne, %sign3A_280, %ne3A_288 : vector<64x1024xi32>
      %rem3A_290 = vector.broadcast %jit3A_269 : i32 to vector<64x1024xi32>
      %rem3A_291 = arith.remsi %iota3A_209, %rem3A_290 : vector<64x1024xi32>
      %ne3A_292 = arith.constant 0 : i32
      %ne3A_293 = vector.broadcast %ne3A_292 : i32 to vector<64x1024xi32>
      %ne3A_294 = arith.cmpi ne, %rem3A_291, %ne3A_293 : vector<64x1024xi32>
      %and3A_295 = arith.andi %ne3A_289, %ne3A_294 : vector<64x1024xi1>
      %sub3A_296 = arith.constant 1 : i32
      %sub3A_297 = vector.broadcast %sub3A_296 : i32 to vector<64x1024xi32>
      %sub3A_298 = arith.subi %div3A_271, %sub3A_297 : vector<64x1024xi32>
      %select_n3A_299 = arith.select %and3A_295, %sub3A_298, %div3A_271 : vector<64x1024xi1>, vector<64x1024xi32>
      %mul3A_300 = arith.constant 128 : i32
      %mul3A_301 = vector.broadcast %mul3A_300 : i32 to vector<64x1024xi32>
      %mul3A_302 = arith.muli %select_n3A_299, %mul3A_301 : vector<64x1024xi32>
      %sub3A_303 = arith.subi %iota3A_209, %mul3A_302 : vector<64x1024xi32>
      %mul3A_304 = arith.mulf %div3A_147, %div3A_147 : vector<1x64xf32>
      %broadcast_in_dim3A_305 = arith.constant 0.000000e+00 : f32
      %broadcast_in_dim3A_306 = vector.broadcast %broadcast_in_dim3A_305 : f32 to vector<1x64xf32>
      %concatenate3A_307 = tpu.concatenate %mul3A_304, %broadcast_in_dim3A_306 in 1 : vector<1x64xf32>, vector<1x64xf32> -> vector<1x128xf32>
      %concatenate3A_308 = tpu.concatenate %concatenate3A_307, %concatenate3A_307, %concatenate3A_307, %concatenate3A_307, %concatenate3A_307, %concatenate3A_307, %concatenate3A_307, %concatenate3A_307 in 1 : vector<1x128xf32>, vector<1x128xf32>, vector<1x128xf32>, vector<1x128xf32>, vector<1x128xf32>, vector<1x128xf32>, vector<1x128xf32>, vector<1x128xf32> -> vector<1x1024xf32>
      %jit3A_309 = arith.constant 8 : i32
      %eq3A_310 = arith.constant 0 : i32
      %eq3A_311 = arith.cmpi eq, %jit3A_309, %eq3A_310 : i32
      %jit3A_312 = arith.constant 1 : i32
      %select_n3A_313 = arith.select %eq3A_311, %jit3A_312, %jit3A_309 : i32
      %rem3A_314 = vector.broadcast %select_n3A_313 : i32 to vector<64x1024xi32>
      %rem3A_315 = arith.remsi %iota3A, %rem3A_314 : vector<64x1024xi32>
      %ne3A_316 = arith.constant 0 : i32
      %ne3A_317 = vector.broadcast %ne3A_316 : i32 to vector<64x1024xi32>
      %ne3A_318 = arith.cmpi ne, %rem3A_315, %ne3A_317 : vector<64x1024xi32>
      %lt3A = arith.constant 0 : i32
      %lt3A_319 = vector.broadcast %lt3A : i32 to vector<64x1024xi32>
      %lt3A_320 = arith.cmpi slt, %rem3A_315, %lt3A_319 : vector<64x1024xi32>
      %lt3A_321 = arith.constant 0 : i32
      %lt3A_322 = arith.cmpi slt, %select_n3A_313, %lt3A_321 : i32
      %ne3A_323 = vector.broadcast %lt3A_322 : i1 to vector<64x1024xi1>
      %ne3A_324 = vector.broadcast %ne3A_323 : vector<64x1024xi1> to vector<64x1024xi1>
      %ne3A_325 = arith.xori %lt3A_320, %ne3A_324 : vector<64x1024xi1>
      %and3A_326 = arith.andi %ne3A_325, %ne3A_318 : vector<64x1024xi1>
      %add3A_327 = vector.broadcast %select_n3A_313 : i32 to vector<64x1024xi32>
      %add3A_328 = arith.addi %rem3A_315, %add3A_327 : vector<64x1024xi32>
      %select_n3A_329 = arith.select %and3A_326, %add3A_328, %rem3A_315 : vector<64x1024xi1>, vector<64x1024xi32>
      %eq3A_330 = arith.constant 0 : i32
      %eq3A_331 = vector.broadcast %eq3A_330 : i32 to vector<64x1024xi32>
      %eq3A_332 = arith.cmpi eq, %select_n3A_329, %eq3A_331 : vector<64x1024xi32>
      %and3A_333 = arith.andi %eq3A_268, %eq3A_332 : vector<64x1024xi1>
      %jit3A_334 = arith.constant 1.000000e+00 : f32
      %jit3A_335 = arith.constant 0.000000e+00 : f32
      %broadcast_in_dim3A_336 = vector.broadcast %jit3A_334 : f32 to vector<64x1024xf32>
      %broadcast_in_dim3A_337 = vector.broadcast %jit3A_335 : f32 to vector<64x1024xf32>
      %select_n3A_338 = arith.select %and3A_333, %broadcast_in_dim3A_336, %broadcast_in_dim3A_337 : vector<64x1024xi1>, vector<64x1024xf32>
      %mul3A_339 = vector.broadcast %concatenate3A_308 : vector<1x1024xf32> to vector<64x1024xf32>
      %mul3A_340 = arith.mulf %select_n3A_338, %mul3A_339 : vector<64x1024xf32>
      %jit3A_341 = arith.constant 8 : i32
      %eq3A_342 = arith.constant 0 : i32
      %eq3A_343 = arith.cmpi eq, %jit3A_341, %eq3A_342 : i32
      %jit3A_344 = arith.constant 1 : i32
      %select_n3A_345 = arith.select %eq3A_343, %jit3A_344, %jit3A_341 : i32
      %rem3A_346 = vector.broadcast %select_n3A_345 : i32 to vector<64x1024xi32>
      %rem3A_347 = arith.remsi %iota3A, %rem3A_346 : vector<64x1024xi32>
      %ne3A_348 = arith.constant 0 : i32
      %ne3A_349 = vector.broadcast %ne3A_348 : i32 to vector<64x1024xi32>
      %ne3A_350 = arith.cmpi ne, %rem3A_347, %ne3A_349 : vector<64x1024xi32>
      %lt3A_351 = arith.constant 0 : i32
      %lt3A_352 = vector.broadcast %lt3A_351 : i32 to vector<64x1024xi32>
      %lt3A_353 = arith.cmpi slt, %rem3A_347, %lt3A_352 : vector<64x1024xi32>
      %lt3A_354 = arith.constant 0 : i32
      %lt3A_355 = arith.cmpi slt, %select_n3A_345, %lt3A_354 : i32
      %ne3A_356 = vector.broadcast %lt3A_355 : i1 to vector<64x1024xi1>
      %ne3A_357 = vector.broadcast %ne3A_356 : vector<64x1024xi1> to vector<64x1024xi1>
      %ne3A_358 = arith.xori %lt3A_353, %ne3A_357 : vector<64x1024xi1>
      %and3A_359 = arith.andi %ne3A_358, %ne3A_350 : vector<64x1024xi1>
      %add3A_360 = vector.broadcast %select_n3A_345 : i32 to vector<64x1024xi32>
      %add3A_361 = arith.addi %rem3A_347, %add3A_360 : vector<64x1024xi32>
      %select_n3A_362 = arith.select %and3A_359, %add3A_361, %rem3A_347 : vector<64x1024xi1>, vector<64x1024xi32>
      %eq3A_363 = arith.constant 1 : i32
      %eq3A_364 = vector.broadcast %eq3A_363 : i32 to vector<64x1024xi32>
      %eq3A_365 = arith.cmpi eq, %select_n3A_362, %eq3A_364 : vector<64x1024xi32>
      %and3A_366 = arith.andi %eq3A_268, %eq3A_365 : vector<64x1024xi1>
      %lt3A_367 = arith.constant 64 : i32
      %lt3A_368 = vector.broadcast %lt3A_367 : i32 to vector<64x1024xi32>
      %lt3A_369 = arith.cmpi slt, %sub3A_303, %lt3A_368 : vector<64x1024xi32>
      %and3A_370 = arith.andi %and3A_366, %lt3A_369 : vector<64x1024xi1>
      %jit3A_371 = arith.constant 1.000000e+00 : f32
      %jit3A_372 = arith.constant 0.000000e+00 : f32
      %broadcast_in_dim3A_373 = vector.broadcast %jit3A_371 : f32 to vector<64x1024xf32>
      %broadcast_in_dim3A_374 = vector.broadcast %jit3A_372 : f32 to vector<64x1024xf32>
      %select_n3A_375 = arith.select %and3A_370, %broadcast_in_dim3A_373, %broadcast_in_dim3A_374 : vector<64x1024xi1>, vector<64x1024xf32>
      %add3A_376 = arith.addf %mul3A_340, %select_n3A_375 : vector<64x1024xf32>
      %swap3A_377 = arith.constant 0 : index
      %swap3A_378 = arith.constant 0 : index
      %swap3A_379 = vector.load %arg7[%swap3A_377, %swap3A_378] : memref<64x1024xf32, #tpu.memory_space<vmem>>, vector<64x1024xf32>
      tpu.vector_store %arg7[%swap3A_377, %swap3A_378], %add3A_376 {strides = array<i32>} : memref<64x1024xf32, #tpu.memory_space<vmem>>, vector<64x1024xf32>,
      %iota3A_380 = tpu.iota {dimensions = array<i32: 0>} : vector<128x64xi32>
      %iota3A_381 = tpu.iota {dimensions = array<i32: 1>} : vector<128x64xi32>
      %jit3A_382 = arith.constant 16 : i32
      %div3A_383 = vector.broadcast %jit3A_382 : i32 to vector<128x64xi32>
      %div3A_384 = arith.divsi %iota3A_380, %div3A_383 : vector<128x64xi32>
      %sign3A_385 = arith.constant 0 : i32
      %sign3A_386 = vector.broadcast %sign3A_385 : i32 to vector<128x64xi32>
      %sign3A_387 = arith.cmpi sgt, %iota3A_380, %sign3A_386 : vector<128x64xi32>
      %sign3A_388 = arith.extui %sign3A_387 : vector<128x64xi1> to vector<128x64xi32>
      %sign3A_389 = arith.constant 0 : i32
      %sign3A_390 = vector.broadcast %sign3A_389 : i32 to vector<128x64xi32>
      %sign3A_391 = arith.cmpi slt, %iota3A_380, %sign3A_390 : vector<128x64xi32>
      %sign3A_392 = arith.extui %sign3A_391 : vector<128x64xi1> to vector<128x64xi32>
      %sign3A_393 = arith.subi %sign3A_388, %sign3A_392 : vector<128x64xi32>
      %sign3A_394 = arith.constant 0 : i32
      %sign3A_395 = arith.cmpi sgt, %jit3A_382, %sign3A_394 : i32
      %sign3A_396 = arith.extui %sign3A_395 : i1 to i32
      %sign3A_397 = arith.constant 0 : i32
      %sign3A_398 = arith.cmpi slt, %jit3A_382, %sign3A_397 : i32
      %sign3A_399 = arith.extui %sign3A_398 : i1 to i32
      %sign3A_400 = arith.subi %sign3A_396, %sign3A_399 : i32
      %ne3A_401 = vector.broadcast %sign3A_400 : i32 to vector<128x64xi32>
      %ne3A_402 = arith.cmpi ne, %sign3A_393, %ne3A_401 : vector<128x64xi32>
      %rem3A_403 = vector.broadcast %jit3A_382 : i32 to vector<128x64xi32>
      %rem3A_404 = arith.remsi %iota3A_380, %rem3A_403 : vector<128x64xi32>
      %ne3A_405 = arith.constant 0 : i32
      %ne3A_406 = vector.broadcast %ne3A_405 : i32 to vector<128x64xi32>
      %ne3A_407 = arith.cmpi ne, %rem3A_404, %ne3A_406 : vector<128x64xi32>
      %and3A_408 = arith.andi %ne3A_402, %ne3A_407 : vector<128x64xi1>
      %sub3A_409 = arith.constant 1 : i32
      %sub3A_410 = vector.broadcast %sub3A_409 : i32 to vector<128x64xi32>
      %sub3A_411 = arith.subi %div3A_384, %sub3A_410 : vector<128x64xi32>
      %select_n3A_412 = arith.select %and3A_408, %sub3A_411, %div3A_384 : vector<128x64xi1>, vector<128x64xi32>
      %mul3A_413 = arith.constant 8 : i32
      %mul3A_414 = vector.broadcast %mul3A_413 : i32 to vector<128x64xi32>
      %mul3A_415 = arith.muli %mul3A_414, %select_n3A_412 : vector<128x64xi32>
      %add3A_416 = arith.constant 1 : i32
      %add3A_417 = vector.broadcast %add3A_416 : i32 to vector<128x64xi32>
      %add3A_418 = arith.addi %mul3A_415, %add3A_417 : vector<128x64xi32>
      %eq3A_419 = arith.cmpi eq, %iota3A_381, %add3A_418 : vector<128x64xi32>
      %jit3A_420 = arith.constant 1.000000e+00 : f32
      %jit3A_421 = arith.constant 0.000000e+00 : f32
      %broadcast_in_dim3A_422 = vector.broadcast %jit3A_420 : f32 to vector<128x64xf32>
      %broadcast_in_dim3A_423 = vector.broadcast %jit3A_421 : f32 to vector<128x64xf32>
      %select_n3A_424 = arith.select %eq3A_419, %broadcast_in_dim3A_422, %broadcast_in_dim3A_423 : vector<128x64xi1>, vector<128x64xf32>
      %reshape3A_425 = vector.shape_cast %div3A_171 : vector<1x128xf32> to vector<128x1xf32>
      %mul3A_426 = vector.broadcast %reshape3A_425 : vector<128x1xf32> to vector<128x64xf32>
      %mul3A_427 = arith.mulf %select_n3A_424, %mul3A_426 : vector<128x64xf32>
      %swap3A_428 = arith.constant 0 : index
      %swap3A_429 = arith.constant 0 : index
      %swap3A_430 = vector.load %arg8[%swap3A_428, %swap3A_429] : memref<128x64xf32, #tpu.memory_space<vmem>>, vector<128x64xf32>
      tpu.vector_store %arg8[%swap3A_428, %swap3A_429], %mul3A_427 {strides = array<i32>} : memref<128x64xf32, #tpu.memory_space<vmem>>, vector<128x64xf32>,
      %lt3A_431 = arith.constant 8 : i32
      %lt3A_432 = vector.broadcast %lt3A_431 : i32 to vector<128x64xi32>
      %lt3A_433 = arith.cmpi slt, %iota3A_380, %lt3A_432 : vector<128x64xi32>
      %mul3A_434 = arith.constant 8 : i32
      %mul3A_435 = vector.broadcast %mul3A_434 : i32 to vector<128x64xi32>
      %mul3A_436 = arith.muli %mul3A_435, %iota3A_380 : vector<128x64xi32>
      %eq3A_437 = arith.cmpi eq, %iota3A_381, %mul3A_436 : vector<128x64xi32>
      %and3A_438 = arith.andi %lt3A_433, %eq3A_437 : vector<128x64xi1>
      %jit3A_439 = arith.constant -5.000000e-01 : f32
      %jit3A_440 = arith.constant 0.000000e+00 : f32
      %broadcast_in_dim3A_441 = vector.broadcast %jit3A_439 : f32 to vector<128x64xf32>
      %broadcast_in_dim3A_442 = vector.broadcast %jit3A_440 : f32 to vector<128x64xf32>
      %select_n3A_443 = arith.select %and3A_438, %broadcast_in_dim3A_441, %broadcast_in_dim3A_442 : vector<128x64xi1>, vector<128x64xf32>
      %ge3A_444 = arith.constant 8 : i32
      %ge3A_445 = vector.broadcast %ge3A_444 : i32 to vector<128x64xi32>
      %ge3A_446 = arith.cmpi sge, %iota3A_380, %ge3A_445 : vector<128x64xi32>
      %lt3A_447 = arith.constant 16 : i32
      %lt3A_448 = vector.broadcast %lt3A_447 : i32 to vector<128x64xi32>
      %lt3A_449 = arith.cmpi slt, %iota3A_380, %lt3A_448 : vector<128x64xi32>
      %and3A_450 = arith.andi %ge3A_446, %lt3A_449 : vector<128x64xi1>
      %sub3A_451 = arith.constant 8 : i32
      %sub3A_452 = vector.broadcast %sub3A_451 : i32 to vector<128x64xi32>
      %sub3A_453 = arith.subi %iota3A_380, %sub3A_452 : vector<128x64xi32>
      %mul3A_454 = arith.constant 8 : i32
      %mul3A_455 = vector.broadcast %mul3A_454 : i32 to vector<128x64xi32>
      %mul3A_456 = arith.muli %mul3A_455, %sub3A_453 : vector<128x64xi32>
      %eq3A_457 = arith.cmpi eq, %iota3A_381, %mul3A_456 : vector<128x64xi32>
      %and3A_458 = arith.andi %and3A_450, %eq3A_457 : vector<128x64xi1>
      %jit3A_459 = arith.constant -1.250000e-01 : f32
      %jit3A_460 = arith.constant 0.000000e+00 : f32
      %broadcast_in_dim3A_461 = vector.broadcast %jit3A_459 : f32 to vector<128x64xf32>
      %broadcast_in_dim3A_462 = vector.broadcast %jit3A_460 : f32 to vector<128x64xf32>
      %select_n3A_463 = arith.select %and3A_458, %broadcast_in_dim3A_461, %broadcast_in_dim3A_462 : vector<128x64xi1>, vector<128x64xf32>
      %add3A_464 = arith.addf %select_n3A_443, %select_n3A_463 : vector<128x64xf32>
      %swap3A_465 = arith.constant 0 : index
      %swap3A_466 = arith.constant 0 : index
      %swap3A_467 = vector.load %arg9[%swap3A_465, %swap3A_466] : memref<128x64xf32, #tpu.memory_space<vmem>>, vector<128x64xf32>
      tpu.vector_store %arg9[%swap3A_465, %swap3A_466], %add3A_464 {strides = array<i32>} : memref<128x64xf32, #tpu.memory_space<vmem>>, vector<128x64xf32>,
      %concatenate3A_468 = tpu.concatenate %div3A_147, %div3A_147, %div3A_147, %div3A_147, %div3A_147, %div3A_147, %div3A_147, %div3A_147 in 1 : vector<1x64xf32>, vector<1x64xf32>, vector<1x64xf32>, vector<1x64xf32>, vector<1x64xf32>, vector<1x64xf32>, vector<1x64xf32>, vector<1x64xf32> -> vector<1x512xf32>
      %swap3A_469 = arith.constant 0 : index
      %swap3A_470 = arith.constant 0 : index
      %swap3A_471 = vector.load %arg10[%swap3A_469, %swap3A_470] : memref<8x512xf32, #tpu.memory_space<vmem>>, vector<1x512xf32>
      tpu.vector_store %arg10[%swap3A_469, %swap3A_470], %concatenate3A_468 {strides = array<i32>} : memref<8x512xf32, #tpu.memory_space<vmem>>, vector<1x512xf32>,
      %broadcast_in_dim3A_472 = arith.constant 0.000000e+00 : f32
      %broadcast_in_dim3A_473 = vector.broadcast %broadcast_in_dim3A_472 : f32 to vector<1x384xf32>
      %add3A_474 = arith.addf %sub3A_164, %sub3A_185 : vector<1x128xf32>
      %concatenate3A_475 = tpu.concatenate %add3A_474, %broadcast_in_dim3A_473 in 1 : vector<1x128xf32>, vector<1x384xf32> -> vector<1x512xf32>
      %swap3A_476 = arith.constant 1 : index
      %swap3A_477 = arith.constant 0 : index
      %swap3A_478 = vector.load %arg10[%swap3A_476, %swap3A_477] : memref<8x512xf32, #tpu.memory_space<vmem>>, vector<1x512xf32>
      tpu.vector_store %arg10[%swap3A_476, %swap3A_477], %concatenate3A_475 {strides = array<i32>} : memref<8x512xf32, #tpu.memory_space<vmem>>, vector<1x512xf32>,
      %concatenate3A_479 = tpu.concatenate %div3A_171, %broadcast_in_dim3A_473 in 1 : vector<1x128xf32>, vector<1x384xf32> -> vector<1x512xf32>
      %swap3A_480 = arith.constant 2 : index
      %swap3A_481 = arith.constant 0 : index
      %swap3A_482 = vector.load %arg10[%swap3A_480, %swap3A_481] : memref<8x512xf32, #tpu.memory_space<vmem>>, vector<1x512xf32>
      tpu.vector_store %arg10[%swap3A_480, %swap3A_481], %concatenate3A_479 {strides = array<i32>} : memref<8x512xf32, #tpu.memory_space<vmem>>, vector<1x512xf32>,
      %concatenate3A_483 = tpu.concatenate %add3A_174, %broadcast_in_dim3A_473 in 1 : vector<1x128xf32>, vector<1x384xf32> -> vector<1x512xf32>
      %swap3A_484 = arith.constant 3 : index
      %swap3A_485 = arith.constant 0 : index
      %swap3A_486 = vector.load %arg10[%swap3A_484, %swap3A_485] : memref<8x512xf32, #tpu.memory_space<vmem>>, vector<1x512xf32>
      tpu.vector_store %arg10[%swap3A_484, %swap3A_485], %concatenate3A_483 {strides = array<i32>} : memref<8x512xf32, #tpu.memory_space<vmem>>, vector<1x512xf32>,
      %concatenate3A_487 = tpu.concatenate %div3A_191, %broadcast_in_dim3A_473 in 1 : vector<1x128xf32>, vector<1x384xf32> -> vector<1x512xf32>
      %swap3A_488 = arith.constant 4 : index
      %swap3A_489 = arith.constant 0 : index
      %swap3A_490 = vector.load %arg10[%swap3A_488, %swap3A_489] : memref<8x512xf32, #tpu.memory_space<vmem>>, vector<1x512xf32>
      tpu.vector_store %arg10[%swap3A_488, %swap3A_489], %concatenate3A_487 {strides = array<i32>} : memref<8x512xf32, #tpu.memory_space<vmem>>, vector<1x512xf32>,
      %concatenate3A_491 = tpu.concatenate %concatenate3A_136, %broadcast_in_dim3A_473 in 1 : vector<1x128xf32>, vector<1x384xf32> -> vector<1x512xf32>
      %swap3A_492 = arith.constant 5 : index
      %swap3A_493 = arith.constant 0 : index
      %swap3A_494 = vector.load %arg10[%swap3A_492, %swap3A_493] : memref<8x512xf32, #tpu.memory_space<vmem>>, vector<1x512xf32>
      tpu.vector_store %arg10[%swap3A_492, %swap3A_493], %concatenate3A_491 {strides = array<i32>} : memref<8x512xf32, #tpu.memory_space<vmem>>, vector<1x512xf32>,
      %iota3A_495 = tpu.iota {dimensions = array<i32: 1>} : vector<1x512xi32>
      %lt3A_496 = arith.constant 8 : i32
      %lt3A_497 = vector.broadcast %lt3A_496 : i32 to vector<1x512xi32>
      %lt3A_498 = arith.cmpi slt, %iota3A_495, %lt3A_497 : vector<1x512xi32>
      %jit3A_499 = arith.constant 0.000000e+00 : f32
      %broadcast_in_dim3A_500 = vector.shape_cast %sub3A_154 : vector<1x1xf32> to vector<1x1xf32>
      %broadcast_in_dim3A_501 = vector.broadcast %broadcast_in_dim3A_500 : vector<1x1xf32> to vector<1x512xf32>
      %broadcast_in_dim3A_502 = vector.broadcast %jit3A_499 : f32 to vector<1x512xf32>
      %select_n3A_503 = arith.select %lt3A_498, %broadcast_in_dim3A_501, %broadcast_in_dim3A_502 : vector<1x512xi1>, vector<1x512xf32>
      %ge3A_504 = arith.constant 8 : i32
      %ge3A_505 = vector.broadcast %ge3A_504 : i32 to vector<1x512xi32>
      %ge3A_506 = arith.cmpi sge, %iota3A_495, %ge3A_505 : vector<1x512xi32>
      %lt3A_507 = arith.constant 16 : i32
      %lt3A_508 = vector.broadcast %lt3A_507 : i32 to vector<1x512xi32>
      %lt3A_509 = arith.cmpi slt, %iota3A_495, %lt3A_508 : vector<1x512xi32>
      %and3A_510 = arith.andi %ge3A_506, %lt3A_509 : vector<1x512xi1>
      %jit3A_511 = arith.constant 0.000000e+00 : f32
      %broadcast_in_dim3A_512 = vector.shape_cast %sub3A_157 : vector<1x1xf32> to vector<1x1xf32>
      %broadcast_in_dim3A_513 = vector.broadcast %broadcast_in_dim3A_512 : vector<1x1xf32> to vector<1x512xf32>
      %broadcast_in_dim3A_514 = vector.broadcast %jit3A_511 : f32 to vector<1x512xf32>
      %select_n3A_515 = arith.select %and3A_510, %broadcast_in_dim3A_513, %broadcast_in_dim3A_514 : vector<1x512xi1>, vector<1x512xf32>
      %add3A_516 = arith.addf %select_n3A_503, %select_n3A_515 : vector<1x512xf32>
      %swap3A_517 = arith.constant 6 : index
      %swap3A_518 = arith.constant 0 : index
      %swap3A_519 = vector.load %arg10[%swap3A_517, %swap3A_518] : memref<8x512xf32, #tpu.memory_space<vmem>>, vector<1x512xf32>
      tpu.vector_store %arg10[%swap3A_517, %swap3A_518], %add3A_516 {strides = array<i32>} : memref<8x512xf32, #tpu.memory_space<vmem>>, vector<1x512xf32>,
    } else {
    }
    %get3A = arith.constant 0 : index
    %get3A_2 = arith.constant 0 : index
    %get3A_3 = vector.load %arg1[%get3A, %get3A_2] : memref<8192x64xf32, #tpu.memory_space<vmem>>, vector<8192x64xf32>
    %broadcast_in_dim3A = arith.constant 0.000000e+00 : f32
    %broadcast_in_dim3A_4 = vector.broadcast %broadcast_in_dim3A : f32 to vector<8192x64xf32>
    %concatenate3A = tpu.concatenate %get3A_3, %broadcast_in_dim3A_4 in 1 : vector<8192x64xf32>, vector<8192x64xf32> -> vector<8192x128xf32>
    %reshape3A = vector.shape_cast %concatenate3A : vector<8192x128xf32> to vector<1024x1024xf32>
    %get3A_5 = arith.constant 1 : index
    %get3A_6 = arith.constant 0 : index
    %get3A_7 = vector.load %arg10[%get3A_5, %get3A_6] : memref<8x512xf32, #tpu.memory_space<vmem>>, vector<1x128xf32>
    %get3A_8 = arith.constant 2 : index
    %get3A_9 = arith.constant 0 : index
    %get3A_10 = vector.load %arg10[%get3A_8, %get3A_9] : memref<8x512xf32, #tpu.memory_space<vmem>>, vector<1x128xf32>
    %get3A_11 = arith.constant 3 : index
    %get3A_12 = arith.constant 0 : index
    %get3A_13 = vector.load %arg10[%get3A_11, %get3A_12] : memref<8x512xf32, #tpu.memory_space<vmem>>, vector<1x128xf32>
    %get3A_14 = arith.constant 4 : index
    %get3A_15 = arith.constant 0 : index
    %get3A_16 = vector.load %arg10[%get3A_14, %get3A_15] : memref<8x512xf32, #tpu.memory_space<vmem>>, vector<1x128xf32>
    %get3A_17 = arith.constant 5 : index
    %get3A_18 = arith.constant 0 : index
    %get3A_19 = vector.load %arg10[%get3A_17, %get3A_18] : memref<8x512xf32, #tpu.memory_space<vmem>>, vector<1x128xf32>
    %get3A_20 = arith.constant 6 : index
    %get3A_21 = arith.constant 0 : index
    %get3A_22 = vector.load %arg10[%get3A_20, %get3A_21] : memref<8x512xf32, #tpu.memory_space<vmem>>, vector<1x128xf32>
    %get3A_23 = arith.constant 0 : index
    %get3A_24 = arith.constant 0 : index
    %get3A_25 = vector.load %arg6[%get3A_23, %get3A_24] : memref<128x1024xf32, #tpu.memory_space<vmem>>, vector<128x1024xf32>
    %dot_general3A = arith.constant dense<0.000000e+00> : vector<1024x128xf32>
    %dot_general3A_26 = tpu.matmul %reshape3A, %get3A_25, %dot_general3A {dimension_numbers = #tpu.dot_dimension_numbers<[1], [1], [0], [0], [0, 0, 1, 0], [], []>, transpose_lhs_hint = false} : vector<1024x1024xf32>, vector<128x1024xf32>, vector<1024x128xf32> -> vector<1024x128xf32>
    %mul3A = arith.mulf %reshape3A, %reshape3A : vector<1024x1024xf32>
    %get3A_27 = arith.constant 0 : index
    %get3A_28 = arith.constant 0 : index
    %get3A_29 = vector.load %arg7[%get3A_27, %get3A_28] : memref<64x1024xf32, #tpu.memory_space<vmem>>, vector<64x1024xf32>
    %dot_general3A_30 = arith.constant dense<0.000000e+00> : vector<1024x64xf32>
    %dot_general3A_31 = tpu.matmul %mul3A, %get3A_29, %dot_general3A_30 {dimension_numbers = #tpu.dot_dimension_numbers<[1], [1], [0], [0], [0, 0, 1, 0], [], []>, transpose_lhs_hint = false} : vector<1024x1024xf32>, vector<64x1024xf32>, vector<1024x64xf32> -> vector<1024x64xf32>
    %get3A_32 = arith.constant 0 : index
    %get3A_33 = arith.constant 0 : index
    %get3A_34 = vector.load %arg8[%get3A_32, %get3A_33] : memref<128x64xf32, #tpu.memory_space<vmem>>, vector<128x64xf32>
    %dot_general3A_35 = arith.constant dense<0.000000e+00> : vector<1024x128xf32>
    %dot_general3A_36 = tpu.matmul %dot_general3A_31, %get3A_34, %dot_general3A_35 {dimension_numbers = #tpu.dot_dimension_numbers<[1], [1], [0], [0], [0, 0, 1, 0], [], []>, transpose_lhs_hint = false} : vector<1024x64xf32>, vector<128x64xf32>, vector<1024x128xf32> -> vector<1024x128xf32>
    %get3A_37 = arith.constant 0 : index
    %get3A_38 = arith.constant 0 : index
    %get3A_39 = vector.load %arg9[%get3A_37, %get3A_38] : memref<128x64xf32, #tpu.memory_space<vmem>>, vector<128x64xf32>
    %dot_general3A_40 = arith.constant dense<0.000000e+00> : vector<1024x128xf32>
    %dot_general3A_41 = tpu.matmul %dot_general3A_31, %get3A_39, %dot_general3A_40 {dimension_numbers = #tpu.dot_dimension_numbers<[1], [1], [0], [0], [0, 0, 1, 0], [], []>, transpose_lhs_hint = false} : vector<1024x64xf32>, vector<128x64xf32>, vector<1024x128xf32> -> vector<1024x128xf32>
    %sub3A = vector.broadcast %get3A_13 : vector<1x128xf32> to vector<1024x128xf32>
    %sub3A_42 = arith.subf %sub3A, %dot_general3A_26 : vector<1024x128xf32>
    %mul3A_43 = vector.broadcast %get3A_16 : vector<1x128xf32> to vector<1024x128xf32>
    %mul3A_44 = arith.mulf %sub3A_42, %mul3A_43 : vector<1024x128xf32>
    %mul3A_45 = vector.broadcast %get3A_19 : vector<1x128xf32> to vector<1024x128xf32>
    %mul3A_46 = arith.mulf %mul3A_45, %sub3A_42 : vector<1024x128xf32>
    %add3A = vector.broadcast %get3A_7 : vector<1x128xf32> to vector<1024x128xf32>
    %add3A_47 = arith.addf %add3A, %mul3A_46 : vector<1024x128xf32>
    %abs3A = math.absf %mul3A_44 : vector<1024x128xf32>
    %mul3A_48 = arith.constant 5.000000e-01 : f32
    %mul3A_49 = vector.broadcast %mul3A_48 : f32 to vector<1024x128xf32>
    %mul3A_50 = arith.mulf %mul3A_49, %abs3A : vector<1024x128xf32>
    %add3A_51 = arith.constant 1.000000e+00 : f32
    %add3A_52 = vector.broadcast %add3A_51 : f32 to vector<1024x128xf32>
    %add3A_53 = arith.addf %add3A_52, %mul3A_50 : vector<1024x128xf32>
    %div3A = arith.constant 1.000000e+00 : f32
    %div3A_54 = vector.broadcast %div3A : f32 to vector<1024x128xf32>
    %div3A_55 = arith.divf %div3A_54, %add3A_53 : vector<1024x128xf32>
    %mul3A_56 = arith.constant 0.170872763 : f32
    %mul3A_57 = vector.broadcast %mul3A_56 : f32 to vector<1024x128xf32>
    %mul3A_58 = arith.mulf %div3A_55, %mul3A_57 : vector<1024x128xf32>
    %add3A_59 = arith.constant -0.822152256 : f32
    %add3A_60 = vector.broadcast %add3A_59 : f32 to vector<1024x128xf32>
    %add3A_61 = arith.addf %add3A_60, %mul3A_58 : vector<1024x128xf32>
    %mul3A_62 = arith.mulf %div3A_55, %add3A_61 : vector<1024x128xf32>
    %add3A_63 = arith.constant 1.48851585 : f32
    %add3A_64 = vector.broadcast %add3A_63 : f32 to vector<1024x128xf32>
    %add3A_65 = arith.addf %add3A_64, %mul3A_62 : vector<1024x128xf32>
    %mul3A_66 = arith.mulf %div3A_55, %add3A_65 : vector<1024x128xf32>
    %add3A_67 = arith.constant -1.13520396 : f32
    %add3A_68 = vector.broadcast %add3A_67 : f32 to vector<1024x128xf32>
    %add3A_69 = arith.addf %add3A_68, %mul3A_66 : vector<1024x128xf32>
    %mul3A_70 = arith.mulf %div3A_55, %add3A_69 : vector<1024x128xf32>
    %add3A_71 = arith.constant 0.278868079 : f32
    %add3A_72 = vector.broadcast %add3A_71 : f32 to vector<1024x128xf32>
    %add3A_73 = arith.addf %add3A_72, %mul3A_70 : vector<1024x128xf32>
    %mul3A_74 = arith.mulf %div3A_55, %add3A_73 : vector<1024x128xf32>
    %add3A_75 = arith.constant -0.186288059 : f32
    %add3A_76 = vector.broadcast %add3A_75 : f32 to vector<1024x128xf32>
    %add3A_77 = arith.addf %add3A_76, %mul3A_74 : vector<1024x128xf32>
    %mul3A_78 = arith.mulf %div3A_55, %add3A_77 : vector<1024x128xf32>
    %add3A_79 = arith.constant 0.0967841818 : f32
    %add3A_80 = vector.broadcast %add3A_79 : f32 to vector<1024x128xf32>
    %add3A_81 = arith.addf %add3A_80, %mul3A_78 : vector<1024x128xf32>
    %mul3A_82 = arith.mulf %div3A_55, %add3A_81 : vector<1024x128xf32>
    %add3A_83 = arith.constant 0.374091953 : f32
    %add3A_84 = vector.broadcast %add3A_83 : f32 to vector<1024x128xf32>
    %add3A_85 = arith.addf %add3A_84, %mul3A_82 : vector<1024x128xf32>
    %mul3A_86 = arith.mulf %div3A_55, %add3A_85 : vector<1024x128xf32>
    %add3A_87 = arith.constant 1.00002372 : f32
    %add3A_88 = vector.broadcast %add3A_87 : f32 to vector<1024x128xf32>
    %add3A_89 = arith.addf %add3A_88, %mul3A_86 : vector<1024x128xf32>
    %mul3A_90 = arith.mulf %div3A_55, %add3A_89 : vector<1024x128xf32>
    %sub3A_91 = arith.constant 1.26551223 : f32
    %sub3A_92 = vector.broadcast %sub3A_91 : f32 to vector<1024x128xf32>
    %sub3A_93 = arith.subf %mul3A_90, %sub3A_92 : vector<1024x128xf32>
    %mul3A_94 = arith.mulf %mul3A_44, %mul3A_44 : vector<1024x128xf32>
    %sub3A_95 = arith.subf %sub3A_93, %mul3A_94 : vector<1024x128xf32>
    %ge3A = arith.constant 0.000000e+00 : f32
    %ge3A_96 = vector.broadcast %ge3A : f32 to vector<1024x128xf32>
    %ge3A_97 = arith.cmpf oge, %mul3A_44, %ge3A_96 : vector<1024x128xf32>
    %exp3A = math.exp %sub3A_95 : vector<1024x128xf32>
    %mul3A_98 = arith.mulf %div3A_55, %exp3A : vector<1024x128xf32>
    %sub3A_99 = arith.constant 2.000000e+00 : f32
    %sub3A_100 = vector.broadcast %sub3A_99 : f32 to vector<1024x128xf32>
    %sub3A_101 = arith.subf %sub3A_100, %mul3A_98 : vector<1024x128xf32>
    %select_n3A = arith.select %ge3A_97, %div3A_55, %sub3A_101 : vector<1024x128xi1>, vector<1024x128xf32>
    %log3A = math.log %select_n3A : vector<1024x128xf32>
    %jit3A = arith.constant 0.000000e+00 : f32
    %broadcast_in_dim3A_102 = vector.broadcast %jit3A : f32 to vector<1024x128xf32>
    %select_n3A_103 = arith.select %ge3A_97, %sub3A_95, %broadcast_in_dim3A_102 : vector<1024x128xi1>, vector<1024x128xf32>
    %add3A_104 = arith.addf %log3A, %select_n3A_103 : vector<1024x128xf32>
    %add3A_105 = arith.addf %add3A_47, %add3A_104 : vector<1024x128xf32>
    %mul3A_106 = arith.mulf %dot_general3A_26, %dot_general3A_26 : vector<1024x128xf32>
    %mul3A_107 = vector.broadcast %get3A_10 : vector<1x128xf32> to vector<1024x128xf32>
    %mul3A_108 = arith.mulf %mul3A_106, %mul3A_107 : vector<1024x128xf32>
    %add3A_109 = arith.addf %add3A_105, %mul3A_108 : vector<1024x128xf32>
    %sub3A_110 = arith.subf %add3A_109, %dot_general3A_36 : vector<1024x128xf32>
    %swap3A = arith.constant 0 : index
    %swap3A_111 = arith.constant 0 : index
    %swap3A_112 = vector.load %arg4[%swap3A, %swap3A_111] : memref<1024x128xf32, #tpu.memory_space<vmem>>, vector<1024x128xf32>
    tpu.vector_store %arg4[%swap3A, %swap3A_111], %sub3A_110 {strides = array<i32>} : memref<1024x128xf32, #tpu.memory_space<vmem>>, vector<1024x128xf32>,
    %add3A_113 = vector.broadcast %get3A_22 : vector<1x128xf32> to vector<1024x128xf32>
    %add3A_114 = arith.addf %dot_general3A_41, %add3A_113 : vector<1024x128xf32>
    %swap3A_115 = arith.constant 0 : index
    %swap3A_116 = arith.constant 0 : index
    %swap3A_117 = vector.load %arg5[%swap3A_115, %swap3A_116] : memref<1024x128xf32, #tpu.memory_space<vmem>>, vector<1024x128xf32>
    tpu.vector_store %arg5[%swap3A_115, %swap3A_116], %add3A_114 {strides = array<i32>} : memref<1024x128xf32, #tpu.memory_space<vmem>>, vector<1024x128xf32>,
    return
  }
  func.func @transform_0(%arg0: i32) -> (i32, i32) {
    %c0_i32 = arith.constant 0 : i32
    %c0_i32_0 = arith.constant 0 : i32
    return %arg0, %c0_i32 : i32, i32
  }
  func.func @transform_1(%arg0: i32) -> (i32, i32) {
    %c0_i32 = arith.constant 0 : i32
    %c0_i32_0 = arith.constant 0 : i32
    %c0_i32_1 = arith.constant 0 : i32
    return %c0_i32, %c0_i32_0 : i32, i32
  }
  func.func @transform_2(%arg0: i32) -> (i32, i32) {
    %c0_i32 = arith.constant 0 : i32
    %c0_i32_0 = arith.constant 0 : i32
    %c0_i32_1 = arith.constant 0 : i32
    return %c0_i32, %c0_i32_0 : i32, i32
  }
  func.func @transform_3(%arg0: i32) -> (i32, i32) {
    %c0_i32 = arith.constant 0 : i32
    %c0_i32_0 = arith.constant 0 : i32
    return %arg0, %c0_i32 : i32, i32
  }
  func.func @transform_4(%arg0: i32) -> (i32, i32) {
    %c0_i32 = arith.constant 0 : i32
    %c0_i32_0 = arith.constant 0 : i32
    return %arg0, %c0_i32 : i32, i32
  }
}

</mosaic_0001>

<sc_bundles>
// kernel: kernel.5.cloned.1.call-start
scs
__scs_entry_jumppad:
0x0: {  	(pc) =	sbr.rel $0x88, $3  }
0x1: {  	(tag) =	ssettag $0x0;
	lr =	simm.s32 $0x1  }
0x2: {  	[smem:$0x3F98] =	sst lr;
	_ =	strace $0xD0000000  }
0x3: {  	_ = 	snop  }
0x4: {  	_ = 	snop  }
0x5: {  	_ = 	snop  }
0x6: {  	_ = 	snop  }
0x7: {  	_ = 	snop  }
__scs_overlays_trampoline_lowered:
0x8: {  	[smem:$0x3FA7] =	sst s0  }
0x9: {  	[smem:$0x3FA8] =	sst s1  }
0xa: {  	[smem:$0x3FA9] =	sst s2  }
0xb: {  	[smem:$0x3FAA] =	sst s3  }
0xc: {  	[smem:$0x3FAB] =	sst s4  }
0xd: {  	[smem:$0x3FAC] =	sst s5  }
0xe: {  	[smem:$0x3FAD] =	sst s6  }
0xf: {  	[smem:$0x3FAE] =	sst s7  }
0x10: {  	[smem:$0x3FAF] =	sst s8  }
0x11: {  	[smem:$0x3FB0] =	sst s9;
	s0 =	simm.s32 @!p0 $0x0  }
0x12: {  	s1 =	sld [smem:$0x3F96];
	s0 =	simm.s32 @p0 $0x1  }
0x13: {  	[smem:$0x3FB1] =	sst s0;
	s0 =	simm.s32 @!p1 $0x0  }
0x14: {  	s2 =	sld [smem:$0x3F95];
	s0 =	simm.s32 @p1 $0x1  }
0x15: {  	[smem:$0x3FB2] =	sst s0;
	s0 =	simm.s32 @!p2 $0x0  }
0x16: {  	s3 =	sld [smem:$0x3FDB];
	s0 =	simm.s32 @p2 $0x1  }
0x17: {  	s4 =	simm.s32 $0x1BF5;
	[smem:$0x3FB4] =	sst s0  }
0x18: {  	s0 =	sld [smem:$0x3F97];
	_ =	swait.ge [sflag:s4], $0x0  }
0x19: {  	s7 =	sld [smem:$0x3F98]  }
0x1a: {  	s8 =	sadd.s32 $0xFFFFE003, lr  }
0x1b: {  	s9 =	sadd.s32 $0xFFFFFEF7, lr;
	s5 =	simm.s32 $0xFFFFFFFF;
	p2 =	slt.u32 s8, $0xFFFFF086  }
0x1c: {  	p1 =	slt.u32 s9, $0xF7A;
	s5 =	simm.s32 @!p2 $0x0  }
0x1d: {  	s5 =	simm.s32 @p1 $0x1;
	p0 =	seq.s32 s7, s2  }
0x1e: {  	s7 =	smul.u32 @!p0 $0xF7A, s2;
	p2 =	seq.s32 @!p0 s5, $0x0  }
0x1f: {  	s9 =	smul.u32 $0xF7A, s1;
	s8 =	simm.s32 @!p0 $0x1BF5;
	p2 =	por !p2, p0  }
0x20: {  	[sflag:s8] =	ssyncset.s32 @!p0 $0xFFFFF086;
	s6 =	sadd.s32 @!p0 s3, s7;
	s7 =	simm.s32 @!p0 $0x108  }
0x21: {  	s3 =	sadd.s32 s3, s9;
	s6 =	sadd.s32 @!p0 $0x88, s6;
	s7 =	simm.s32 @p2 $0x1082  }
0x22: {  	[simem:s7], [sflag:s8] =	dma.local @!p0 [hbm:s6], $0xF7A  }
0x23: {  	s9 =	sor.u32 $0xD0000000, s2;
	s6 =	simm.s32 $0x108;
	_ =	swait.ge @!p0 [sflag:s8], $0x0  }
0x24: {  	s3 =	sadd.s32 $0x88, s3;
	s6 =	simm.s32 @!p1 $0x1082;
	[sflag:s4] =	ssyncset.s32 $0xFFFFF086  }
0x25: {  	[simem:s6], [sflag:s4] =	dma.local [hbm:s3], $0xF7A  }
0x26: {  	[smem:$0x3F98] =	sst s1;
	(tag) =	ssettag s2;
	_ =	strace s9  }
0x27: {  	s1 =	sld [smem:$0x3FA8]  }
0x28: {  	s2 =	sld [smem:$0x3FA9]  }
0x29: {  	s4 =	sld [smem:$0x3FAB]  }
0x2a: {  	p0 =	seq.s32 s5, $0x0;
	s5 =	sld [smem:$0x3FAC]  }
0x2b: {  	s6 =	sld [smem:$0x3FAD]  }
0x2c: {  	s7 =	sld [smem:$0x3FAE]  }
0x2d: {  	s3 =	simm.s32 $0x108;
	s8 =	sld [smem:$0x3FAF]  }
0x2e: {  	s3 =	simm.s32 @!p0 $0x1082;
	s9 =	sld [smem:$0x3FB0]  }
0x2f: {  	lr =	sadd.s32 s0, s3;
	s0 =	sld [smem:$0x3FA7]  }
0x30: {  	s3 =	sld [smem:$0x3FAA]  }
0x31: {  	[smem:$0x3FB3] =	sst s10  }
0x32: {  	s10 =	sld [smem:$0x3FB1];
	_ =	sdelay $0x3  }
0x33: {  	p0 =	seq.s32 s10, $0x1;
	s10 =	sld [smem:$0x3FB3];
	_ =	sdelay $0x3  }
0x34: {  	[smem:$0x3FB3] =	sst s10  }
0x35: {  	s10 =	sld [smem:$0x3FB2];
	_ =	sdelay $0x3  }
0x36: {  	p1 =	seq.s32 s10, $0x1;
	s10 =	sld [smem:$0x3FB3];
	_ =	sdelay $0x3  }
0x37: {  	[smem:$0x3FB3] =	sst s10  }
0x38: {  	s10 =	sld [smem:$0x3FB4]  }
0x39: {  	_ = 	snop;
	(pc) =	sbr.ind lr, $3  }
0x3a: {  	_ = 	snop  }
0x3b: {  	_ = 	snop  }
0x3c: {  	p2 =	seq.s32 s10, $0x1;
	s10 =	sld [smem:$0x3FB3]  }
0x3d: {  	_ =	shalt  }
0x3e: {  	_ =	shalt  }
0x3f: {  	_ =	shalt  }
0x40: {  	_ =	shalt  }
0x41: {  	_ =	shalt  }
0x42: {  	_ =	shalt  }
0x43: {  	_ =	shalt  }
0x44: {  	_ =	shalt  }
0x45: {  	_ =	shalt  }
0x46: {  	_ =	shalt  }
0x47: {  	_ =	shalt  }
0x48: {  	_ =	shalt  }
0x49: {  	_ =	shalt  }
0x4a: {  	_ =	shalt  }
0x4b: {  	_ =	shalt  }
0x4c: {  	_ =	shalt  }
0x4d: {  	_ =	shalt  }
0x4e: {  	_ =	shalt  }
0x4f: {  	_ =	shalt  }
0x50: {  	_ =	shalt  }
0x51: {  	_ =	shalt  }
0x52: {  	_ =	shalt  }
0x53: {  	_ =	shalt  }
0x54: {  	_ =	shalt  }
0x55: {  	_ =	shalt  }
0x56: {  	_ =	shalt  }
0x57: {  	_ =	shalt  }
0x58: {  	_ =	shalt  }
0x59: {  	_ =	shalt  }
0x5a: {  	_ =	shalt  }
0x5b: {  	_ =	shalt  }
0x5c: {  	_ =	shalt  }
0x5d: {  	_ =	shalt  }
0x5e: {  	_ =	shalt  }
0x5f: {  	_ =	shalt  }
0x60: {  	_ =	shalt  }
0x61: {  	_ =	shalt  }
0x62: {  	_ =	shalt  }
0x63: {  	_ =	shalt  }
0x64: {  	_ =	shalt  }
0x65: {  	_ =	shalt  }
0x66: {  	_ =	shalt  }
0x67: {  	_ =	shalt  }
0x68: {  	_ =	shalt  }
0x69: {  	_ =	shalt  }
0x6a: {  	_ =	shalt  }
0x6b: {  	_ =	shalt  }
0x6c: {  	_ =	shalt  }
0x6d: {  	_ =	shalt  }
0x6e: {  	_ =	shalt  }
0x6f: {  	_ =	shalt  }
0x70: {  	_ =	shalt  }
0x71: {  	_ =	shalt  }
0x72: {  	_ =	shalt  }
0x73: {  	_ =	shalt  }
0x74: {  	_ =	shalt  }
0x75: {  	_ =	shalt  }
0x76: {  	_ =	shalt  }
0x77: {  	_ =	shalt  }
0x78: {  	_ =	shalt  }
0x79: {  	_ =	shalt  }
0x7a: {  	_ =	shalt  }
0x7b: {  	_ =	shalt  }
0x7c: {  	_ =	shalt  }
0x7d: {  	_ =	shalt  }
0x7e: {  	_ =	shalt  }
0x7f: {  	_ =	shalt  }
0x80: {  	_ =	shalt  }
0x81: {  	_ =	shalt  }
0x82: {  	_ =	shalt  }
0x83: {  	_ =	shalt  }
0x84: {  	_ =	shalt  }
0x85: {  	_ =	shalt  }
0x86: {  	_ =	shalt  }
0x87: {  	_ =	shalt  }
.Lfunc_end0:
.L_simem_size_0:
called_computation_lowered:
.L_overlay_start_0:
0x88: {  	s2 =	sld [smem:$0x3FD9]  }
0x89: {  	s3 =	sld [smem:$0x3FFE];
	_ =	sdelay $0x1  }
0x8a: {  	s1 =	srdreg.scid  }
0x8b: {  	s0 =	sand.u32 $0x1, s1  }
0x8c: {  	s17 =	sshll.u32 s0, $0xA;
	s2 =	sadd.s32 s3, s2  }
0x8d: {  	s2 =	sadd.s32 s2, s17  }
0x8e: {  	[smem:$0x3FBF] =	sst s2  }
0x8f: {  	_ = 	snop  }
0x90: {  	s2 =	sld [smem:$0x3FC8];
	(tm) =	ssettm $0x1  }
0x91: {  	s18 =	sld [smem:$0x3FFB];
	_ =	sdelay $0x3  }
0x92: {  	_ =	strace s18  }
0x93: {  	s3 =	sld [smem:$0x3FFC];
	_ =	sdelay $0x3  }
0x94: {  	_ =	strace s3  }
0x95: {  	s3 =	sld [smem:$0x3FFD];
	_ =	sdelay $0x3  }
0x96: {  	_ =	strace s3  }
0x97: {  	_ =	strace $0x8FFFFFFF  }
0x98: {  	s19 =	sld [smem:$0x3FDB];
	_ =	sdelay $0x1  }
0x99: {  	s4 =	simm.s32 $_scs_section_size  }
0x9a: {  	s5 =	simm.s32 $_size__tile_overlayer_lowered;
	s6 =	simm.s32 $_tile_overlayer_lowered  }
0x9b: {  	s22 =	simm.s32 $0x1BFF;
	s21 =	sshll.u32 s6, $0x1;
	s3 =	sadd.s32 s4, s19  }
0x9c: {  	s7 =	simm.s32 $0x0;
	s20 =	sshll.u32 s5, $0x1;
	s5 =	sadd.s32 s21, s3  }
0x9d: {  	[timem:s7], [sflag:s22] =	dma.local [hbm:s5], s20  }
0x9e: {  	_ =	swait.ge [sflag:s22], s20  }
0x9f: {  	s4 =	ssub.s32 $0x0, s20;
	[sflag:s22] =	ssyncset.done $0x0  }
0xa0: {  	[sflag:s22] =	ssyncadd.s32 s4;
	_ =	sdelay $0x1  }
0xa1: {  	s23 =	simm.s32 $0x1B8B  }
0xa2: {  	_ =	swait.ge [sflag:s23], $0x1  }
0xa3: {  	[sflag:s23] =	ssyncset.done $0x0  }
0xa4: {  	s25 =	simm.s32 $0x1B8E;
	s24 =	sld [smem:$0x3FFE];
	[sflag:s23] =	ssyncadd.s32 $0xFFFFFFFF  }
0xa5: {  	s26 =	simm.s32 $execute0_lowered;
	[smem:$0x3FD2] =	sst s25  }
0xa6: {  	s5 =	sshll.u32 s26, $0x1;
	_ =	strace $0x80000046;
	[dreg:$0x1] =	wrdreg $0xFFFFFFFF  }
0xa7: {  	s28 =	simm.s32 $_size_execute0_lowered;
	s3 =	sadd.s32 s3, s5;
	[dreg:$0x0] =	wrdreg $0x0  }
0xa8: {  	s5 =	sshll.u32 s28, $0x1;
	[dreg:$0x2] =	wrdreg s3  }
0xa9: {  	[dreg:$0x3] =	wrdreg s5  }
0xaa: {  	[dreg:$0x4] =	wrdreg $0xC0  }
0xab: {  	_ =	task [dreg:s7], $0x5FFFF  }
0xac: {  	[dreg:$0x1] =	wrdreg $0xFFFFFFFF  }
0xad: {  	[dreg:$0x0] =	wrdreg $0x60  }
0xae: {  	[dreg:$0x2] =	wrdreg s24  }
0xaf: {  	[dreg:$0x3] =	wrdreg s2  }
0xb0: {  	[dreg:$0x4] =	wrdreg $0x9  }
0xb1: {  	_ =	task.clear_ibuf [dreg:s7], $0x5FFFF;
	_ =	strace $0x90000046  }
0xb2: {  	s29 =	simm.s32 $0x9;
	_ =	strace $0x80000048  }
0xb3: {  	_ =	swait.ge [sflag:s29], $0x1  }
0xb4: {  	[sflag:s29] =	ssyncadd.s32 $0xFFFFFFFF  }
0xb5: {  	_ =	strace $0x90000048  }
0xb6: {  	_ =	sfence  }
0xb7: {  	s30 =	sld [smem:$0x0];
	_ =	sdelay $0x2  }
0xb8: {  	s31 =	sshll.u32 s1, $0xD;
	s1 =	sshrl.u32 s1, $0x2  }
0xb9: {  	s3 =	sand.u32 $0x4000, s31;
	s1 =	sadd.s32 s1, s30  }
0xba: {  	s0 =	sor.u32 s3, s0;
	s1 =	sshll.u32 s1, $0x11  }
0xbb: {  	s0 =	sor.u32 s1, s0  }
0xbc: {  	s0 =	sadd.s32 $0x8F2B, s0  }
0xbd: {  	[sflag:s0] =	ssyncadd.remote.s32 $0x1  }
0xbe: {  	_ =	sfence.sel $0xFFFF  }
0xbf: {  	[dreg:$0x0] =	wrdreg $0xFFFFFFFF;
	(pc) =	sbr.abs _section_cstart, $3  }
0xc0: {  	[dreg:$0x1] =	wrdreg $0xFFFFFFFF  }
0xc1: {  	_ =	task.clear_ibuf [dreg:s7], $0x2FFFF;
	_ =	strace $0x9FFFFFFF  }
0xc2: {  	(tm) =	ssettm $0x7FFFFFFF  }
0xc3: {  	_ =	shalt  }
tec
execute0_lowered:
.L_overlay_start_1:
0x0: {  	(tag) =	ssettag $0x1  }
0x1: {  	s3 =	rddreg [dreg:$0x0]  }
0x2: {  	s4 =	rddreg [dreg:$0x1]  }
0x3: {  	s0 =	rddreg [dreg:$0x2]  }
0x4: {  	s5 =	srdreg.scid;
	s1 =	stileid.u32  }
0x5: {  	s2 =	simm.s32 $0x0;
	s12 =	simm.s32 $0x1;
	s13 =	simm.s32 $0x2000  }
0x6: {  	s14 =	simm.s32 $0x6000;
	s15 =	simm.s32 $0x8400;
	s16 =	simm.s32 $0x2  }
0x7: {  	s17 =	simm.s32 $0x4;
	s18 =	simm.s32 $0x0;
	s5 =	sand.u32 $0x1, s5  }
0x8: {  	s6 =	sshll.u32 s1, $0x1;
	[smem:$0x7FF] =	sst s2;
	s7 =	sadd.s32 $0x1E00, s3  }
0x9: {  	s9 =	sadd.s32 $0x11E00, s3;
	s6 =	sor.u32 s5, s6;
	s30 =	ssub.s32 $0x2, s5  }
0xa: {  	_ =	strace $0x80000047;
	s8 =	sshll.u32 s6, $0x8;
	s5 =	sshrl.u32 s30, $0x1  }
.Ltmp0:
0xb: {  	s10 =	sshll.u32 s6, $0x7;
	s6 =	sshll.u32 s6, $0xB;
	(pc) =	sbr.rel .LBB2_1-.Ltmp0, $4  }
0xc: {  	v2 =	vimm.s32 $0x0;
	vm0 =	vcmask $0x300;
	s8 =	sadd.s32 s8, s3;
	s11 =	ssub.s32 s30, s5;
	s3 =	sadd.s32 s4, s10  }
0xd: {  	v0 =	vimm.f32 $0.0e+00;
	v1 =	vlaneseq.u32;
	v2 =	vsel vm0, $0x7, v2;
	s31 =	sor.u32 $0x400, s6;
	s4 =	sadd.s32 s7, s6;
	s5 =	sadd.s32 s9, s6  }
0xe: {  	v3 =	vor.u32 $0x200, v1;
	v4 =	vor.u32 $0x400, v1;
	v5 =	vor.u32 $0x600, v1;
	s10 =	simm.s32 $0x4000;
	s6 =	sadd.s32 s7, s31;
	s7 =	sadd.s32 s9, s31  }
0xf: {  	v6 =	vand.u32 $0x7, v1;
	v7 =	vor.u32 $0x8, v1;
	v8 =	vor.u32 $0x100, v1;
	s8 =	sadd.s32 $0x21E00, s8;
	s9 =	smax.u32 s11, $0x1;
	s11 =	simm.s32 $0x3  }
.LBB2_11:
0x10: {  	s18 =	sadd.s32 $0x1, s18  }
0x11: {  	p0 =	sne.s32 s18, s9  }
.Ltmp1:
0x12: {  	_ = 	snop;
	(pc) =	sbr.rel @!p0 .LBB2_12-.Ltmp1, $4  }
0x13: {  	[hbm4b:s8+s2] =	stream.linear.scatter [tilespmem:s15], [sflag:$0x4], $0x800, $0x38;
	[tilespmem:$0x8C00] =	vst v63  }
0x14: {  	_ =	swait.ge [sflag:s17], $0x800  }
0x15: {  	[sflag:s17] =	ssyncset.done $0x0  }
0x16: {  	[sflag:s17] =	ssyncadd.s32 $0xFFFFF800  }
.LBB2_1:
0x17: {  	s19 =	simm.s32 $0x8000  }
0x18: {  	[tilespmem:s19], [sflag:$0x3] =	stream.linear.gather [hbm4b:s3+s2], $0x400, $0x38;
	[tilespmem:$0x8C00] =	vst v63  }
0x19: {  	_ = 	snop  }
0x1a: {  	[tilespmem:s2], [sflag:$0x1] =	stream.linear.gather [hbm4b:s4+s2], $0x2000, $0x38;
	[tilespmem:$0x8C00] =	vst v63  }
0x1b: {  	_ = 	snop  }
0x1c: {  	[tilespmem:s10], [sflag:$0x1] =	stream.linear.gather [hbm4b:s5+s2], $0x2000, $0x38;
	[tilespmem:$0x8C00] =	vst v63  }
0x1d: {  	[tilespmem:$0x8400] =	vst v0  }
0x1e: {  	[tilespmem:$0x8410] =	vst v0  }
0x1f: {  	[tilespmem:$0x8420] =	vst v0  }
0x20: {  	[tilespmem:$0x8430] =	vst v0  }
0x21: {  	[tilespmem:$0x8440] =	vst v0  }
0x22: {  	[tilespmem:$0x8450] =	vst v0  }
0x23: {  	[tilespmem:$0x8460] =	vst v0  }
0x24: {  	[tilespmem:$0x8470] =	vst v0  }
0x25: {  	[tilespmem:$0x8480] =	vst v0  }
0x26: {  	[tilespmem:$0x8490] =	vst v0  }
0x27: {  	[tilespmem:$0x84A0] =	vst v0  }
0x28: {  	[tilespmem:$0x84B0] =	vst v0  }
0x29: {  	[tilespmem:$0x84C0] =	vst v0  }
0x2a: {  	[tilespmem:$0x84D0] =	vst v0  }
0x2b: {  	[tilespmem:$0x84E0] =	vst v0  }
0x2c: {  	[tilespmem:$0x84F0] =	vst v0  }
0x2d: {  	[tilespmem:$0x8500] =	vst v0  }
0x2e: {  	[tilespmem:$0x8510] =	vst v0  }
0x2f: {  	[tilespmem:$0x8520] =	vst v0  }
0x30: {  	[tilespmem:$0x8530] =	vst v0  }
0x31: {  	[tilespmem:$0x8540] =	vst v0  }
0x32: {  	[tilespmem:$0x8550] =	vst v0  }
0x33: {  	[tilespmem:$0x8560] =	vst v0  }
0x34: {  	[tilespmem:$0x8570] =	vst v0  }
0x35: {  	[tilespmem:$0x8580] =	vst v0  }
0x36: {  	[tilespmem:$0x8590] =	vst v0  }
0x37: {  	[tilespmem:$0x85A0] =	vst v0  }
0x38: {  	[tilespmem:$0x85B0] =	vst v0  }
0x39: {  	[tilespmem:$0x85C0] =	vst v0  }
0x3a: {  	[tilespmem:$0x85D0] =	vst v0  }
0x3b: {  	[tilespmem:$0x85E0] =	vst v0  }
0x3c: {  	[tilespmem:$0x85F0] =	vst v0  }
0x3d: {  	[tilespmem:$0x8600] =	vst v0  }
0x3e: {  	[tilespmem:$0x8610] =	vst v0  }
0x3f: {  	[tilespmem:$0x8620] =	vst v0  }
0x40: {  	[tilespmem:$0x8630] =	vst v0  }
0x41: {  	[tilespmem:$0x8640] =	vst v0  }
0x42: {  	[tilespmem:$0x8650] =	vst v0  }
0x43: {  	[tilespmem:$0x8660] =	vst v0  }
0x44: {  	[tilespmem:$0x8670] =	vst v0  }
0x45: {  	[tilespmem:$0x8680] =	vst v0  }
0x46: {  	[tilespmem:$0x8690] =	vst v0  }
0x47: {  	[tilespmem:$0x86A0] =	vst v0  }
0x48: {  	[tilespmem:$0x86B0] =	vst v0  }
0x49: {  	[tilespmem:$0x86C0] =	vst v0  }
0x4a: {  	[tilespmem:$0x86D0] =	vst v0  }
0x4b: {  	[tilespmem:$0x86E0] =	vst v0  }
0x4c: {  	[tilespmem:$0x86F0] =	vst v0  }
0x4d: {  	[tilespmem:$0x8700] =	vst v0  }
0x4e: {  	[tilespmem:$0x8710] =	vst v0  }
0x4f: {  	[tilespmem:$0x8720] =	vst v0  }
0x50: {  	[tilespmem:$0x8730] =	vst v0  }
0x51: {  	[tilespmem:$0x8740] =	vst v0  }
0x52: {  	[tilespmem:$0x8750] =	vst v0  }
0x53: {  	[tilespmem:$0x8760] =	vst v0  }
0x54: {  	[tilespmem:$0x8770] =	vst v0  }
0x55: {  	[tilespmem:$0x8780] =	vst v0  }
0x56: {  	[tilespmem:$0x8790] =	vst v0  }
0x57: {  	[tilespmem:$0x87A0] =	vst v0  }
0x58: {  	[tilespmem:$0x87B0] =	vst v0  }
0x59: {  	[tilespmem:$0x87C0] =	vst v0  }
0x5a: {  	[tilespmem:$0x87D0] =	vst v0  }
0x5b: {  	[tilespmem:$0x87E0] =	vst v0  }
0x5c: {  	[tilespmem:$0x87F0] =	vst v0  }
0x5d: {  	[tilespmem:$0x8800] =	vst v0  }
0x5e: {  	[tilespmem:$0x8810] =	vst v0  }
0x5f: {  	[tilespmem:$0x8820] =	vst v0  }
0x60: {  	[tilespmem:$0x8830] =	vst v0  }
0x61: {  	[tilespmem:$0x8840] =	vst v0  }
0x62: {  	[tilespmem:$0x8850] =	vst v0  }
0x63: {  	[tilespmem:$0x8860] =	vst v0  }
0x64: {  	[tilespmem:$0x8870] =	vst v0  }
0x65: {  	[tilespmem:$0x8880] =	vst v0  }
0x66: {  	[tilespmem:$0x8890] =	vst v0  }
0x67: {  	[tilespmem:$0x88A0] =	vst v0  }
0x68: {  	[tilespmem:$0x88B0] =	vst v0  }
0x69: {  	[tilespmem:$0x88C0] =	vst v0  }
0x6a: {  	[tilespmem:$0x88D0] =	vst v0  }
0x6b: {  	[tilespmem:$0x88E0] =	vst v0  }
0x6c: {  	[tilespmem:$0x88F0] =	vst v0  }
0x6d: {  	[tilespmem:$0x8900] =	vst v0  }
0x6e: {  	[tilespmem:$0x8910] =	vst v0  }
0x6f: {  	[tilespmem:$0x8920] =	vst v0  }
0x70: {  	[tilespmem:$0x8930] =	vst v0  }
0x71: {  	[tilespmem:$0x8940] =	vst v0  }
0x72: {  	[tilespmem:$0x8950] =	vst v0  }
0x73: {  	[tilespmem:$0x8960] =	vst v0  }
0x74: {  	[tilespmem:$0x8970] =	vst v0  }
0x75: {  	[tilespmem:$0x8980] =	vst v0  }
0x76: {  	[tilespmem:$0x8990] =	vst v0  }
0x77: {  	[tilespmem:$0x89A0] =	vst v0  }
0x78: {  	[tilespmem:$0x89B0] =	vst v0  }
0x79: {  	[tilespmem:$0x89C0] =	vst v0  }
0x7a: {  	[tilespmem:$0x89D0] =	vst v0  }
0x7b: {  	[tilespmem:$0x89E0] =	vst v0  }
0x7c: {  	[tilespmem:$0x89F0] =	vst v0  }
0x7d: {  	[tilespmem:$0x8A00] =	vst v0  }
0x7e: {  	[tilespmem:$0x8A10] =	vst v0  }
0x7f: {  	[tilespmem:$0x8A20] =	vst v0  }
0x80: {  	[tilespmem:$0x8A30] =	vst v0  }
0x81: {  	[tilespmem:$0x8A40] =	vst v0  }
0x82: {  	[tilespmem:$0x8A50] =	vst v0  }
0x83: {  	[tilespmem:$0x8A60] =	vst v0  }
0x84: {  	[tilespmem:$0x8A70] =	vst v0  }
0x85: {  	[tilespmem:$0x8A80] =	vst v0  }
0x86: {  	[tilespmem:$0x8A90] =	vst v0  }
0x87: {  	[tilespmem:$0x8AA0] =	vst v0  }
0x88: {  	[tilespmem:$0x8AB0] =	vst v0  }
0x89: {  	[tilespmem:$0x8AC0] =	vst v0  }
0x8a: {  	[tilespmem:$0x8AD0] =	vst v0  }
0x8b: {  	[tilespmem:$0x8AE0] =	vst v0  }
0x8c: {  	[tilespmem:$0x8AF0] =	vst v0  }
0x8d: {  	[tilespmem:$0x8B00] =	vst v0  }
0x8e: {  	[tilespmem:$0x8B10] =	vst v0  }
0x8f: {  	[tilespmem:$0x8B20] =	vst v0  }
0x90: {  	[tilespmem:$0x8B30] =	vst v0  }
0x91: {  	[tilespmem:$0x8B40] =	vst v0  }
0x92: {  	[tilespmem:$0x8B50] =	vst v0  }
0x93: {  	[tilespmem:$0x8B60] =	vst v0  }
0x94: {  	[tilespmem:$0x8B70] =	vst v0  }
0x95: {  	[tilespmem:$0x8B80] =	vst v0  }
0x96: {  	[tilespmem:$0x8B90] =	vst v0  }
0x97: {  	[tilespmem:$0x8BA0] =	vst v0  }
0x98: {  	[tilespmem:$0x8BB0] =	vst v0  }
0x99: {  	[tilespmem:$0x8BC0] =	vst v0  }
0x9a: {  	[tilespmem:$0x8BD0] =	vst v0  }
0x9b: {  	[tilespmem:$0x8BE0] =	vst v0  }
0x9c: {  	[tilespmem:$0x8BF0] =	vst v0  }
0x9d: {  	_ =	swait.ge [sflag:s11], $0x400  }
0x9e: {  	[sflag:s11] =	ssyncset.done $0x0  }
0x9f: {  	[sflag:s11] =	ssyncadd.s32 $0xFFFFFC00  }
0xa0: {  	_ =	swait.ge [sflag:s12], $0x2000  }
0xa1: {  	[sflag:s12] =	ssyncset.done $0x0  }
0xa2: {  	[sflag:s12] =	ssyncadd.s32 $0xFFFFE000  }
0xa3: {  	_ =	swait.ge [sflag:s12], $0x2000  }
.Ltmp2:
0xa4: {  	[sflag:s12] =	ssyncset.done $0x0;
	(pc) =	sbr.rel .LBB2_2-.Ltmp2, $4  }
0xa5: {  	[sflag:s12] =	ssyncadd.s32 $0xFFFFE000  }
0xa6: {  	[tilespmem:s13], [sflag:$0x2] =	stream.linear.gather [hbm4b:s6+s2], $0x2000, $0x38;
	[tilespmem:$0x8C00] =	vst v63  }
0xa7: {  	s20 =	simm.s32 $0x0  }
0xa8: {  	[tilespmem:s14], [sflag:$0x2] =	stream.linear.gather [hbm4b:s7+s2], $0x2000, $0x38;
	[tilespmem:$0x8C00] =	vst v63  }
.LBB2_4:
0xa9: {  	s23 =	sshll.u32 s23, $0x4  }
0xaa: {  	v12 =	vld [tilespmem:s22+$0x0];
	v13 =	vor.u32 s23, v1;
	_ =	sdelay $0x2  }
0xab: {  	v14 =	vshll.u32 v11, $0x4  }
0xac: {  	v15 =	vbroadcast v14, $0x1  }
0xad: {  	[tilespmem:v13+s15+$0x0] =	vst.idx.add.f32.msk $0xffff, v12  }
0xae: {  	v34 =	vadd.s32 v3, v15;
	v13 =	vld [tilespmem:s22+$0x10];
	_ =	sdelay $0x3  }
0xaf: {  	v35 =	vbroadcast v14, $0x2  }
0xb0: {  	[tilespmem:v34+s15+$0x0] =	vst.idx.add.f32.msk $0xffff, v13  }
0xb1: {  	v36 =	vadd.s32 v4, v35;
	v13 =	vld [tilespmem:s22+$0x20];
	_ =	sdelay $0x3  }
0xb2: {  	v37 =	vbroadcast v14, $0x3  }
0xb3: {  	[tilespmem:v36+s15+$0x0] =	vst.idx.add.f32.msk $0xffff, v13  }
0xb4: {  	v38 =	vadd.s32 v5, v37;
	v13 =	vld [tilespmem:s22+$0x30];
	_ =	sdelay $0x3  }
0xb5: {  	v39 =	vbroadcast v14, $0x4  }
0xb6: {  	[tilespmem:v38+s15+$0x0] =	vst.idx.add.f32.msk $0xffff, v13  }
0xb7: {  	v40 =	vor.u32 v1, v39;
	v12 =	vld [tilespmem:s22+$0x40];
	_ =	sdelay $0x3  }
0xb8: {  	v41 =	vbroadcast v14, $0x5  }
0xb9: {  	[tilespmem:v40+s15+$0x0] =	vst.idx.add.f32.msk $0xffff, v12  }
0xba: {  	v42 =	vadd.s32 v3, v41;
	v13 =	vld [tilespmem:s22+$0x50];
	_ =	sdelay $0x3  }
0xbb: {  	v43 =	vbroadcast v14, $0x6  }
0xbc: {  	[tilespmem:v42+s15+$0x0] =	vst.idx.add.f32.msk $0xffff, v13  }
0xbd: {  	v44 =	vadd.s32 v4, v43;
	v13 =	vld [tilespmem:s22+$0x60];
	_ =	sdelay $0x3  }
0xbe: {  	v45 =	vbroadcast v14, $0x7  }
0xbf: {  	[tilespmem:v44+s15+$0x0] =	vst.idx.add.f32.msk $0xffff, v13  }
0xc0: {  	v46 =	vadd.s32 v5, v45;
	v13 =	vld [tilespmem:s22+$0x70];
	_ =	sdelay $0x3  }
0xc1: {  	v47 =	vbroadcast v14, $0x8  }
0xc2: {  	[tilespmem:v46+s15+$0x0] =	vst.idx.add.f32.msk $0xffff, v13  }
0xc3: {  	v48 =	vor.u32 v1, v47;
	v12 =	vld [tilespmem:s22+$0x80];
	_ =	sdelay $0x3  }
0xc4: {  	v49 =	vbroadcast v14, $0x9  }
0xc5: {  	[tilespmem:v48+s15+$0x0] =	vst.idx.add.f32.msk $0xffff, v12  }
0xc6: {  	v50 =	vadd.s32 v3, v49;
	v13 =	vld [tilespmem:s22+$0x90];
	_ =	sdelay $0x3  }
0xc7: {  	v51 =	vbroadcast v14, $0xA  }
0xc8: {  	[tilespmem:v50+s15+$0x0] =	vst.idx.add.f32.msk $0xffff, v13  }
0xc9: {  	v52 =	vadd.s32 v4, v51;
	v13 =	vld [tilespmem:s22+$0xA0];
	_ =	sdelay $0x3  }
0xca: {  	v53 =	vbroadcast v14, $0xB  }
0xcb: {  	[tilespmem:v52+s15+$0x0] =	vst.idx.add.f32.msk $0xffff, v13  }
0xcc: {  	v54 =	vadd.s32 v5, v53;
	v13 =	vld [tilespmem:s22+$0xB0];
	_ =	sdelay $0x3  }
0xcd: {  	v55 =	vbroadcast v14, $0xC  }
0xce: {  	[tilespmem:v54+s15+$0x0] =	vst.idx.add.f32.msk $0xffff, v13  }
0xcf: {  	v56 =	vor.u32 v1, v55;
	v12 =	vld [tilespmem:s22+$0xC0];
	_ =	sdelay $0x1  }
0xd0: {  	(v2sf) =	vpush v14, $0xF;
	_ =	sdelay $0x1  }
0xd1: {  	v57 =	vbroadcast v14, $0xD  }
0xd2: {  	[tilespmem:v56+s15+$0x0] =	vst.idx.add.f32.msk $0xffff, v12  }
0xd3: {  	v58 =	vadd.s32 v3, v57;
	v13 =	vld [tilespmem:s22+$0xD0];
	_ =	sdelay $0x3  }
0xd4: {  	v14 =	vbroadcast v14, $0xE  }
0xd5: {  	[tilespmem:v58+s15+$0x0] =	vst.idx.add.f32.msk $0xffff, v13  }
0xd6: {  	v59 =	vadd.s32 v4, v14;
	v13 =	vld [tilespmem:s22+$0xE0];
	_ =	sdelay $0x2  }
0xd7: {  	v60 =	vperm.xlane v11, v6  }
0xd8: {  	v11 =	vperm.xlane v11, v7  }
0xd9: {  	v61 =	vshll.u32 v60, $0x4;
	s30 =	spop (v2sf);
	[tilespmem:v59+s15+$0x0] =	vst.idx.add.f32.msk $0xffff, v13  }
0xda: {  	s31 =	sor.u32 $0x200, s21;
	v11 =	vshll.u32 v11, $0x4;
	v62 =	vadd.s32 s30, v5;
	v12 =	vadd.s32 s21, v61;
	v63 =	vld [tilespmem:s22+$0xF0]  }
0xdb: {  	v11 =	vadd.s32 s31, v11;
	v12 =	vadd.s32 v8, v12  }
0xdc: {  	v11 =	vadd.s32 v8, v11;
	_ =	sdelay $0x2  }
0xdd: {  	[tilespmem:v62+s15+$0x0] =	vst.idx.add.f32.msk $0xffff, v63  }
0xde: {  	[tilespmem:v12+s15+$0x0] =	vst.idx.add.f32.msk $0xffff, v9  }
0xdf: {  	[tilespmem:v11+s15+$0x0] =	vst.idx.add.f32.msk $0xffff, v10  }
.LBB2_5:
0xe0: {  	s20 =	sadd.s32 $0x400, s20  }
0xe1: {  	p0 =	sne.s32 s20, $0x8000  }
.Ltmp3:
0xe2: {  	_ = 	snop;
	(pc) =	sbr.rel @!p0 .LBB2_6-.Ltmp3, $2  }
0xe3: {  	_ =	sdelay $0x2  }
0xe4: {  	s19 =	sadd.s32 $0x10, s19  }
.LBB2_2:
0xe5: {  	v11 =	vld [tilespmem:s19+$0x0];
	_ =	sdelay $0x4  }
0xe6: {  	v9 =	vbroadcast v11, $0x0;
	_ =	sdelay $0x1  }
0xe7: {  	vm0 =	veq.s32 v11, v9  }
0xe8: {  	v9 =	vmpcnt.ones.xlane vm0  }
0xe9: {  	(v2sf) =	vpush v11, $0x0  }
0xea: {  	(v2sf) =	vpush v9, $0x0;
	_ =	sdelay $0xd  }
0xeb: {  	s23 =	spop (v2sf)  }
0xec: {  	s21 =	spop (v2sf)  }
0xed: {  	p0 =	sne.s32 s21, $0x10  }
.Ltmp4:
0xee: {  	_ = 	snop;
	(pc) =	sbr.rel @p0 .LBB2_4-.Ltmp4, $4  }
0xef: {  	_ = 	snop  }
0xf0: {  	s22 =	sshra.s32 s20, $0x2  }
0xf1: {  	v10 =	vld [tilespmem:s22+$0x4080]  }
0xf2: {  	v9 =	vld [tilespmem:s22+$0x4000];
	s21 =	sand.u32 $0x400, s20  }
0xf3: {  	v11 =	vld [tilespmem:s22+$0x0]  }
0xf4: {  	v12 =	vld [tilespmem:s22+$0x10]  }
0xf5: {  	v13 =	vld [tilespmem:s22+$0x20]  }
0xf6: {  	v14 =	vld [tilespmem:s22+$0x30]  }
0xf7: {  	v15 =	vld [tilespmem:s22+$0x40]  }
0xf8: {  	v16 =	vld [tilespmem:s22+$0x50]  }
0xf9: {  	v17 =	vld [tilespmem:s22+$0x60]  }
0xfa: {  	v18 =	vld [tilespmem:s22+$0x70]  }
0xfb: {  	v19 =	vld [tilespmem:s22+$0x80]  }
0xfc: {  	v20 =	vld [tilespmem:s22+$0x90]  }
0xfd: {  	v21 =	vld [tilespmem:s22+$0xA0]  }
0xfe: {  	v22 =	vld [tilespmem:s22+$0xB0]  }
0xff: {  	v23 =	vld [tilespmem:s22+$0xC0]  }
0x100: {  	v24 =	vld [tilespmem:s22+$0xD0]  }
0x101: {  	v25 =	vld [tilespmem:s22+$0xE0];
	s30 =	sshll.u32 s23, $0x4  }
0x102: {  	v26 =	vld [tilespmem:s22+$0xF0];
	s24 =	sadd.s32 s21, s30  }
0x103: {  	s23 =	sadd.s32 $0x100, s30;
	v59 =	vor.u32 s30, v1;
	v53 =	vmov s24  }
0x104: {  	s31 =	sadd.s32 s21, s23;
	v60 =	vor.u32 s23, v1;
	v11 =	vadd.f32 v12, v11;
	v46 =	vadd.f32 v14, v13  }
0x105: {  	s21 =	sadd.s32 $0x200, s31;
	v56 =	vshrl.u32 v53, $0x7;
	v47 =	vadd.f32 v16, v15;
	v48 =	vadd.f32 v18, v17  }
0x106: {  	v57 =	vmov s21;
	v49 =	vadd.f32 v20, v19;
	v50 =	vadd.f32 v22, v21  }
0x107: {  	v51 =	vadd.f32 v24, v23;
	v52 =	vadd.f32 v26, v25;
	v14 =	vshll.u32 v56, v2  }
0x108: {  	v15 =	vshrl.u32 v57, $0x7;
	v17 =	vand.u32 $0x7F, v59;
	v14 =	vbroadcast v14, $0x0  }
0x109: {  	v15 =	vshll.u32 v15, v2;
	v11 =	vadd.f32 v46, v11;
	v54 =	vadd.f32 v48, v47  }
0x10a: {  	v55 =	vadd.f32 v50, v49;
	v58 =	vadd.f32 v52, v51;
	v15 =	vbroadcast v15, $0x0  }
0x10b: {  	v61 =	vand.u32 $0x7F, v60;
	v14 =	vor.u32 v17, v14  }
0x10c: {  	v11 =	vadd.f32 v54, v11;
	v62 =	vadd.f32 v58, v55;
	v63 =	vor.u32 v61, v15  }
.Ltmp5:
0x10d: {  	_ = 	snop;
	(pc) =	sbr.rel .LBB2_5-.Ltmp5, $4  }
0x10e: {  	v11 =	vadd.f32 v62, v11  }
0x10f: {  	v9 =	vadd.f32 v10, v9  }
0x110: {  	[tilespmem:v14+s15+$0x0] =	vst.idx.add.f32.msk $0xffff, v11  }
0x111: {  	[tilespmem:v63+s15+$0x0] =	vst.idx.add.f32.msk $0xffff, v9  }
.LBB2_6:
0x112: {  	_ =	swait.ge [sflag:s16], $0x2000  }
.Ltmp6:
0x113: {  	[sflag:s16] =	ssyncset.done $0x0;
	(pc) =	sbr.rel .LBB2_7-.Ltmp6, $4  }
0x114: {  	[sflag:s16] =	ssyncadd.s32 $0xFFFFE000  }
0x115: {  	_ =	swait.ge [sflag:s16], $0x2000  }
0x116: {  	[sflag:s16] =	ssyncset.done $0x0  }
0x117: {  	s19 =	simm.s32 $0x0;
	s20 =	simm.s32 $0x0;
	[sflag:s16] =	ssyncadd.s32 $0xFFFFE000  }
.LBB2_9:
0x118: {  	s23 =	sshll.u32 s23, $0x4  }
0x119: {  	v12 =	vld [tilespmem:s22+$0x2000];
	v13 =	vor.u32 s23, v1;
	_ =	sdelay $0x2  }
0x11a: {  	v14 =	vshll.u32 v11, $0x4  }
0x11b: {  	v15 =	vbroadcast v14, $0x1  }
0x11c: {  	[tilespmem:v13+s15+$0x0] =	vst.idx.add.f32.msk $0xffff, v12  }
0x11d: {  	v34 =	vadd.s32 v3, v15;
	v13 =	vld [tilespmem:s22+$0x2010];
	_ =	sdelay $0x3  }
0x11e: {  	v35 =	vbroadcast v14, $0x2  }
0x11f: {  	[tilespmem:v34+s15+$0x0] =	vst.idx.add.f32.msk $0xffff, v13  }
0x120: {  	v36 =	vadd.s32 v4, v35;
	v13 =	vld [tilespmem:s22+$0x2020];
	_ =	sdelay $0x3  }
0x121: {  	v37 =	vbroadcast v14, $0x3  }
0x122: {  	[tilespmem:v36+s15+$0x0] =	vst.idx.add.f32.msk $0xffff, v13  }
0x123: {  	v38 =	vadd.s32 v5, v37;
	v13 =	vld [tilespmem:s22+$0x2030];
	_ =	sdelay $0x3  }
0x124: {  	v39 =	vbroadcast v14, $0x4  }
0x125: {  	[tilespmem:v38+s15+$0x0] =	vst.idx.add.f32.msk $0xffff, v13  }
0x126: {  	v40 =	vor.u32 v1, v39;
	v12 =	vld [tilespmem:s22+$0x2040];
	_ =	sdelay $0x3  }
0x127: {  	v41 =	vbroadcast v14, $0x5  }
0x128: {  	[tilespmem:v40+s15+$0x0] =	vst.idx.add.f32.msk $0xffff, v12  }
0x129: {  	v42 =	vadd.s32 v3, v41;
	v13 =	vld [tilespmem:s22+$0x2050];
	_ =	sdelay $0x3  }
0x12a: {  	v43 =	vbroadcast v14, $0x6  }
0x12b: {  	[tilespmem:v42+s15+$0x0] =	vst.idx.add.f32.msk $0xffff, v13  }
0x12c: {  	v44 =	vadd.s32 v4, v43;
	v13 =	vld [tilespmem:s22+$0x2060];
	_ =	sdelay $0x3  }
0x12d: {  	v45 =	vbroadcast v14, $0x7  }
0x12e: {  	[tilespmem:v44+s15+$0x0] =	vst.idx.add.f32.msk $0xffff, v13  }
0x12f: {  	v46 =	vadd.s32 v5, v45;
	v13 =	vld [tilespmem:s22+$0x2070];
	_ =	sdelay $0x3  }
0x130: {  	v47 =	vbroadcast v14, $0x8  }
0x131: {  	[tilespmem:v46+s15+$0x0] =	vst.idx.add.f32.msk $0xffff, v13  }
0x132: {  	v48 =	vor.u32 v1, v47;
	v12 =	vld [tilespmem:s22+$0x2080];
	_ =	sdelay $0x3  }
0x133: {  	v49 =	vbroadcast v14, $0x9  }
0x134: {  	[tilespmem:v48+s15+$0x0] =	vst.idx.add.f32.msk $0xffff, v12  }
0x135: {  	v50 =	vadd.s32 v3, v49;
	v13 =	vld [tilespmem:s22+$0x2090];
	_ =	sdelay $0x3  }
0x136: {  	v51 =	vbroadcast v14, $0xA  }
0x137: {  	[tilespmem:v50+s15+$0x0] =	vst.idx.add.f32.msk $0xffff, v13  }
0x138: {  	v52 =	vadd.s32 v4, v51;
	v13 =	vld [tilespmem:s22+$0x20A0];
	_ =	sdelay $0x3  }
0x139: {  	v53 =	vbroadcast v14, $0xB  }
0x13a: {  	[tilespmem:v52+s15+$0x0] =	vst.idx.add.f32.msk $0xffff, v13  }
0x13b: {  	v54 =	vadd.s32 v5, v53;
	v13 =	vld [tilespmem:s22+$0x20B0];
	_ =	sdelay $0x3  }
0x13c: {  	v55 =	vbroadcast v14, $0xC  }
0x13d: {  	[tilespmem:v54+s15+$0x0] =	vst.idx.add.f32.msk $0xffff, v13  }
0x13e: {  	v56 =	vor.u32 v1, v55;
	v12 =	vld [tilespmem:s22+$0x20C0];
	_ =	sdelay $0x1  }
0x13f: {  	(v2sf) =	vpush v14, $0xF;
	_ =	sdelay $0x1  }
0x140: {  	v57 =	vbroadcast v14, $0xD  }
0x141: {  	[tilespmem:v56+s15+$0x0] =	vst.idx.add.f32.msk $0xffff, v12  }
0x142: {  	v58 =	vadd.s32 v3, v57;
	v13 =	vld [tilespmem:s22+$0x20D0];
	_ =	sdelay $0x3  }
0x143: {  	v14 =	vbroadcast v14, $0xE  }
0x144: {  	[tilespmem:v58+s15+$0x0] =	vst.idx.add.f32.msk $0xffff, v13  }
0x145: {  	v59 =	vadd.s32 v4, v14;
	v13 =	vld [tilespmem:s22+$0x20E0];
	_ =	sdelay $0x2  }
0x146: {  	v60 =	vperm.xlane v11, v6  }
0x147: {  	v11 =	vperm.xlane v11, v7  }
0x148: {  	v61 =	vshll.u32 v60, $0x4;
	s30 =	spop (v2sf);
	[tilespmem:v59+s15+$0x0] =	vst.idx.add.f32.msk $0xffff, v13  }
0x149: {  	s31 =	sor.u32 $0x200, s21;
	v11 =	vshll.u32 v11, $0x4;
	v62 =	vadd.s32 s30, v5;
	v12 =	vadd.s32 s21, v61;
	v63 =	vld [tilespmem:s22+$0x20F0]  }
0x14a: {  	v11 =	vadd.s32 s31, v11;
	v12 =	vadd.s32 v8, v12  }
0x14b: {  	v11 =	vadd.s32 v8, v11;
	_ =	sdelay $0x2  }
0x14c: {  	[tilespmem:v62+s15+$0x0] =	vst.idx.add.f32.msk $0xffff, v63  }
0x14d: {  	[tilespmem:v12+s15+$0x0] =	vst.idx.add.f32.msk $0xffff, v9  }
0x14e: {  	[tilespmem:v11+s15+$0x0] =	vst.idx.add.f32.msk $0xffff, v10  }
.LBB2_10:
0x14f: {  	s20 =	sadd.s32 $0x10, s20  }
0x150: {  	p0 =	sne.s32 s20, $0x200  }
.Ltmp7:
0x151: {  	_ = 	snop;
	(pc) =	sbr.rel @!p0 .LBB2_11-.Ltmp7, $2  }
0x152: {  	_ =	sdelay $0x2  }
0x153: {  	s19 =	sadd.s32 $0x400, s19  }
.LBB2_7:
0x154: {  	s21 =	sand.u32 $0x1F0, s20  }
0x155: {  	v11 =	vld [tilespmem:s21+$0x8200];
	_ =	sdelay $0x4  }
0x156: {  	v9 =	vbroadcast v11, $0x0;
	_ =	sdelay $0x1  }
0x157: {  	vm0 =	veq.s32 v11, v9  }
0x158: {  	v9 =	vmpcnt.ones.xlane vm0  }
0x159: {  	(v2sf) =	vpush v11, $0x0  }
0x15a: {  	(v2sf) =	vpush v9, $0x0;
	_ =	sdelay $0xd  }
0x15b: {  	s23 =	spop (v2sf)  }
0x15c: {  	s31 =	spop (v2sf)  }
0x15d: {  	p0 =	sne.s32 s31, $0x10  }
.Ltmp8:
0x15e: {  	_ = 	snop;
	(pc) =	sbr.rel @p0 .LBB2_9-.Ltmp8, $4  }
0x15f: {  	_ = 	snop  }
0x160: {  	s22 =	sshra.s32 s19, $0x2  }
0x161: {  	v10 =	vld [tilespmem:s22+$0x6080]  }
0x162: {  	s21 =	sand.u32 $0x400, s19;
	v9 =	vld [tilespmem:s22+$0x6000]  }
0x163: {  	v11 =	vld [tilespmem:s22+$0x2000]  }
0x164: {  	v12 =	vld [tilespmem:s22+$0x2010]  }
0x165: {  	v13 =	vld [tilespmem:s22+$0x2020]  }
0x166: {  	v14 =	vld [tilespmem:s22+$0x2030]  }
0x167: {  	v15 =	vld [tilespmem:s22+$0x2040]  }
0x168: {  	v16 =	vld [tilespmem:s22+$0x2050]  }
0x169: {  	v17 =	vld [tilespmem:s22+$0x2060]  }
0x16a: {  	v18 =	vld [tilespmem:s22+$0x2070]  }
0x16b: {  	v19 =	vld [tilespmem:s22+$0x2080]  }
0x16c: {  	v20 =	vld [tilespmem:s22+$0x2090]  }
0x16d: {  	v21 =	vld [tilespmem:s22+$0x20A0]  }
0x16e: {  	v22 =	vld [tilespmem:s22+$0x20B0]  }
0x16f: {  	v23 =	vld [tilespmem:s22+$0x20C0]  }
0x170: {  	v24 =	vld [tilespmem:s22+$0x20D0]  }
0x171: {  	v25 =	vld [tilespmem:s22+$0x20E0];
	s30 =	sshll.u32 s23, $0x4  }
0x172: {  	v26 =	vld [tilespmem:s22+$0x20F0];
	s24 =	sadd.s32 s21, s30  }
0x173: {  	s23 =	sadd.s32 $0x100, s30;
	v59 =	vor.u32 s30, v1;
	v53 =	vmov s24  }
0x174: {  	s31 =	sadd.s32 s21, s23;
	v60 =	vor.u32 s23, v1;
	v11 =	vadd.f32 v12, v11;
	v46 =	vadd.f32 v14, v13  }
0x175: {  	s21 =	sadd.s32 $0x200, s31;
	v56 =	vshrl.u32 v53, $0x7;
	v47 =	vadd.f32 v16, v15;
	v48 =	vadd.f32 v18, v17  }
0x176: {  	v57 =	vmov s21;
	v49 =	vadd.f32 v20, v19;
	v50 =	vadd.f32 v22, v21  }
0x177: {  	v51 =	vadd.f32 v24, v23;
	v52 =	vadd.f32 v26, v25;
	v14 =	vshll.u32 v56, v2  }
0x178: {  	v15 =	vshrl.u32 v57, $0x7;
	v17 =	vand.u32 $0x7F, v59;
	v14 =	vbroadcast v14, $0x0  }
0x179: {  	v15 =	vshll.u32 v15, v2;
	v11 =	vadd.f32 v46, v11;
	v54 =	vadd.f32 v48, v47  }
0x17a: {  	v55 =	vadd.f32 v50, v49;
	v58 =	vadd.f32 v52, v51;
	v15 =	vbroadcast v15, $0x0  }
0x17b: {  	v61 =	vand.u32 $0x7F, v60;
	v14 =	vor.u32 v17, v14  }
0x17c: {  	v11 =	vadd.f32 v54, v11;
	v62 =	vadd.f32 v58, v55;
	v63 =	vor.u32 v61, v15  }
.Ltmp9:
0x17d: {  	_ = 	snop;
	(pc) =	sbr.rel .LBB2_10-.Ltmp9, $4  }
0x17e: {  	v11 =	vadd.f32 v62, v11  }
0x17f: {  	v9 =	vadd.f32 v10, v9  }
0x180: {  	[tilespmem:v14+s15+$0x0] =	vst.idx.add.f32.msk $0xffff, v11  }
0x181: {  	[tilespmem:v63+s15+$0x0] =	vst.idx.add.f32.msk $0xffff, v9  }
.LBB2_12:
0x182: {  	_ =	sfence.sel $0x180000  }
0x183: {  	[bflag:$0x0] =	sbarrier.arrive $0xFFFF  }
0x184: {  	p0 =	sne.s32 s1, $0x0;
	_ =	strace $0x90000047  }
0x185: {  	s0 =	sadd.s32 @!p0 $0x100000, s0;
	[bflag:$0x2] =	sbarrier.arrive $0xFFFF  }
0x186: {  	[sflag:s0] =	ssyncadd.tile.s32 @!p0 $0x1;
	_ =	shalt  }
.Lfunc_end2:
_tile_overlayer_lowered:
.L_overlay_start_2:
0x187: {  	(tag) =	ssettag $0x2  }
0x188: {  	s0 =	rddreg [dreg:$0x0];
	s2 =	stileid.u32  }
0x189: {  	s1 =	rddreg [dreg:$0x1];
	p0 =	sne.s32 s2, $0x0  }
0x18a: {  	s3 =	rddreg [dreg:$0x2];
	[bflag:$0x3] =	sbarrier.arrive $0xFFFF;
	s2 =	simm.s32 @!p0 $0x1C04  }
0x18b: {  	[timem:s3], [sflag:s2] =	dma.local @!p0 [hbm:s0], s1  }
0x18c: {  	s0 =	simm.s32 @!p0 $0x4  }
0x18d: {  	_ =	swait.ge @!p0 [sflag:s0], s1  }
0x18e: {  	s1 =	ssub.s32 @!p0 $0x0, s1;
	[sflag:s0] =	ssyncset.done @!p0 $0x0  }
0x18f: {  	[sflag:s0] =	ssyncadd.s32 @!p0 s1  }
0x190: {  	[bflag:$0x3] =	sbarrier.arrive $0xFFFF  }
0x191: {  	_ =	shalt  }

</sc_bundles>
